<compile_context>
chip_gen: v7x
topology: tpu7x:2x2x1
jax: 0.10.2.dev20260603
libtpu: 0.0.44.dev20260713+nightly
codegen_flags: <defaults>
</compile_context>

<pallas_src>
import functools

import jax
import jax.numpy as jnp
from jax import lax
from jax.experimental import pallas as pl
from jax.experimental.pallas import tpu as pltpu
from jax.experimental.pallas import tpu_sc as plsc

N = 10000
E = 320000
D = 128
R = 8
NB = 4
R1 = R + 1

NC = 2
NS = 16
NW = NC * NS
EPW = E // NW
C = 80
NCHUNK = EPW // C
RSTRIDE = 624
RSIZE = 640

BN = 2000
NBLK = N // BN


GROWS = NBLK * 8
GCOLS = E // GROWS


def _transform(xs, coeff, V, W_loop, idx2=None):
    n_in = len(xs)
    with_gidx = idx2 is not None

    def body(*refs):
        coeff_ref = refs[0]
        v_ref = refs[1]
        wl_ref = refs[2]
        x_refs = refs[3:3 + n_in]
        rest = refs[3 + n_in:]
        if with_gidx:
            s_ref, e_ref, o_ref, g_ref, w_scr = rest
        else:
            (o_ref, w_scr) = rest[:2]
        nb = pl.program_id(0)

        @pl.when(nb == 0)
        def _():
            for r in range(R):
                w = coeff_ref[r, 0] * v_ref[0]
                for b in range(1, NB):
                    w = w + coeff_ref[r, b] * v_ref[b]
                w_scr[r] = w
            w_scr[R] = wl_ref[...]

        if with_gidx:
            g_ref[...] = e_ref[...] * N + s_ref[...]

        x = x_refs[0][...]
        for xr in x_refs[1:]:
            x = x + xr[...]
        for r in range(R1):
            o_ref[r] = jnp.dot(x, w_scr[r], preferred_element_type=jnp.float32)

    in_specs = [
        pl.BlockSpec(memory_space=pltpu.SMEM),
        pl.BlockSpec((NB, D, D), lambda nb: (0, 0, 0)),
        pl.BlockSpec((D, D), lambda nb: (0, 0)),
    ]
    in_specs += [
        pl.BlockSpec((BN, D), functools.partial(lambda off, nb: (off + nb, 0), off))
        for (_, off) in xs
    ]
    args = [coeff, V, W_loop] + [a for (a, _) in xs]
    out_shape = jax.ShapeDtypeStruct((R1, N, D), jnp.float32)
    out_specs = pl.BlockSpec((R1, BN, D), lambda nb: (0, nb, 0))
    if with_gidx:
        in_specs += [
            pl.BlockSpec((8, GCOLS), lambda nb: (nb, 0)),
            pl.BlockSpec((8, GCOLS), lambda nb: (nb, 0)),
        ]
        args += [idx2[0], idx2[1]]
        out_shape = (out_shape,
                     jax.ShapeDtypeStruct((GROWS, GCOLS), jnp.int32))
        out_specs = (out_specs, pl.BlockSpec((8, GCOLS), lambda nb: (nb, 0)))

    out = pl.pallas_call(
        body,
        grid=(NBLK,),
        out_shape=out_shape,
        in_specs=in_specs,
        out_specs=out_specs,
        scratch_shapes=[pltpu.VMEM((R1, D, D), jnp.float32)],
    )(*args)
    if with_gidx:
        return out[0].reshape(R1 * N, D), out[1]
    return out.reshape(R1 * N, D)


def _sc_message(Y, gidx, dst3):
    mesh = plsc.VectorSubcoreMesh(
        core_axis_name="c", subcore_axis_name="s",
        num_cores=NC, num_subcores=NS)

    @functools.partial(
        pl.kernel,
        out_type=jax.ShapeDtypeStruct((NC * N, D), jnp.float32),
        mesh=mesh,
        scratch_types=[
            pltpu.VMEM((NCHUNK, C), jnp.int32),
            pltpu.VMEM((EPW,), jnp.int32),
            pltpu.VMEM((C, D), jnp.float32),
            pltpu.VMEM((C, D), jnp.float32),
            pltpu.VMEM_SHARED((N, D), jnp.float32),
            pltpu.SemaphoreType.DMA,
            pltpu.SemaphoreType.DMA,
        ],
    )
    def k(y_hbm, gidx_hbm, dst_hbm, out_hbm,
          dstm, gidxv, rows0, rows1, agg, gs0, gs1):
        c = lax.axis_index("c")
        s = lax.axis_index("s")
        wid = c * NS + s
        row0 = s * RSTRIDE
        ebase = wid * EPW

        cp_gi = pltpu.async_copy(gidx_hbm.at[pl.ds(ebase, EPW)], gidxv, gs0)
        cp_dm = pltpu.async_copy(dst_hbm.at[wid], dstm, gs1)
        def zr(i, carry):
            for jj in range(D // 16):
                rows0[i, pl.ds(jj * 16, 16)] = jnp.zeros((16,), jnp.float32)
            return carry
        lax.fori_loop(0, C, zr, 0)
        for t in range(RSIZE // C):
            pltpu.sync_copy(rows0, agg.at[pl.ds(row0 + t * C, C)])
        cp_gi.wait()
        cp_dm.wait()

        plsc.subcore_barrier()

        wg0 = pltpu.make_async_copy(y_hbm.at[gidxv.at[pl.ds(0, C)]], rows0, gs0)
        wg1 = pltpu.make_async_copy(y_hbm.at[gidxv.at[pl.ds(0, C)]], rows1, gs1)
        pltpu.async_copy(y_hbm.at[gidxv.at[pl.ds(0, C)]], rows0, gs0)
        pltpu.async_copy(y_hbm.at[gidxv.at[pl.ds(C, C)]], rows1, gs1)

        def pair(jj, carry):
            j0 = 2 * jj
            wg0.wait()
            pltpu.sync_copy(rows0, agg.at[dstm.at[j0]], add=True)
            pltpu.async_copy(
                y_hbm.at[gidxv.at[pl.ds((j0 + 2) * C, C)]], rows0, gs0)
            wg1.wait()
            pltpu.sync_copy(rows1, agg.at[dstm.at[j0 + 1]], add=True)

            @pl.when(jj < (NCHUNK - 3) // 2)
            def _():
                pltpu.async_copy(
                    y_hbm.at[gidxv.at[pl.ds((j0 + 3) * C, C)]], rows1, gs1)
            return carry

        lax.fori_loop(0, (NCHUNK - 1) // 2, pair, 0)
        wg0.wait()
        pltpu.sync_copy(rows0, agg.at[dstm.at[NCHUNK - 1]], add=True)

        plsc.subcore_barrier()
        pltpu.sync_copy(agg.at[pl.ds(row0, RSIZE)],
                        out_hbm.at[pl.ds(c * N + row0, RSIZE)])

    return k(Y, gidx, dst3)


def _final_add(P, Y):
    def body(p0_ref, p1_ref, l_ref, o_ref):
        o_ref[...] = p0_ref[...] + p1_ref[...] + l_ref[...]

    return pl.pallas_call(
        body,
        grid=(NBLK,),
        out_shape=jax.ShapeDtypeStruct((N, D), jnp.float32),
        in_specs=[
            pl.BlockSpec((BN, D), lambda i: (i, 0)),
            pl.BlockSpec((BN, D), lambda i: (NBLK + i, 0)),
            pl.BlockSpec((BN, D), lambda i: (R * NBLK + i, 0)),
        ],
        out_specs=pl.BlockSpec((BN, D), lambda i: (i, 0)),
    )(P, P, Y)


@jax.jit
def kernel(emb, edge_index, etype, V, coeff, W_loop):
    src2 = edge_index[0].reshape(GROWS, GCOLS)
    et2 = etype.reshape(GROWS, GCOLS)
    dst3 = edge_index[1].reshape(NW, NCHUNK, C)

    Y1, gidx2 = _transform([(emb, 0)], coeff, V, W_loop,
                           idx2=(src2, et2))
    gidx = gidx2.reshape(E)
    P1 = _sc_message(Y1, gidx, dst3)
    Y2 = _transform(
        [(P1, 0), (P1, NBLK), (Y1, R * NBLK), (emb, 0)], coeff, V, W_loop)
    P2 = _sc_message(Y2, gidx, dst3)
    return _final_add(P2, Y2)

# --- scband reference (transcript-rebuilt; emitter-appended) ---
"""Pipeline reference for scband-rgcn-model-11845519803042 (READ-ONLY COPY).

The authoritative reference and input builder live on the scoring server;
editing this copy changes nothing except your own understanding.
"""

import jax, jax.numpy as jnp
import numpy as np

N = 10000   # n_nodes
E = 320000  # n_edges
D = 128     # hiden_dim
R = 8       # num_rels
NB = 4      # num_bases


def setup_inputs(seed: int = 0) -> dict:
    key = jax.random.key(seed)
    ks = jax.random.split(key, 6)
    emb = jax.random.normal(ks[0], (N, D), dtype=jnp.float32) * 0.02
    edge_index = jax.random.randint(ks[1], (2, E), 0, N, dtype=jnp.int32)
    etype = jax.random.randint(ks[2], (E,), 0, R, dtype=jnp.int32)
    V = jax.random.normal(ks[3], (NB, D, D), dtype=jnp.float32) * 0.05
    coeff = jax.random.normal(ks[4], (R, NB), dtype=jnp.float32) * 0.5
    W_loop = jax.random.normal(ks[5], (D, D), dtype=jnp.float32) * 0.05
    return {"emb": emb, "edge_index": edge_index, "etype": etype,
            "V": V, "coeff": coeff, "W_loop": W_loop}


def reference(emb, edge_index, etype, V, coeff, W_loop):
    # Faithful RGCN forward (DGL RelGraphConv, basis regularizer):
    #   x = emb.weight
    #   h = conv1(g, x, etype)
    #   h = conv1(g, h + x, etype)   # note: original code re-uses conv1
    # conv1: message m_e = W_{r(e)} h_src(e) with basis decomposition
    #        W_r = sum_b coeff[r, b] * V_b; aggregation = sum over incoming
    #        edges; self_loop adds x @ W_loop; bias=False, activation=None.
    src = edge_index[0]
    dst = edge_index[1]
    ce = coeff[etype]  # [E, NB] per-edge basis coefficients

    def layer(x):
        msg = jnp.zeros((E, D), dtype=x.dtype)
        for b in range(NB):
            xb = x @ V[b]                      # [N, D] per-basis transform
            msg = msg + ce[:, b:b + 1] * xb[src]  # gather + weight
        agg = jax.ops.segment_sum(msg, dst, num_segments=N)  # scatter-add
        return agg + x @ W_loop                # self-loop

    x = emb
    h = layer(x)
    h = layer(h + x)
    return h

if __name__ == "__main__":
    import jax
    _d = setup_inputs()
    print(jax.jit(kernel)(*tuple(_d.values())))

</pallas_src>

<mosaic_0001>
#map = affine_map<(d0, d1) -> (0, 0)>
#map1 = affine_map<(d0, d1) -> (0)>
#map2 = affine_map<(d0, d1) -> (0, 0, 0)>
module attributes {stable_mosaic.version = 14 : i64} {
  func.func @k(%arg0: i32, %arg1: i32, %arg2: memref<90000x128xf32, #tpu.memory_space<hbm>>, %arg3: memref<320000xi32, #tpu.memory_space<hbm>>, %arg4: memref<32x125x80xi32, #tpu.memory_space<hbm>>, %arg5: memref<20000x128xf32, #tpu.memory_space<hbm>>, %arg6: memref<125x80xi32, #tpu.memory_space<vmem>>, %arg7: memref<10000xi32, #tpu.memory_space<vmem>>, %arg8: memref<80x128xf32, #tpu.memory_space<vmem>>, %arg9: memref<80x128xf32, #tpu.memory_space<vmem>>, %arg10: memref<10000x128xf32, #tpu.memory_space<vmem_shared>>, %arg11: memref<!tpu.dma_semaphore, #tpu.memory_space<semaphore_mem>>, %arg12: memref<!tpu.dma_semaphore, #tpu.memory_space<semaphore_mem>>) attributes {dimension_semantics = [#tpu.dimension_semantics<core_parallel>, #tpu.dimension_semantics<subcore_parallel>], iteration_bounds = array<i64: 2, 16>, scalar_prefetch = 0 : i64, scratch_operands = 7 : i64, tpu.core_type = #tpu.core_type<sc_vector_subcore>, window_params = [{transform_indices = #map}, {transform_indices = #map1}, {transform_indices = #map2}, {transform_indices = #map}]} {
    %mul3A = arith.constant 16 : i32
    %mul3A_0 = arith.muli %arg0, %mul3A : i32
    %add3A = arith.addi %mul3A_0, %arg1 : i32
    %mul3A_1 = arith.constant 624 : i32
    %mul3A_2 = arith.muli %arg1, %mul3A_1 : i32
    %mul3A_3 = arith.constant 10000 : i32
    %mul3A_4 = arith.muli %add3A, %mul3A_3 : i32
    %dma_start3A = tpu.memref_slice %arg3[%mul3A_4] : memref<320000xi32, #tpu.memory_space<hbm>> -> memref<10000xi32, #tpu.memory_space<hbm>>
    %dma_start3A_5 = tpu.memref_slice %arg3[%mul3A_4] : memref<320000xi32, #tpu.memory_space<hbm>> -> memref<10000xi32, #tpu.memory_space<hbm>>
    tpu.enqueue_dma source(%dma_start3A_5 : memref<10000xi32, #tpu.memory_space<hbm>>) target(%arg7 : memref<10000xi32, #tpu.memory_space<vmem>>) target_semaphore(%arg11 : memref<!tpu.dma_semaphore, #tpu.memory_space<semaphore_mem>>)
    %dma_start3A_6 = arith.constant 0 : i32
    %dma_start3A_7 = arith.constant 0 : i32
    %dma_start3A_8 = tpu.memref_slice %arg4[%add3A, %dma_start3A_6, %dma_start3A_7] : memref<32x125x80xi32, #tpu.memory_space<hbm>> -> memref<1x125x80xi32, #tpu.memory_space<hbm>>
    %dma_start3A_9 = tpu.memref_squeeze %dma_start3A_8 : memref<1x125x80xi32, #tpu.memory_space<hbm>> -> memref<125x80xi32, #tpu.memory_space<hbm>>
    %dma_start3A_10 = arith.constant 0 : i32
    %dma_start3A_11 = arith.constant 0 : i32
    %dma_start3A_12 = tpu.memref_slice %arg4[%add3A, %dma_start3A_10, %dma_start3A_11] : memref<32x125x80xi32, #tpu.memory_space<hbm>> -> memref<1x125x80xi32, #tpu.memory_space<hbm>>
    %dma_start3A_13 = tpu.memref_squeeze %dma_start3A_12 : memref<1x125x80xi32, #tpu.memory_space<hbm>> -> memref<125x80xi32, #tpu.memory_space<hbm>>
    tpu.enqueue_dma source(%dma_start3A_13 : memref<125x80xi32, #tpu.memory_space<hbm>>) target(%arg6 : memref<125x80xi32, #tpu.memory_space<vmem>>) target_semaphore(%arg12 : memref<!tpu.dma_semaphore, #tpu.memory_space<semaphore_mem>>)
    %scan3A = arith.constant 0 : i32
    %scan3A_14 = arith.constant 0 : i32
    %scan3A_15 = arith.constant 80 : i32
    %scan3A_16 = arith.addi %scan3A_14, %scan3A_15 : i32
    %scan3A_17 = arith.constant 1 : i32
    scf.for %scan3A_69 = %scan3A_14 to %scan3A_16 step %scan3A_17  : i32 {
      %broadcast_in_dim3A = arith.constant 0.000000e+00 : f32
      %broadcast_in_dim3A_70 = vector.broadcast %broadcast_in_dim3A : f32 to vector<16xf32>
      %swap3A = arith.index_cast %scan3A_69 : i32 to index
      %swap3A_71 = arith.constant 0 : index
      %swap3A_72 = tpu.vector_load %arg8[%swap3A, %swap3A_71] {strides = array<i32>} : memref<80x128xf32, #tpu.memory_space<vmem>>, vector<1x16xf32>,
      %swap3A_73 = vector.shape_cast %swap3A_72 : vector<1x16xf32> to vector<16xf32>
      %swap3A_74 = vector.shape_cast %broadcast_in_dim3A_70 : vector<16xf32> to vector<1x16xf32>
      tpu.vector_store %arg8[%swap3A, %swap3A_71], %swap3A_74 {strides = array<i32>} : memref<80x128xf32, #tpu.memory_space<vmem>>, vector<1x16xf32>,
      %broadcast_in_dim3A_75 = arith.constant 0.000000e+00 : f32
      %broadcast_in_dim3A_76 = vector.broadcast %broadcast_in_dim3A_75 : f32 to vector<16xf32>
      %swap3A_77 = arith.index_cast %scan3A_69 : i32 to index
      %swap3A_78 = arith.constant 16 : index
      %swap3A_79 = tpu.vector_load %arg8[%swap3A_77, %swap3A_78] {strides = array<i32>} : memref<80x128xf32, #tpu.memory_space<vmem>>, vector<1x16xf32>,
      %swap3A_80 = vector.shape_cast %swap3A_79 : vector<1x16xf32> to vector<16xf32>
      %swap3A_81 = vector.shape_cast %broadcast_in_dim3A_76 : vector<16xf32> to vector<1x16xf32>
      tpu.vector_store %arg8[%swap3A_77, %swap3A_78], %swap3A_81 {strides = array<i32>} : memref<80x128xf32, #tpu.memory_space<vmem>>, vector<1x16xf32>,
      %broadcast_in_dim3A_82 = arith.constant 0.000000e+00 : f32
      %broadcast_in_dim3A_83 = vector.broadcast %broadcast_in_dim3A_82 : f32 to vector<16xf32>
      %swap3A_84 = arith.index_cast %scan3A_69 : i32 to index
      %swap3A_85 = arith.constant 32 : index
      %swap3A_86 = tpu.vector_load %arg8[%swap3A_84, %swap3A_85] {strides = array<i32>} : memref<80x128xf32, #tpu.memory_space<vmem>>, vector<1x16xf32>,
      %swap3A_87 = vector.shape_cast %swap3A_86 : vector<1x16xf32> to vector<16xf32>
      %swap3A_88 = vector.shape_cast %broadcast_in_dim3A_83 : vector<16xf32> to vector<1x16xf32>
      tpu.vector_store %arg8[%swap3A_84, %swap3A_85], %swap3A_88 {strides = array<i32>} : memref<80x128xf32, #tpu.memory_space<vmem>>, vector<1x16xf32>,
      %broadcast_in_dim3A_89 = arith.constant 0.000000e+00 : f32
      %broadcast_in_dim3A_90 = vector.broadcast %broadcast_in_dim3A_89 : f32 to vector<16xf32>
      %swap3A_91 = arith.index_cast %scan3A_69 : i32 to index
      %swap3A_92 = arith.constant 48 : index
      %swap3A_93 = tpu.vector_load %arg8[%swap3A_91, %swap3A_92] {strides = array<i32>} : memref<80x128xf32, #tpu.memory_space<vmem>>, vector<1x16xf32>,
      %swap3A_94 = vector.shape_cast %swap3A_93 : vector<1x16xf32> to vector<16xf32>
      %swap3A_95 = vector.shape_cast %broadcast_in_dim3A_90 : vector<16xf32> to vector<1x16xf32>
      tpu.vector_store %arg8[%swap3A_91, %swap3A_92], %swap3A_95 {strides = array<i32>} : memref<80x128xf32, #tpu.memory_space<vmem>>, vector<1x16xf32>,
      %broadcast_in_dim3A_96 = arith.constant 0.000000e+00 : f32
      %broadcast_in_dim3A_97 = vector.broadcast %broadcast_in_dim3A_96 : f32 to vector<16xf32>
      %swap3A_98 = arith.index_cast %scan3A_69 : i32 to index
      %swap3A_99 = arith.constant 64 : index
      %swap3A_100 = tpu.vector_load %arg8[%swap3A_98, %swap3A_99] {strides = array<i32>} : memref<80x128xf32, #tpu.memory_space<vmem>>, vector<1x16xf32>,
      %swap3A_101 = vector.shape_cast %swap3A_100 : vector<1x16xf32> to vector<16xf32>
      %swap3A_102 = vector.shape_cast %broadcast_in_dim3A_97 : vector<16xf32> to vector<1x16xf32>
      tpu.vector_store %arg8[%swap3A_98, %swap3A_99], %swap3A_102 {strides = array<i32>} : memref<80x128xf32, #tpu.memory_space<vmem>>, vector<1x16xf32>,
      %broadcast_in_dim3A_103 = arith.constant 0.000000e+00 : f32
      %broadcast_in_dim3A_104 = vector.broadcast %broadcast_in_dim3A_103 : f32 to vector<16xf32>
      %swap3A_105 = arith.index_cast %scan3A_69 : i32 to index
      %swap3A_106 = arith.constant 80 : index
      %swap3A_107 = tpu.vector_load %arg8[%swap3A_105, %swap3A_106] {strides = array<i32>} : memref<80x128xf32, #tpu.memory_space<vmem>>, vector<1x16xf32>,
      %swap3A_108 = vector.shape_cast %swap3A_107 : vector<1x16xf32> to vector<16xf32>
      %swap3A_109 = vector.shape_cast %broadcast_in_dim3A_104 : vector<16xf32> to vector<1x16xf32>
      tpu.vector_store %arg8[%swap3A_105, %swap3A_106], %swap3A_109 {strides = array<i32>} : memref<80x128xf32, #tpu.memory_space<vmem>>, vector<1x16xf32>,
      %broadcast_in_dim3A_110 = arith.constant 0.000000e+00 : f32
      %broadcast_in_dim3A_111 = vector.broadcast %broadcast_in_dim3A_110 : f32 to vector<16xf32>
      %swap3A_112 = arith.index_cast %scan3A_69 : i32 to index
      %swap3A_113 = arith.constant 96 : index
      %swap3A_114 = tpu.vector_load %arg8[%swap3A_112, %swap3A_113] {strides = array<i32>} : memref<80x128xf32, #tpu.memory_space<vmem>>, vector<1x16xf32>,
      %swap3A_115 = vector.shape_cast %swap3A_114 : vector<1x16xf32> to vector<16xf32>
      %swap3A_116 = vector.shape_cast %broadcast_in_dim3A_111 : vector<16xf32> to vector<1x16xf32>
      tpu.vector_store %arg8[%swap3A_112, %swap3A_113], %swap3A_116 {strides = array<i32>} : memref<80x128xf32, #tpu.memory_space<vmem>>, vector<1x16xf32>,
      %broadcast_in_dim3A_117 = arith.constant 0.000000e+00 : f32
      %broadcast_in_dim3A_118 = vector.broadcast %broadcast_in_dim3A_117 : f32 to vector<16xf32>
      %swap3A_119 = arith.index_cast %scan3A_69 : i32 to index
      %swap3A_120 = arith.constant 112 : index
      %swap3A_121 = tpu.vector_load %arg8[%swap3A_119, %swap3A_120] {strides = array<i32>} : memref<80x128xf32, #tpu.memory_space<vmem>>, vector<1x16xf32>,
      %swap3A_122 = vector.shape_cast %swap3A_121 : vector<1x16xf32> to vector<16xf32>
      %swap3A_123 = vector.shape_cast %broadcast_in_dim3A_118 : vector<16xf32> to vector<1x16xf32>
      tpu.vector_store %arg8[%swap3A_119, %swap3A_120], %swap3A_123 {strides = array<i32>} : memref<80x128xf32, #tpu.memory_space<vmem>>, vector<1x16xf32>,
    }
    %scan3A_18 = arith.constant 80 : i32
    %add3A_19 = arith.constant 0 : i32
    %add3A_20 = arith.addi %mul3A_2, %add3A_19 : i32
    "tpu.region"() ({
      %run_scoped3A_69 = tpu.sem_alloc : memref<!tpu.dma_semaphore, #tpu.memory_space<semaphore_mem>>
      %dma_start3A_70 = arith.constant 0 : i32
      %dma_start3A_71 = tpu.memref_slice %arg10[%add3A_20, %dma_start3A_70] : memref<10000x128xf32, #tpu.memory_space<vmem_shared>> -> memref<80x128xf32, #tpu.memory_space<vmem_shared>>
      %dma_start3A_72 = arith.constant 0 : i32
      %dma_start3A_73 = tpu.memref_slice %arg10[%add3A_20, %dma_start3A_72] : memref<10000x128xf32, #tpu.memory_space<vmem_shared>> -> memref<80x128xf32, #tpu.memory_space<vmem_shared>>
      tpu.enqueue_dma source(%arg8 : memref<80x128xf32, #tpu.memory_space<vmem>>) target(%dma_start3A_73 : memref<80x128xf32, #tpu.memory_space<vmem_shared>>) target_semaphore(%run_scoped3A_69 : memref<!tpu.dma_semaphore, #tpu.memory_space<semaphore_mem>>)
      %dma_wait3A_74 = arith.constant 0 : i32
      %dma_wait3A_75 = tpu.memref_slice %arg10[%add3A_20, %dma_wait3A_74] : memref<10000x128xf32, #tpu.memory_space<vmem_shared>> -> memref<80x128xf32, #tpu.memory_space<vmem_shared>>
      %dma_wait3A_76 = arith.constant 0 : i32
      %dma_wait3A_77 = tpu.memref_slice %arg10[%add3A_20, %dma_wait3A_76] : memref<10000x128xf32, #tpu.memory_space<vmem_shared>> -> memref<80x128xf32, #tpu.memory_space<vmem_shared>>
      tpu.wait_dma2 semaphore(%run_scoped3A_69 : memref<!tpu.dma_semaphore, #tpu.memory_space<semaphore_mem>>) src(%arg8 : memref<80x128xf32, #tpu.memory_space<vmem>>) dst(%dma_wait3A_77 : memref<80x128xf32, #tpu.memory_space<vmem_shared>>)
      tpu.yield
    }) : () -> ()
    %add3A_21 = arith.constant 80 : i32
    %add3A_22 = arith.addi %mul3A_2, %add3A_21 : i32
    "tpu.region"() ({
      %run_scoped3A_69 = tpu.sem_alloc : memref<!tpu.dma_semaphore, #tpu.memory_space<semaphore_mem>>
      %dma_start3A_70 = arith.constant 0 : i32
      %dma_start3A_71 = tpu.memref_slice %arg10[%add3A_22, %dma_start3A_70] : memref<10000x128xf32, #tpu.memory_space<vmem_shared>> -> memref<80x128xf32, #tpu.memory_space<vmem_shared>>
      %dma_start3A_72 = arith.constant 0 : i32
      %dma_start3A_73 = tpu.memref_slice %arg10[%add3A_22, %dma_start3A_72] : memref<10000x128xf32, #tpu.memory_space<vmem_shared>> -> memref<80x128xf32, #tpu.memory_space<vmem_shared>>
      tpu.enqueue_dma source(%arg8 : memref<80x128xf32, #tpu.memory_space<vmem>>) target(%dma_start3A_73 : memref<80x128xf32, #tpu.memory_space<vmem_shared>>) target_semaphore(%run_scoped3A_69 : memref<!tpu.dma_semaphore, #tpu.memory_space<semaphore_mem>>)
      %dma_wait3A_74 = arith.constant 0 : i32
      %dma_wait3A_75 = tpu.memref_slice %arg10[%add3A_22, %dma_wait3A_74] : memref<10000x128xf32, #tpu.memory_space<vmem_shared>> -> memref<80x128xf32, #tpu.memory_space<vmem_shared>>
      %dma_wait3A_76 = arith.constant 0 : i32
      %dma_wait3A_77 = tpu.memref_slice %arg10[%add3A_22, %dma_wait3A_76] : memref<10000x128xf32, #tpu.memory_space<vmem_shared>> -> memref<80x128xf32, #tpu.memory_space<vmem_shared>>
      tpu.wait_dma2 semaphore(%run_scoped3A_69 : memref<!tpu.dma_semaphore, #tpu.memory_space<semaphore_mem>>) src(%arg8 : memref<80x128xf32, #tpu.memory_space<vmem>>) dst(%dma_wait3A_77 : memref<80x128xf32, #tpu.memory_space<vmem_shared>>)
      tpu.yield
    }) : () -> ()
    %add3A_23 = arith.constant 160 : i32
    %add3A_24 = arith.addi %mul3A_2, %add3A_23 : i32
    "tpu.region"() ({
      %run_scoped3A_69 = tpu.sem_alloc : memref<!tpu.dma_semaphore, #tpu.memory_space<semaphore_mem>>
      %dma_start3A_70 = arith.constant 0 : i32
      %dma_start3A_71 = tpu.memref_slice %arg10[%add3A_24, %dma_start3A_70] : memref<10000x128xf32, #tpu.memory_space<vmem_shared>> -> memref<80x128xf32, #tpu.memory_space<vmem_shared>>
      %dma_start3A_72 = arith.constant 0 : i32
      %dma_start3A_73 = tpu.memref_slice %arg10[%add3A_24, %dma_start3A_72] : memref<10000x128xf32, #tpu.memory_space<vmem_shared>> -> memref<80x128xf32, #tpu.memory_space<vmem_shared>>
      tpu.enqueue_dma source(%arg8 : memref<80x128xf32, #tpu.memory_space<vmem>>) target(%dma_start3A_73 : memref<80x128xf32, #tpu.memory_space<vmem_shared>>) target_semaphore(%run_scoped3A_69 : memref<!tpu.dma_semaphore, #tpu.memory_space<semaphore_mem>>)
      %dma_wait3A_74 = arith.constant 0 : i32
      %dma_wait3A_75 = tpu.memref_slice %arg10[%add3A_24, %dma_wait3A_74] : memref<10000x128xf32, #tpu.memory_space<vmem_shared>> -> memref<80x128xf32, #tpu.memory_space<vmem_shared>>
      %dma_wait3A_76 = arith.constant 0 : i32
      %dma_wait3A_77 = tpu.memref_slice %arg10[%add3A_24, %dma_wait3A_76] : memref<10000x128xf32, #tpu.memory_space<vmem_shared>> -> memref<80x128xf32, #tpu.memory_space<vmem_shared>>
      tpu.wait_dma2 semaphore(%run_scoped3A_69 : memref<!tpu.dma_semaphore, #tpu.memory_space<semaphore_mem>>) src(%arg8 : memref<80x128xf32, #tpu.memory_space<vmem>>) dst(%dma_wait3A_77 : memref<80x128xf32, #tpu.memory_space<vmem_shared>>)
      tpu.yield
    }) : () -> ()
    %add3A_25 = arith.constant 240 : i32
    %add3A_26 = arith.addi %mul3A_2, %add3A_25 : i32
    "tpu.region"() ({
      %run_scoped3A_69 = tpu.sem_alloc : memref<!tpu.dma_semaphore, #tpu.memory_space<semaphore_mem>>
      %dma_start3A_70 = arith.constant 0 : i32
      %dma_start3A_71 = tpu.memref_slice %arg10[%add3A_26, %dma_start3A_70] : memref<10000x128xf32, #tpu.memory_space<vmem_shared>> -> memref<80x128xf32, #tpu.memory_space<vmem_shared>>
      %dma_start3A_72 = arith.constant 0 : i32
      %dma_start3A_73 = tpu.memref_slice %arg10[%add3A_26, %dma_start3A_72] : memref<10000x128xf32, #tpu.memory_space<vmem_shared>> -> memref<80x128xf32, #tpu.memory_space<vmem_shared>>
      tpu.enqueue_dma source(%arg8 : memref<80x128xf32, #tpu.memory_space<vmem>>) target(%dma_start3A_73 : memref<80x128xf32, #tpu.memory_space<vmem_shared>>) target_semaphore(%run_scoped3A_69 : memref<!tpu.dma_semaphore, #tpu.memory_space<semaphore_mem>>)
      %dma_wait3A_74 = arith.constant 0 : i32
      %dma_wait3A_75 = tpu.memref_slice %arg10[%add3A_26, %dma_wait3A_74] : memref<10000x128xf32, #tpu.memory_space<vmem_shared>> -> memref<80x128xf32, #tpu.memory_space<vmem_shared>>
      %dma_wait3A_76 = arith.constant 0 : i32
      %dma_wait3A_77 = tpu.memref_slice %arg10[%add3A_26, %dma_wait3A_76] : memref<10000x128xf32, #tpu.memory_space<vmem_shared>> -> memref<80x128xf32, #tpu.memory_space<vmem_shared>>
      tpu.wait_dma2 semaphore(%run_scoped3A_69 : memref<!tpu.dma_semaphore, #tpu.memory_space<semaphore_mem>>) src(%arg8 : memref<80x128xf32, #tpu.memory_space<vmem>>) dst(%dma_wait3A_77 : memref<80x128xf32, #tpu.memory_space<vmem_shared>>)
      tpu.yield
    }) : () -> ()
    %add3A_27 = arith.constant 320 : i32
    %add3A_28 = arith.addi %mul3A_2, %add3A_27 : i32
    "tpu.region"() ({
      %run_scoped3A_69 = tpu.sem_alloc : memref<!tpu.dma_semaphore, #tpu.memory_space<semaphore_mem>>
      %dma_start3A_70 = arith.constant 0 : i32
      %dma_start3A_71 = tpu.memref_slice %arg10[%add3A_28, %dma_start3A_70] : memref<10000x128xf32, #tpu.memory_space<vmem_shared>> -> memref<80x128xf32, #tpu.memory_space<vmem_shared>>
      %dma_start3A_72 = arith.constant 0 : i32
      %dma_start3A_73 = tpu.memref_slice %arg10[%add3A_28, %dma_start3A_72] : memref<10000x128xf32, #tpu.memory_space<vmem_shared>> -> memref<80x128xf32, #tpu.memory_space<vmem_shared>>
      tpu.enqueue_dma source(%arg8 : memref<80x128xf32, #tpu.memory_space<vmem>>) target(%dma_start3A_73 : memref<80x128xf32, #tpu.memory_space<vmem_shared>>) target_semaphore(%run_scoped3A_69 : memref<!tpu.dma_semaphore, #tpu.memory_space<semaphore_mem>>)
      %dma_wait3A_74 = arith.constant 0 : i32
      %dma_wait3A_75 = tpu.memref_slice %arg10[%add3A_28, %dma_wait3A_74] : memref<10000x128xf32, #tpu.memory_space<vmem_shared>> -> memref<80x128xf32, #tpu.memory_space<vmem_shared>>
      %dma_wait3A_76 = arith.constant 0 : i32
      %dma_wait3A_77 = tpu.memref_slice %arg10[%add3A_28, %dma_wait3A_76] : memref<10000x128xf32, #tpu.memory_space<vmem_shared>> -> memref<80x128xf32, #tpu.memory_space<vmem_shared>>
      tpu.wait_dma2 semaphore(%run_scoped3A_69 : memref<!tpu.dma_semaphore, #tpu.memory_space<semaphore_mem>>) src(%arg8 : memref<80x128xf32, #tpu.memory_space<vmem>>) dst(%dma_wait3A_77 : memref<80x128xf32, #tpu.memory_space<vmem_shared>>)
      tpu.yield
    }) : () -> ()
    %add3A_29 = arith.constant 400 : i32
    %add3A_30 = arith.addi %mul3A_2, %add3A_29 : i32
    "tpu.region"() ({
      %run_scoped3A_69 = tpu.sem_alloc : memref<!tpu.dma_semaphore, #tpu.memory_space<semaphore_mem>>
      %dma_start3A_70 = arith.constant 0 : i32
      %dma_start3A_71 = tpu.memref_slice %arg10[%add3A_30, %dma_start3A_70] : memref<10000x128xf32, #tpu.memory_space<vmem_shared>> -> memref<80x128xf32, #tpu.memory_space<vmem_shared>>
      %dma_start3A_72 = arith.constant 0 : i32
      %dma_start3A_73 = tpu.memref_slice %arg10[%add3A_30, %dma_start3A_72] : memref<10000x128xf32, #tpu.memory_space<vmem_shared>> -> memref<80x128xf32, #tpu.memory_space<vmem_shared>>
      tpu.enqueue_dma source(%arg8 : memref<80x128xf32, #tpu.memory_space<vmem>>) target(%dma_start3A_73 : memref<80x128xf32, #tpu.memory_space<vmem_shared>>) target_semaphore(%run_scoped3A_69 : memref<!tpu.dma_semaphore, #tpu.memory_space<semaphore_mem>>)
      %dma_wait3A_74 = arith.constant 0 : i32
      %dma_wait3A_75 = tpu.memref_slice %arg10[%add3A_30, %dma_wait3A_74] : memref<10000x128xf32, #tpu.memory_space<vmem_shared>> -> memref<80x128xf32, #tpu.memory_space<vmem_shared>>
      %dma_wait3A_76 = arith.constant 0 : i32
      %dma_wait3A_77 = tpu.memref_slice %arg10[%add3A_30, %dma_wait3A_76] : memref<10000x128xf32, #tpu.memory_space<vmem_shared>> -> memref<80x128xf32, #tpu.memory_space<vmem_shared>>
      tpu.wait_dma2 semaphore(%run_scoped3A_69 : memref<!tpu.dma_semaphore, #tpu.memory_space<semaphore_mem>>) src(%arg8 : memref<80x128xf32, #tpu.memory_space<vmem>>) dst(%dma_wait3A_77 : memref<80x128xf32, #tpu.memory_space<vmem_shared>>)
      tpu.yield
    }) : () -> ()
    %add3A_31 = arith.constant 480 : i32
    %add3A_32 = arith.addi %mul3A_2, %add3A_31 : i32
    "tpu.region"() ({
      %run_scoped3A_69 = tpu.sem_alloc : memref<!tpu.dma_semaphore, #tpu.memory_space<semaphore_mem>>
      %dma_start3A_70 = arith.constant 0 : i32
      %dma_start3A_71 = tpu.memref_slice %arg10[%add3A_32, %dma_start3A_70] : memref<10000x128xf32, #tpu.memory_space<vmem_shared>> -> memref<80x128xf32, #tpu.memory_space<vmem_shared>>
      %dma_start3A_72 = arith.constant 0 : i32
      %dma_start3A_73 = tpu.memref_slice %arg10[%add3A_32, %dma_start3A_72] : memref<10000x128xf32, #tpu.memory_space<vmem_shared>> -> memref<80x128xf32, #tpu.memory_space<vmem_shared>>
      tpu.enqueue_dma source(%arg8 : memref<80x128xf32, #tpu.memory_space<vmem>>) target(%dma_start3A_73 : memref<80x128xf32, #tpu.memory_space<vmem_shared>>) target_semaphore(%run_scoped3A_69 : memref<!tpu.dma_semaphore, #tpu.memory_space<semaphore_mem>>)
      %dma_wait3A_74 = arith.constant 0 : i32
      %dma_wait3A_75 = tpu.memref_slice %arg10[%add3A_32, %dma_wait3A_74] : memref<10000x128xf32, #tpu.memory_space<vmem_shared>> -> memref<80x128xf32, #tpu.memory_space<vmem_shared>>
      %dma_wait3A_76 = arith.constant 0 : i32
      %dma_wait3A_77 = tpu.memref_slice %arg10[%add3A_32, %dma_wait3A_76] : memref<10000x128xf32, #tpu.memory_space<vmem_shared>> -> memref<80x128xf32, #tpu.memory_space<vmem_shared>>
      tpu.wait_dma2 semaphore(%run_scoped3A_69 : memref<!tpu.dma_semaphore, #tpu.memory_space<semaphore_mem>>) src(%arg8 : memref<80x128xf32, #tpu.memory_space<vmem>>) dst(%dma_wait3A_77 : memref<80x128xf32, #tpu.memory_space<vmem_shared>>)
      tpu.yield
    }) : () -> ()
    %add3A_33 = arith.constant 560 : i32
    %add3A_34 = arith.addi %mul3A_2, %add3A_33 : i32
    "tpu.region"() ({
      %run_scoped3A_69 = tpu.sem_alloc : memref<!tpu.dma_semaphore, #tpu.memory_space<semaphore_mem>>
      %dma_start3A_70 = arith.constant 0 : i32
      %dma_start3A_71 = tpu.memref_slice %arg10[%add3A_34, %dma_start3A_70] : memref<10000x128xf32, #tpu.memory_space<vmem_shared>> -> memref<80x128xf32, #tpu.memory_space<vmem_shared>>
      %dma_start3A_72 = arith.constant 0 : i32
      %dma_start3A_73 = tpu.memref_slice %arg10[%add3A_34, %dma_start3A_72] : memref<10000x128xf32, #tpu.memory_space<vmem_shared>> -> memref<80x128xf32, #tpu.memory_space<vmem_shared>>
      tpu.enqueue_dma source(%arg8 : memref<80x128xf32, #tpu.memory_space<vmem>>) target(%dma_start3A_73 : memref<80x128xf32, #tpu.memory_space<vmem_shared>>) target_semaphore(%run_scoped3A_69 : memref<!tpu.dma_semaphore, #tpu.memory_space<semaphore_mem>>)
      %dma_wait3A_74 = arith.constant 0 : i32
      %dma_wait3A_75 = tpu.memref_slice %arg10[%add3A_34, %dma_wait3A_74] : memref<10000x128xf32, #tpu.memory_space<vmem_shared>> -> memref<80x128xf32, #tpu.memory_space<vmem_shared>>
      %dma_wait3A_76 = arith.constant 0 : i32
      %dma_wait3A_77 = tpu.memref_slice %arg10[%add3A_34, %dma_wait3A_76] : memref<10000x128xf32, #tpu.memory_space<vmem_shared>> -> memref<80x128xf32, #tpu.memory_space<vmem_shared>>
      tpu.wait_dma2 semaphore(%run_scoped3A_69 : memref<!tpu.dma_semaphore, #tpu.memory_space<semaphore_mem>>) src(%arg8 : memref<80x128xf32, #tpu.memory_space<vmem>>) dst(%dma_wait3A_77 : memref<80x128xf32, #tpu.memory_space<vmem_shared>>)
      tpu.yield
    }) : () -> ()
    %dma_wait3A = tpu.memref_slice %arg3[%mul3A_4] : memref<320000xi32, #tpu.memory_space<hbm>> -> memref<10000xi32, #tpu.memory_space<hbm>>
    %dma_wait3A_35 = tpu.memref_slice %arg3[%mul3A_4] : memref<320000xi32, #tpu.memory_space<hbm>> -> memref<10000xi32, #tpu.memory_space<hbm>>
    tpu.wait_dma2 semaphore(%arg11 : memref<!tpu.dma_semaphore, #tpu.memory_space<semaphore_mem>>) src(%dma_wait3A_35 : memref<10000xi32, #tpu.memory_space<hbm>>) dst(%arg7 : memref<10000xi32, #tpu.memory_space<vmem>>)
    %dma_wait3A_36 = arith.constant 0 : i32
    %dma_wait3A_37 = arith.constant 0 : i32
    %dma_wait3A_38 = tpu.memref_slice %arg4[%add3A, %dma_wait3A_36, %dma_wait3A_37] : memref<32x125x80xi32, #tpu.memory_space<hbm>> -> memref<1x125x80xi32, #tpu.memory_space<hbm>>
    %dma_wait3A_39 = tpu.memref_squeeze %dma_wait3A_38 : memref<1x125x80xi32, #tpu.memory_space<hbm>> -> memref<125x80xi32, #tpu.memory_space<hbm>>
    %dma_wait3A_40 = arith.constant 0 : i32
    %dma_wait3A_41 = arith.constant 0 : i32
    %dma_wait3A_42 = tpu.memref_slice %arg4[%add3A, %dma_wait3A_40, %dma_wait3A_41] : memref<32x125x80xi32, #tpu.memory_space<hbm>> -> memref<1x125x80xi32, #tpu.memory_space<hbm>>
    %dma_wait3A_43 = tpu.memref_squeeze %dma_wait3A_42 : memref<1x125x80xi32, #tpu.memory_space<hbm>> -> memref<125x80xi32, #tpu.memory_space<hbm>>
    tpu.wait_dma2 semaphore(%arg12 : memref<!tpu.dma_semaphore, #tpu.memory_space<semaphore_mem>>) src(%dma_wait3A_43 : memref<125x80xi32, #tpu.memory_space<hbm>>) dst(%arg6 : memref<125x80xi32, #tpu.memory_space<vmem>>)
    %barrier3A = arith.constant 0 : index
    tpu.barrier barrier_id(%barrier3A)
    %dma_start3A_44 = arith.constant 0 : i32
    %dma_start3A_45 = tpu.memref_slice %arg7[%dma_start3A_44] : memref<10000xi32, #tpu.memory_space<vmem>> -> memref<80xi32, #tpu.memory_space<vmem>>
    %dma_start3A_46 = arith.constant 0 : i32
    %dma_start3A_47 = arith.constant 0 : i32
    %dma_start3A_48 = tpu.memref_slice %arg2[%dma_start3A_46, %dma_start3A_47] : memref<90000x128xf32, #tpu.memory_space<hbm>> -> memref<90000x128xf32, #tpu.memory_space<hbm>>
    tpu.enqueue_indirect_dma source(%dma_start3A_48 : memref<90000x128xf32, #tpu.memory_space<hbm>>) target(%arg8 : memref<80x128xf32, #tpu.memory_space<vmem>>) offsets(%dma_start3A_45 : memref<80xi32, #tpu.memory_space<vmem>>) semaphore(%arg11 : memref<!tpu.dma_semaphore, #tpu.memory_space<semaphore_mem>>)
    %dma_start3A_49 = arith.constant 80 : i32
    %dma_start3A_50 = tpu.memref_slice %arg7[%dma_start3A_49] : memref<10000xi32, #tpu.memory_space<vmem>> -> memref<80xi32, #tpu.memory_space<vmem>>
    %dma_start3A_51 = arith.constant 0 : i32
    %dma_start3A_52 = arith.constant 0 : i32
    %dma_start3A_53 = tpu.memref_slice %arg2[%dma_start3A_51, %dma_start3A_52] : memref<90000x128xf32, #tpu.memory_space<hbm>> -> memref<90000x128xf32, #tpu.memory_space<hbm>>
    tpu.enqueue_indirect_dma source(%dma_start3A_53 : memref<90000x128xf32, #tpu.memory_space<hbm>>) target(%arg9 : memref<80x128xf32, #tpu.memory_space<vmem>>) offsets(%dma_start3A_50 : memref<80xi32, #tpu.memory_space<vmem>>) semaphore(%arg12 : memref<!tpu.dma_semaphore, #tpu.memory_space<semaphore_mem>>)
    %scan3A_54 = arith.constant 0 : i32
    %scan3A_55 = arith.constant 0 : i32
    %scan3A_56 = arith.constant 62 : i32
    %scan3A_57 = arith.addi %scan3A_55, %scan3A_56 : i32
    %scan3A_58 = arith.constant 1 : i32
    scf.for %scan3A_69 = %scan3A_55 to %scan3A_57 step %scan3A_58  : i32 {
      %mul3A_70 = arith.constant 2 : i32
      %mul3A_71 = arith.muli %mul3A_70, %scan3A_69 : i32
      %dma_wait3A_72 = arith.constant 0 : i32
      %dma_wait3A_73 = tpu.memref_slice %arg7[%dma_wait3A_72] : memref<10000xi32, #tpu.memory_space<vmem>> -> memref<80xi32, #tpu.memory_space<vmem>>
      %dma_wait3A_74 = arith.constant 0 : i32
      %dma_wait3A_75 = arith.constant 0 : i32
      %dma_wait3A_76 = tpu.memref_slice %arg2[%dma_wait3A_74, %dma_wait3A_75] : memref<90000x128xf32, #tpu.memory_space<hbm>> -> memref<90000x128xf32, #tpu.memory_space<hbm>>
      tpu.wait_indirect_dma semaphore(%arg11 : memref<!tpu.dma_semaphore, #tpu.memory_space<semaphore_mem>>) src(%dma_wait3A_76 : memref<90000x128xf32, #tpu.memory_space<hbm>>) dst(%arg8 : memref<80x128xf32, #tpu.memory_space<vmem>>)
      "tpu.region"() ({
        %run_scoped3A_94 = tpu.sem_alloc : memref<!tpu.dma_semaphore, #tpu.memory_space<semaphore_mem>>
        %dma_start3A_95 = arith.constant 0 : i32
        %dma_start3A_96 = tpu.memref_slice %arg6[%mul3A_71, %dma_start3A_95] : memref<125x80xi32, #tpu.memory_space<vmem>> -> memref<1x80xi32, #tpu.memory_space<vmem>>
        %dma_start3A_97 = tpu.memref_squeeze %dma_start3A_96 : memref<1x80xi32, #tpu.memory_space<vmem>> -> memref<80xi32, #tpu.memory_space<vmem>>
        %dma_start3A_98 = arith.constant 0 : i32
        %dma_start3A_99 = arith.constant 0 : i32
        %dma_start3A_100 = tpu.memref_slice %arg10[%dma_start3A_98, %dma_start3A_99] : memref<10000x128xf32, #tpu.memory_space<vmem_shared>> -> memref<10000x128xf32, #tpu.memory_space<vmem_shared>>
        tpu.enqueue_indirect_dma source(%arg8 : memref<80x128xf32, #tpu.memory_space<vmem>>) target(%dma_start3A_100 : memref<10000x128xf32, #tpu.memory_space<vmem_shared>>) offsets(%dma_start3A_97 : memref<80xi32, #tpu.memory_space<vmem>>) semaphore(%run_scoped3A_94 : memref<!tpu.dma_semaphore, #tpu.memory_space<semaphore_mem>>) {add = true}
        %dma_wait3A_101 = arith.constant 0 : i32
        %dma_wait3A_102 = tpu.memref_slice %arg6[%mul3A_71, %dma_wait3A_101] : memref<125x80xi32, #tpu.memory_space<vmem>> -> memref<1x80xi32, #tpu.memory_space<vmem>>
        %dma_wait3A_103 = tpu.memref_squeeze %dma_wait3A_102 : memref<1x80xi32, #tpu.memory_space<vmem>> -> memref<80xi32, #tpu.memory_space<vmem>>
        %dma_wait3A_104 = arith.constant 0 : i32
        %dma_wait3A_105 = arith.constant 0 : i32
        %dma_wait3A_106 = tpu.memref_slice %arg10[%dma_wait3A_104, %dma_wait3A_105] : memref<10000x128xf32, #tpu.memory_space<vmem_shared>> -> memref<10000x128xf32, #tpu.memory_space<vmem_shared>>
        tpu.wait_indirect_dma semaphore(%run_scoped3A_94 : memref<!tpu.dma_semaphore, #tpu.memory_space<semaphore_mem>>) src(%arg8 : memref<80x128xf32, #tpu.memory_space<vmem>>) dst(%dma_wait3A_106 : memref<10000x128xf32, #tpu.memory_space<vmem_shared>>)
        tpu.yield
      }) : () -> ()
      %add3A_77 = arith.constant 2 : i32
      %add3A_78 = arith.addi %mul3A_71, %add3A_77 : i32
      %mul3A_79 = arith.constant 80 : i32
      %mul3A_80 = arith.muli %add3A_78, %mul3A_79 : i32
      %dma_start3A_81 = tpu.memref_slice %arg7[%mul3A_80] : memref<10000xi32, #tpu.memory_space<vmem>> -> memref<80xi32, #tpu.memory_space<vmem>>
      %dma_start3A_82 = arith.constant 0 : i32
      %dma_start3A_83 = arith.constant 0 : i32
      %dma_start3A_84 = tpu.memref_slice %arg2[%dma_start3A_82, %dma_start3A_83] : memref<90000x128xf32, #tpu.memory_space<hbm>> -> memref<90000x128xf32, #tpu.memory_space<hbm>>
      tpu.enqueue_indirect_dma source(%dma_start3A_84 : memref<90000x128xf32, #tpu.memory_space<hbm>>) target(%arg8 : memref<80x128xf32, #tpu.memory_space<vmem>>) offsets(%dma_start3A_81 : memref<80xi32, #tpu.memory_space<vmem>>) semaphore(%arg11 : memref<!tpu.dma_semaphore, #tpu.memory_space<semaphore_mem>>)
      %dma_wait3A_85 = arith.constant 0 : i32
      %dma_wait3A_86 = tpu.memref_slice %arg7[%dma_wait3A_85] : memref<10000xi32, #tpu.memory_space<vmem>> -> memref<80xi32, #tpu.memory_space<vmem>>
      %dma_wait3A_87 = arith.constant 0 : i32
      %dma_wait3A_88 = arith.constant 0 : i32
      %dma_wait3A_89 = tpu.memref_slice %arg2[%dma_wait3A_87, %dma_wait3A_88] : memref<90000x128xf32, #tpu.memory_space<hbm>> -> memref<90000x128xf32, #tpu.memory_space<hbm>>
      tpu.wait_indirect_dma semaphore(%arg12 : memref<!tpu.dma_semaphore, #tpu.memory_space<semaphore_mem>>) src(%dma_wait3A_89 : memref<90000x128xf32, #tpu.memory_space<hbm>>) dst(%arg9 : memref<80x128xf32, #tpu.memory_space<vmem>>)
      %add3A_90 = arith.constant 1 : i32
      %add3A_91 = arith.addi %mul3A_71, %add3A_90 : i32
      "tpu.region"() ({
        %run_scoped3A_94 = tpu.sem_alloc : memref<!tpu.dma_semaphore, #tpu.memory_space<semaphore_mem>>
        %dma_start3A_95 = arith.constant 0 : i32
        %dma_start3A_96 = tpu.memref_slice %arg6[%add3A_91, %dma_start3A_95] : memref<125x80xi32, #tpu.memory_space<vmem>> -> memref<1x80xi32, #tpu.memory_space<vmem>>
        %dma_start3A_97 = tpu.memref_squeeze %dma_start3A_96 : memref<1x80xi32, #tpu.memory_space<vmem>> -> memref<80xi32, #tpu.memory_space<vmem>>
        %dma_start3A_98 = arith.constant 0 : i32
        %dma_start3A_99 = arith.constant 0 : i32
        %dma_start3A_100 = tpu.memref_slice %arg10[%dma_start3A_98, %dma_start3A_99] : memref<10000x128xf32, #tpu.memory_space<vmem_shared>> -> memref<10000x128xf32, #tpu.memory_space<vmem_shared>>
        tpu.enqueue_indirect_dma source(%arg9 : memref<80x128xf32, #tpu.memory_space<vmem>>) target(%dma_start3A_100 : memref<10000x128xf32, #tpu.memory_space<vmem_shared>>) offsets(%dma_start3A_97 : memref<80xi32, #tpu.memory_space<vmem>>) semaphore(%run_scoped3A_94 : memref<!tpu.dma_semaphore, #tpu.memory_space<semaphore_mem>>) {add = true}
        %dma_wait3A_101 = arith.constant 0 : i32
        %dma_wait3A_102 = tpu.memref_slice %arg6[%add3A_91, %dma_wait3A_101] : memref<125x80xi32, #tpu.memory_space<vmem>> -> memref<1x80xi32, #tpu.memory_space<vmem>>
        %dma_wait3A_103 = tpu.memref_squeeze %dma_wait3A_102 : memref<1x80xi32, #tpu.memory_space<vmem>> -> memref<80xi32, #tpu.memory_space<vmem>>
        %dma_wait3A_104 = arith.constant 0 : i32
        %dma_wait3A_105 = arith.constant 0 : i32
        %dma_wait3A_106 = tpu.memref_slice %arg10[%dma_wait3A_104, %dma_wait3A_105] : memref<10000x128xf32, #tpu.memory_space<vmem_shared>> -> memref<10000x128xf32, #tpu.memory_space<vmem_shared>>
        tpu.wait_indirect_dma semaphore(%run_scoped3A_94 : memref<!tpu.dma_semaphore, #tpu.memory_space<semaphore_mem>>) src(%arg9 : memref<80x128xf32, #tpu.memory_space<vmem>>) dst(%dma_wait3A_106 : memref<10000x128xf32, #tpu.memory_space<vmem_shared>>)
        tpu.yield
      }) : () -> ()
      %lt3A = arith.constant 61 : i32
      %lt3A_92 = arith.cmpi slt, %scan3A_69, %lt3A : i32
      %convert_element_type3A = arith.extui %lt3A_92 : i1 to i32
      %cond3A = arith.constant 0 : i32
      %cond3A_93 = arith.cmpi ne, %convert_element_type3A, %cond3A : i32
      scf.if %cond3A_93 {
        %add3A_94 = arith.constant 3 : i32
        %add3A_95 = arith.addi %mul3A_71, %add3A_94 : i32
        %mul3A_96 = arith.constant 80 : i32
        %mul3A_97 = arith.muli %add3A_95, %mul3A_96 : i32
        %dma_start3A_98 = tpu.memref_slice %arg7[%mul3A_97] : memref<10000xi32, #tpu.memory_space<vmem>> -> memref<80xi32, #tpu.memory_space<vmem>>
        %dma_start3A_99 = arith.constant 0 : i32
        %dma_start3A_100 = arith.constant 0 : i32
        %dma_start3A_101 = tpu.memref_slice %arg2[%dma_start3A_99, %dma_start3A_100] : memref<90000x128xf32, #tpu.memory_space<hbm>> -> memref<90000x128xf32, #tpu.memory_space<hbm>>
        tpu.enqueue_indirect_dma source(%dma_start3A_101 : memref<90000x128xf32, #tpu.memory_space<hbm>>) target(%arg9 : memref<80x128xf32, #tpu.memory_space<vmem>>) offsets(%dma_start3A_98 : memref<80xi32, #tpu.memory_space<vmem>>) semaphore(%arg12 : memref<!tpu.dma_semaphore, #tpu.memory_space<semaphore_mem>>)
      } else {
      }
    }
    %scan3A_59 = arith.constant 62 : i32
    %dma_wait3A_60 = arith.constant 0 : i32
    %dma_wait3A_61 = tpu.memref_slice %arg7[%dma_wait3A_60] : memref<10000xi32, #tpu.memory_space<vmem>> -> memref<80xi32, #tpu.memory_space<vmem>>
    %dma_wait3A_62 = arith.constant 0 : i32
    %dma_wait3A_63 = arith.constant 0 : i32
    %dma_wait3A_64 = tpu.memref_slice %arg2[%dma_wait3A_62, %dma_wait3A_63] : memref<90000x128xf32, #tpu.memory_space<hbm>> -> memref<90000x128xf32, #tpu.memory_space<hbm>>
    tpu.wait_indirect_dma semaphore(%arg11 : memref<!tpu.dma_semaphore, #tpu.memory_space<semaphore_mem>>) src(%dma_wait3A_64 : memref<90000x128xf32, #tpu.memory_space<hbm>>) dst(%arg8 : memref<80x128xf32, #tpu.memory_space<vmem>>)
    %run_scoped3A = arith.constant 124 : i32
    "tpu.region"() ({
      %run_scoped3A_69 = tpu.sem_alloc : memref<!tpu.dma_semaphore, #tpu.memory_space<semaphore_mem>>
      %dma_start3A_70 = arith.constant 0 : i32
      %dma_start3A_71 = tpu.memref_slice %arg6[%run_scoped3A, %dma_start3A_70] : memref<125x80xi32, #tpu.memory_space<vmem>> -> memref<1x80xi32, #tpu.memory_space<vmem>>
      %dma_start3A_72 = tpu.memref_squeeze %dma_start3A_71 : memref<1x80xi32, #tpu.memory_space<vmem>> -> memref<80xi32, #tpu.memory_space<vmem>>
      %dma_start3A_73 = arith.constant 0 : i32
      %dma_start3A_74 = arith.constant 0 : i32
      %dma_start3A_75 = tpu.memref_slice %arg10[%dma_start3A_73, %dma_start3A_74] : memref<10000x128xf32, #tpu.memory_space<vmem_shared>> -> memref<10000x128xf32, #tpu.memory_space<vmem_shared>>
      tpu.enqueue_indirect_dma source(%arg8 : memref<80x128xf32, #tpu.memory_space<vmem>>) target(%dma_start3A_75 : memref<10000x128xf32, #tpu.memory_space<vmem_shared>>) offsets(%dma_start3A_72 : memref<80xi32, #tpu.memory_space<vmem>>) semaphore(%run_scoped3A_69 : memref<!tpu.dma_semaphore, #tpu.memory_space<semaphore_mem>>) {add = true}
      %dma_wait3A_76 = arith.constant 0 : i32
      %dma_wait3A_77 = tpu.memref_slice %arg6[%run_scoped3A, %dma_wait3A_76] : memref<125x80xi32, #tpu.memory_space<vmem>> -> memref<1x80xi32, #tpu.memory_space<vmem>>
      %dma_wait3A_78 = tpu.memref_squeeze %dma_wait3A_77 : memref<1x80xi32, #tpu.memory_space<vmem>> -> memref<80xi32, #tpu.memory_space<vmem>>
      %dma_wait3A_79 = arith.constant 0 : i32
      %dma_wait3A_80 = arith.constant 0 : i32
      %dma_wait3A_81 = tpu.memref_slice %arg10[%dma_wait3A_79, %dma_wait3A_80] : memref<10000x128xf32, #tpu.memory_space<vmem_shared>> -> memref<10000x128xf32, #tpu.memory_space<vmem_shared>>
      tpu.wait_indirect_dma semaphore(%run_scoped3A_69 : memref<!tpu.dma_semaphore, #tpu.memory_space<semaphore_mem>>) src(%arg8 : memref<80x128xf32, #tpu.memory_space<vmem>>) dst(%dma_wait3A_81 : memref<10000x128xf32, #tpu.memory_space<vmem_shared>>)
      tpu.yield
    }) : () -> ()
    %barrier3A_65 = arith.constant 0 : index
    tpu.barrier barrier_id(%barrier3A_65)
    %mul3A_66 = arith.constant 10000 : i32
    %mul3A_67 = arith.muli %arg0, %mul3A_66 : i32
    %add3A_68 = arith.addi %mul3A_67, %mul3A_2 : i32
    "tpu.region"() ({
      %run_scoped3A_69 = tpu.sem_alloc : memref<!tpu.dma_semaphore, #tpu.memory_space<semaphore_mem>>
      %dma_start3A_70 = arith.constant 0 : i32
      %dma_start3A_71 = tpu.memref_slice %arg5[%add3A_68, %dma_start3A_70] : memref<20000x128xf32, #tpu.memory_space<hbm>> -> memref<640x128xf32, #tpu.memory_space<hbm>>
      %dma_start3A_72 = arith.constant 0 : i32
      %dma_start3A_73 = tpu.memref_slice %arg10[%mul3A_2, %dma_start3A_72] : memref<10000x128xf32, #tpu.memory_space<vmem_shared>> -> memref<640x128xf32, #tpu.memory_space<vmem_shared>>
      tpu.enqueue_dma source(%dma_start3A_73 : memref<640x128xf32, #tpu.memory_space<vmem_shared>>) target(%dma_start3A_71 : memref<640x128xf32, #tpu.memory_space<hbm>>) target_semaphore(%run_scoped3A_69 : memref<!tpu.dma_semaphore, #tpu.memory_space<semaphore_mem>>)
      %dma_wait3A_74 = arith.constant 0 : i32
      %dma_wait3A_75 = tpu.memref_slice %arg5[%add3A_68, %dma_wait3A_74] : memref<20000x128xf32, #tpu.memory_space<hbm>> -> memref<640x128xf32, #tpu.memory_space<hbm>>
      %dma_wait3A_76 = arith.constant 0 : i32
      %dma_wait3A_77 = tpu.memref_slice %arg10[%mul3A_2, %dma_wait3A_76] : memref<10000x128xf32, #tpu.memory_space<vmem_shared>> -> memref<640x128xf32, #tpu.memory_space<vmem_shared>>
      tpu.wait_dma2 semaphore(%run_scoped3A_69 : memref<!tpu.dma_semaphore, #tpu.memory_space<semaphore_mem>>) src(%dma_wait3A_77 : memref<640x128xf32, #tpu.memory_space<vmem_shared>>) dst(%dma_wait3A_75 : memref<640x128xf32, #tpu.memory_space<hbm>>)
      tpu.yield
    }) : () -> ()
    return
  }
}

#map = affine_map<(d0, d1) -> (0, 0)>
#map1 = affine_map<(d0, d1) -> (0)>
#map2 = affine_map<(d0, d1) -> (0, 0, 0)>
module attributes {stable_mosaic.version = 14 : i64} {
  func.func @k(%arg0: i32, %arg1: i32, %arg2: memref<90000x128xf32, #tpu.memory_space<hbm>>, %arg3: memref<320000xi32, #tpu.memory_space<hbm>>, %arg4: memref<32x125x80xi32, #tpu.memory_space<hbm>>, %arg5: memref<20000x128xf32, #tpu.memory_space<hbm>>, %arg6: memref<125x80xi32, #tpu.memory_space<vmem>>, %arg7: memref<10000xi32, #tpu.memory_space<vmem>>, %arg8: memref<80x128xf32, #tpu.memory_space<vmem>>, %arg9: memref<80x128xf32, #tpu.memory_space<vmem>>, %arg10: memref<10000x128xf32, #tpu.memory_space<vmem_shared>>, %arg11: memref<!tpu.dma_semaphore, #tpu.memory_space<semaphore_mem>>, %arg12: memref<!tpu.dma_semaphore, #tpu.memory_space<semaphore_mem>>) attributes {dimension_semantics = [#tpu.dimension_semantics<core_parallel>, #tpu.dimension_semantics<subcore_parallel>], iteration_bounds = array<i64: 2, 16>, scalar_prefetch = 0 : i64, scratch_operands = 7 : i64, tpu.core_type = #tpu.core_type<sc_vector_subcore>, window_params = [{transform_indices = #map}, {transform_indices = #map1}, {transform_indices = #map2}, {transform_indices = #map}]} {
    %mul3A = arith.constant 16 : i32
    %mul3A_0 = arith.muli %arg0, %mul3A : i32
    %add3A = arith.addi %mul3A_0, %arg1 : i32
    %mul3A_1 = arith.constant 624 : i32
    %mul3A_2 = arith.muli %arg1, %mul3A_1 : i32
    %mul3A_3 = arith.constant 10000 : i32
    %mul3A_4 = arith.muli %add3A, %mul3A_3 : i32
    %dma_start3A = tpu.memref_slice %arg3[%mul3A_4] : memref<320000xi32, #tpu.memory_space<hbm>> -> memref<10000xi32, #tpu.memory_space<hbm>>
    %dma_start3A_5 = tpu.memref_slice %arg3[%mul3A_4] : memref<320000xi32, #tpu.memory_space<hbm>> -> memref<10000xi32, #tpu.memory_space<hbm>>
    tpu.enqueue_dma source(%dma_start3A_5 : memref<10000xi32, #tpu.memory_space<hbm>>) target(%arg7 : memref<10000xi32, #tpu.memory_space<vmem>>) target_semaphore(%arg11 : memref<!tpu.dma_semaphore, #tpu.memory_space<semaphore_mem>>)
    %dma_start3A_6 = arith.constant 0 : i32
    %dma_start3A_7 = arith.constant 0 : i32
    %dma_start3A_8 = tpu.memref_slice %arg4[%add3A, %dma_start3A_6, %dma_start3A_7] : memref<32x125x80xi32, #tpu.memory_space<hbm>> -> memref<1x125x80xi32, #tpu.memory_space<hbm>>
    %dma_start3A_9 = tpu.memref_squeeze %dma_start3A_8 : memref<1x125x80xi32, #tpu.memory_space<hbm>> -> memref<125x80xi32, #tpu.memory_space<hbm>>
    %dma_start3A_10 = arith.constant 0 : i32
    %dma_start3A_11 = arith.constant 0 : i32
    %dma_start3A_12 = tpu.memref_slice %arg4[%add3A, %dma_start3A_10, %dma_start3A_11] : memref<32x125x80xi32, #tpu.memory_space<hbm>> -> memref<1x125x80xi32, #tpu.memory_space<hbm>>
    %dma_start3A_13 = tpu.memref_squeeze %dma_start3A_12 : memref<1x125x80xi32, #tpu.memory_space<hbm>> -> memref<125x80xi32, #tpu.memory_space<hbm>>
    tpu.enqueue_dma source(%dma_start3A_13 : memref<125x80xi32, #tpu.memory_space<hbm>>) target(%arg6 : memref<125x80xi32, #tpu.memory_space<vmem>>) target_semaphore(%arg12 : memref<!tpu.dma_semaphore, #tpu.memory_space<semaphore_mem>>)
    %scan3A = arith.constant 0 : i32
    %scan3A_14 = arith.constant 0 : i32
    %scan3A_15 = arith.constant 80 : i32
    %scan3A_16 = arith.addi %scan3A_14, %scan3A_15 : i32
    %scan3A_17 = arith.constant 1 : i32
    scf.for %scan3A_69 = %scan3A_14 to %scan3A_16 step %scan3A_17  : i32 {
      %broadcast_in_dim3A = arith.constant 0.000000e+00 : f32
      %broadcast_in_dim3A_70 = vector.broadcast %broadcast_in_dim3A : f32 to vector<16xf32>
      %swap3A = arith.index_cast %scan3A_69 : i32 to index
      %swap3A_71 = arith.constant 0 : index
      %swap3A_72 = tpu.vector_load %arg8[%swap3A, %swap3A_71] {strides = array<i32>} : memref<80x128xf32, #tpu.memory_space<vmem>>, vector<1x16xf32>,
      %swap3A_73 = vector.shape_cast %swap3A_72 : vector<1x16xf32> to vector<16xf32>
      %swap3A_74 = vector.shape_cast %broadcast_in_dim3A_70 : vector<16xf32> to vector<1x16xf32>
      tpu.vector_store %arg8[%swap3A, %swap3A_71], %swap3A_74 {strides = array<i32>} : memref<80x128xf32, #tpu.memory_space<vmem>>, vector<1x16xf32>,
      %broadcast_in_dim3A_75 = arith.constant 0.000000e+00 : f32
      %broadcast_in_dim3A_76 = vector.broadcast %broadcast_in_dim3A_75 : f32 to vector<16xf32>
      %swap3A_77 = arith.index_cast %scan3A_69 : i32 to index
      %swap3A_78 = arith.constant 16 : index
      %swap3A_79 = tpu.vector_load %arg8[%swap3A_77, %swap3A_78] {strides = array<i32>} : memref<80x128xf32, #tpu.memory_space<vmem>>, vector<1x16xf32>,
      %swap3A_80 = vector.shape_cast %swap3A_79 : vector<1x16xf32> to vector<16xf32>
      %swap3A_81 = vector.shape_cast %broadcast_in_dim3A_76 : vector<16xf32> to vector<1x16xf32>
      tpu.vector_store %arg8[%swap3A_77, %swap3A_78], %swap3A_81 {strides = array<i32>} : memref<80x128xf32, #tpu.memory_space<vmem>>, vector<1x16xf32>,
      %broadcast_in_dim3A_82 = arith.constant 0.000000e+00 : f32
      %broadcast_in_dim3A_83 = vector.broadcast %broadcast_in_dim3A_82 : f32 to vector<16xf32>
      %swap3A_84 = arith.index_cast %scan3A_69 : i32 to index
      %swap3A_85 = arith.constant 32 : index
      %swap3A_86 = tpu.vector_load %arg8[%swap3A_84, %swap3A_85] {strides = array<i32>} : memref<80x128xf32, #tpu.memory_space<vmem>>, vector<1x16xf32>,
      %swap3A_87 = vector.shape_cast %swap3A_86 : vector<1x16xf32> to vector<16xf32>
      %swap3A_88 = vector.shape_cast %broadcast_in_dim3A_83 : vector<16xf32> to vector<1x16xf32>
      tpu.vector_store %arg8[%swap3A_84, %swap3A_85], %swap3A_88 {strides = array<i32>} : memref<80x128xf32, #tpu.memory_space<vmem>>, vector<1x16xf32>,
      %broadcast_in_dim3A_89 = arith.constant 0.000000e+00 : f32
      %broadcast_in_dim3A_90 = vector.broadcast %broadcast_in_dim3A_89 : f32 to vector<16xf32>
      %swap3A_91 = arith.index_cast %scan3A_69 : i32 to index
      %swap3A_92 = arith.constant 48 : index
      %swap3A_93 = tpu.vector_load %arg8[%swap3A_91, %swap3A_92] {strides = array<i32>} : memref<80x128xf32, #tpu.memory_space<vmem>>, vector<1x16xf32>,
      %swap3A_94 = vector.shape_cast %swap3A_93 : vector<1x16xf32> to vector<16xf32>
      %swap3A_95 = vector.shape_cast %broadcast_in_dim3A_90 : vector<16xf32> to vector<1x16xf32>
      tpu.vector_store %arg8[%swap3A_91, %swap3A_92], %swap3A_95 {strides = array<i32>} : memref<80x128xf32, #tpu.memory_space<vmem>>, vector<1x16xf32>,
      %broadcast_in_dim3A_96 = arith.constant 0.000000e+00 : f32
      %broadcast_in_dim3A_97 = vector.broadcast %broadcast_in_dim3A_96 : f32 to vector<16xf32>
      %swap3A_98 = arith.index_cast %scan3A_69 : i32 to index
      %swap3A_99 = arith.constant 64 : index
      %swap3A_100 = tpu.vector_load %arg8[%swap3A_98, %swap3A_99] {strides = array<i32>} : memref<80x128xf32, #tpu.memory_space<vmem>>, vector<1x16xf32>,
      %swap3A_101 = vector.shape_cast %swap3A_100 : vector<1x16xf32> to vector<16xf32>
      %swap3A_102 = vector.shape_cast %broadcast_in_dim3A_97 : vector<16xf32> to vector<1x16xf32>
      tpu.vector_store %arg8[%swap3A_98, %swap3A_99], %swap3A_102 {strides = array<i32>} : memref<80x128xf32, #tpu.memory_space<vmem>>, vector<1x16xf32>,
      %broadcast_in_dim3A_103 = arith.constant 0.000000e+00 : f32
      %broadcast_in_dim3A_104 = vector.broadcast %broadcast_in_dim3A_103 : f32 to vector<16xf32>
      %swap3A_105 = arith.index_cast %scan3A_69 : i32 to index
      %swap3A_106 = arith.constant 80 : index
      %swap3A_107 = tpu.vector_load %arg8[%swap3A_105, %swap3A_106] {strides = array<i32>} : memref<80x128xf32, #tpu.memory_space<vmem>>, vector<1x16xf32>,
      %swap3A_108 = vector.shape_cast %swap3A_107 : vector<1x16xf32> to vector<16xf32>
      %swap3A_109 = vector.shape_cast %broadcast_in_dim3A_104 : vector<16xf32> to vector<1x16xf32>
      tpu.vector_store %arg8[%swap3A_105, %swap3A_106], %swap3A_109 {strides = array<i32>} : memref<80x128xf32, #tpu.memory_space<vmem>>, vector<1x16xf32>,
      %broadcast_in_dim3A_110 = arith.constant 0.000000e+00 : f32
      %broadcast_in_dim3A_111 = vector.broadcast %broadcast_in_dim3A_110 : f32 to vector<16xf32>
      %swap3A_112 = arith.index_cast %scan3A_69 : i32 to index
      %swap3A_113 = arith.constant 96 : index
      %swap3A_114 = tpu.vector_load %arg8[%swap3A_112, %swap3A_113] {strides = array<i32>} : memref<80x128xf32, #tpu.memory_space<vmem>>, vector<1x16xf32>,
      %swap3A_115 = vector.shape_cast %swap3A_114 : vector<1x16xf32> to vector<16xf32>
      %swap3A_116 = vector.shape_cast %broadcast_in_dim3A_111 : vector<16xf32> to vector<1x16xf32>
      tpu.vector_store %arg8[%swap3A_112, %swap3A_113], %swap3A_116 {strides = array<i32>} : memref<80x128xf32, #tpu.memory_space<vmem>>, vector<1x16xf32>,
      %broadcast_in_dim3A_117 = arith.constant 0.000000e+00 : f32
      %broadcast_in_dim3A_118 = vector.broadcast %broadcast_in_dim3A_117 : f32 to vector<16xf32>
      %swap3A_119 = arith.index_cast %scan3A_69 : i32 to index
      %swap3A_120 = arith.constant 112 : index
      %swap3A_121 = tpu.vector_load %arg8[%swap3A_119, %swap3A_120] {strides = array<i32>} : memref<80x128xf32, #tpu.memory_space<vmem>>, vector<1x16xf32>,
      %swap3A_122 = vector.shape_cast %swap3A_121 : vector<1x16xf32> to vector<16xf32>
      %swap3A_123 = vector.shape_cast %broadcast_in_dim3A_118 : vector<16xf32> to vector<1x16xf32>
      tpu.vector_store %arg8[%swap3A_119, %swap3A_120], %swap3A_123 {strides = array<i32>} : memref<80x128xf32, #tpu.memory_space<vmem>>, vector<1x16xf32>,
    }
    %scan3A_18 = arith.constant 80 : i32
    %add3A_19 = arith.constant 0 : i32
    %add3A_20 = arith.addi %mul3A_2, %add3A_19 : i32
    "tpu.region"() ({
      %run_scoped3A_69 = tpu.sem_alloc : memref<!tpu.dma_semaphore, #tpu.memory_space<semaphore_mem>>
      %dma_start3A_70 = arith.constant 0 : i32
      %dma_start3A_71 = tpu.memref_slice %arg10[%add3A_20, %dma_start3A_70] : memref<10000x128xf32, #tpu.memory_space<vmem_shared>> -> memref<80x128xf32, #tpu.memory_space<vmem_shared>>
      %dma_start3A_72 = arith.constant 0 : i32
      %dma_start3A_73 = tpu.memref_slice %arg10[%add3A_20, %dma_start3A_72] : memref<10000x128xf32, #tpu.memory_space<vmem_shared>> -> memref<80x128xf32, #tpu.memory_space<vmem_shared>>
      tpu.enqueue_dma source(%arg8 : memref<80x128xf32, #tpu.memory_space<vmem>>) target(%dma_start3A_73 : memref<80x128xf32, #tpu.memory_space<vmem_shared>>) target_semaphore(%run_scoped3A_69 : memref<!tpu.dma_semaphore, #tpu.memory_space<semaphore_mem>>)
      %dma_wait3A_74 = arith.constant 0 : i32
      %dma_wait3A_75 = tpu.memref_slice %arg10[%add3A_20, %dma_wait3A_74] : memref<10000x128xf32, #tpu.memory_space<vmem_shared>> -> memref<80x128xf32, #tpu.memory_space<vmem_shared>>
      %dma_wait3A_76 = arith.constant 0 : i32
      %dma_wait3A_77 = tpu.memref_slice %arg10[%add3A_20, %dma_wait3A_76] : memref<10000x128xf32, #tpu.memory_space<vmem_shared>> -> memref<80x128xf32, #tpu.memory_space<vmem_shared>>
      tpu.wait_dma2 semaphore(%run_scoped3A_69 : memref<!tpu.dma_semaphore, #tpu.memory_space<semaphore_mem>>) src(%arg8 : memref<80x128xf32, #tpu.memory_space<vmem>>) dst(%dma_wait3A_77 : memref<80x128xf32, #tpu.memory_space<vmem_shared>>)
      tpu.yield
    }) : () -> ()
    %add3A_21 = arith.constant 80 : i32
    %add3A_22 = arith.addi %mul3A_2, %add3A_21 : i32
    "tpu.region"() ({
      %run_scoped3A_69 = tpu.sem_alloc : memref<!tpu.dma_semaphore, #tpu.memory_space<semaphore_mem>>
      %dma_start3A_70 = arith.constant 0 : i32
      %dma_start3A_71 = tpu.memref_slice %arg10[%add3A_22, %dma_start3A_70] : memref<10000x128xf32, #tpu.memory_space<vmem_shared>> -> memref<80x128xf32, #tpu.memory_space<vmem_shared>>
      %dma_start3A_72 = arith.constant 0 : i32
      %dma_start3A_73 = tpu.memref_slice %arg10[%add3A_22, %dma_start3A_72] : memref<10000x128xf32, #tpu.memory_space<vmem_shared>> -> memref<80x128xf32, #tpu.memory_space<vmem_shared>>
      tpu.enqueue_dma source(%arg8 : memref<80x128xf32, #tpu.memory_space<vmem>>) target(%dma_start3A_73 : memref<80x128xf32, #tpu.memory_space<vmem_shared>>) target_semaphore(%run_scoped3A_69 : memref<!tpu.dma_semaphore, #tpu.memory_space<semaphore_mem>>)
      %dma_wait3A_74 = arith.constant 0 : i32
      %dma_wait3A_75 = tpu.memref_slice %arg10[%add3A_22, %dma_wait3A_74] : memref<10000x128xf32, #tpu.memory_space<vmem_shared>> -> memref<80x128xf32, #tpu.memory_space<vmem_shared>>
      %dma_wait3A_76 = arith.constant 0 : i32
      %dma_wait3A_77 = tpu.memref_slice %arg10[%add3A_22, %dma_wait3A_76] : memref<10000x128xf32, #tpu.memory_space<vmem_shared>> -> memref<80x128xf32, #tpu.memory_space<vmem_shared>>
      tpu.wait_dma2 semaphore(%run_scoped3A_69 : memref<!tpu.dma_semaphore, #tpu.memory_space<semaphore_mem>>) src(%arg8 : memref<80x128xf32, #tpu.memory_space<vmem>>) dst(%dma_wait3A_77 : memref<80x128xf32, #tpu.memory_space<vmem_shared>>)
      tpu.yield
    }) : () -> ()
    %add3A_23 = arith.constant 160 : i32
    %add3A_24 = arith.addi %mul3A_2, %add3A_23 : i32
    "tpu.region"() ({
      %run_scoped3A_69 = tpu.sem_alloc : memref<!tpu.dma_semaphore, #tpu.memory_space<semaphore_mem>>
      %dma_start3A_70 = arith.constant 0 : i32
      %dma_start3A_71 = tpu.memref_slice %arg10[%add3A_24, %dma_start3A_70] : memref<10000x128xf32, #tpu.memory_space<vmem_shared>> -> memref<80x128xf32, #tpu.memory_space<vmem_shared>>
      %dma_start3A_72 = arith.constant 0 : i32
      %dma_start3A_73 = tpu.memref_slice %arg10[%add3A_24, %dma_start3A_72] : memref<10000x128xf32, #tpu.memory_space<vmem_shared>> -> memref<80x128xf32, #tpu.memory_space<vmem_shared>>
      tpu.enqueue_dma source(%arg8 : memref<80x128xf32, #tpu.memory_space<vmem>>) target(%dma_start3A_73 : memref<80x128xf32, #tpu.memory_space<vmem_shared>>) target_semaphore(%run_scoped3A_69 : memref<!tpu.dma_semaphore, #tpu.memory_space<semaphore_mem>>)
      %dma_wait3A_74 = arith.constant 0 : i32
      %dma_wait3A_75 = tpu.memref_slice %arg10[%add3A_24, %dma_wait3A_74] : memref<10000x128xf32, #tpu.memory_space<vmem_shared>> -> memref<80x128xf32, #tpu.memory_space<vmem_shared>>
      %dma_wait3A_76 = arith.constant 0 : i32
      %dma_wait3A_77 = tpu.memref_slice %arg10[%add3A_24, %dma_wait3A_76] : memref<10000x128xf32, #tpu.memory_space<vmem_shared>> -> memref<80x128xf32, #tpu.memory_space<vmem_shared>>
      tpu.wait_dma2 semaphore(%run_scoped3A_69 : memref<!tpu.dma_semaphore, #tpu.memory_space<semaphore_mem>>) src(%arg8 : memref<80x128xf32, #tpu.memory_space<vmem>>) dst(%dma_wait3A_77 : memref<80x128xf32, #tpu.memory_space<vmem_shared>>)
      tpu.yield
    }) : () -> ()
    %add3A_25 = arith.constant 240 : i32
    %add3A_26 = arith.addi %mul3A_2, %add3A_25 : i32
    "tpu.region"() ({
      %run_scoped3A_69 = tpu.sem_alloc : memref<!tpu.dma_semaphore, #tpu.memory_space<semaphore_mem>>
      %dma_start3A_70 = arith.constant 0 : i32
      %dma_start3A_71 = tpu.memref_slice %arg10[%add3A_26, %dma_start3A_70] : memref<10000x128xf32, #tpu.memory_space<vmem_shared>> -> memref<80x128xf32, #tpu.memory_space<vmem_shared>>
      %dma_start3A_72 = arith.constant 0 : i32
      %dma_start3A_73 = tpu.memref_slice %arg10[%add3A_26, %dma_start3A_72] : memref<10000x128xf32, #tpu.memory_space<vmem_shared>> -> memref<80x128xf32, #tpu.memory_space<vmem_shared>>
      tpu.enqueue_dma source(%arg8 : memref<80x128xf32, #tpu.memory_space<vmem>>) target(%dma_start3A_73 : memref<80x128xf32, #tpu.memory_space<vmem_shared>>) target_semaphore(%run_scoped3A_69 : memref<!tpu.dma_semaphore, #tpu.memory_space<semaphore_mem>>)
      %dma_wait3A_74 = arith.constant 0 : i32
      %dma_wait3A_75 = tpu.memref_slice %arg10[%add3A_26, %dma_wait3A_74] : memref<10000x128xf32, #tpu.memory_space<vmem_shared>> -> memref<80x128xf32, #tpu.memory_space<vmem_shared>>
      %dma_wait3A_76 = arith.constant 0 : i32
      %dma_wait3A_77 = tpu.memref_slice %arg10[%add3A_26, %dma_wait3A_76] : memref<10000x128xf32, #tpu.memory_space<vmem_shared>> -> memref<80x128xf32, #tpu.memory_space<vmem_shared>>
      tpu.wait_dma2 semaphore(%run_scoped3A_69 : memref<!tpu.dma_semaphore, #tpu.memory_space<semaphore_mem>>) src(%arg8 : memref<80x128xf32, #tpu.memory_space<vmem>>) dst(%dma_wait3A_77 : memref<80x128xf32, #tpu.memory_space<vmem_shared>>)
      tpu.yield
    }) : () -> ()
    %add3A_27 = arith.constant 320 : i32
    %add3A_28 = arith.addi %mul3A_2, %add3A_27 : i32
    "tpu.region"() ({
      %run_scoped3A_69 = tpu.sem_alloc : memref<!tpu.dma_semaphore, #tpu.memory_space<semaphore_mem>>
      %dma_start3A_70 = arith.constant 0 : i32
      %dma_start3A_71 = tpu.memref_slice %arg10[%add3A_28, %dma_start3A_70] : memref<10000x128xf32, #tpu.memory_space<vmem_shared>> -> memref<80x128xf32, #tpu.memory_space<vmem_shared>>
      %dma_start3A_72 = arith.constant 0 : i32
      %dma_start3A_73 = tpu.memref_slice %arg10[%add3A_28, %dma_start3A_72] : memref<10000x128xf32, #tpu.memory_space<vmem_shared>> -> memref<80x128xf32, #tpu.memory_space<vmem_shared>>
      tpu.enqueue_dma source(%arg8 : memref<80x128xf32, #tpu.memory_space<vmem>>) target(%dma_start3A_73 : memref<80x128xf32, #tpu.memory_space<vmem_shared>>) target_semaphore(%run_scoped3A_69 : memref<!tpu.dma_semaphore, #tpu.memory_space<semaphore_mem>>)
      %dma_wait3A_74 = arith.constant 0 : i32
      %dma_wait3A_75 = tpu.memref_slice %arg10[%add3A_28, %dma_wait3A_74] : memref<10000x128xf32, #tpu.memory_space<vmem_shared>> -> memref<80x128xf32, #tpu.memory_space<vmem_shared>>
      %dma_wait3A_76 = arith.constant 0 : i32
      %dma_wait3A_77 = tpu.memref_slice %arg10[%add3A_28, %dma_wait3A_76] : memref<10000x128xf32, #tpu.memory_space<vmem_shared>> -> memref<80x128xf32, #tpu.memory_space<vmem_shared>>
      tpu.wait_dma2 semaphore(%run_scoped3A_69 : memref<!tpu.dma_semaphore, #tpu.memory_space<semaphore_mem>>) src(%arg8 : memref<80x128xf32, #tpu.memory_space<vmem>>) dst(%dma_wait3A_77 : memref<80x128xf32, #tpu.memory_space<vmem_shared>>)
      tpu.yield
    }) : () -> ()
    %add3A_29 = arith.constant 400 : i32
    %add3A_30 = arith.addi %mul3A_2, %add3A_29 : i32
    "tpu.region"() ({
      %run_scoped3A_69 = tpu.sem_alloc : memref<!tpu.dma_semaphore, #tpu.memory_space<semaphore_mem>>
      %dma_start3A_70 = arith.constant 0 : i32
      %dma_start3A_71 = tpu.memref_slice %arg10[%add3A_30, %dma_start3A_70] : memref<10000x128xf32, #tpu.memory_space<vmem_shared>> -> memref<80x128xf32, #tpu.memory_space<vmem_shared>>
      %dma_start3A_72 = arith.constant 0 : i32
      %dma_start3A_73 = tpu.memref_slice %arg10[%add3A_30, %dma_start3A_72] : memref<10000x128xf32, #tpu.memory_space<vmem_shared>> -> memref<80x128xf32, #tpu.memory_space<vmem_shared>>
      tpu.enqueue_dma source(%arg8 : memref<80x128xf32, #tpu.memory_space<vmem>>) target(%dma_start3A_73 : memref<80x128xf32, #tpu.memory_space<vmem_shared>>) target_semaphore(%run_scoped3A_69 : memref<!tpu.dma_semaphore, #tpu.memory_space<semaphore_mem>>)
      %dma_wait3A_74 = arith.constant 0 : i32
      %dma_wait3A_75 = tpu.memref_slice %arg10[%add3A_30, %dma_wait3A_74] : memref<10000x128xf32, #tpu.memory_space<vmem_shared>> -> memref<80x128xf32, #tpu.memory_space<vmem_shared>>
      %dma_wait3A_76 = arith.constant 0 : i32
      %dma_wait3A_77 = tpu.memref_slice %arg10[%add3A_30, %dma_wait3A_76] : memref<10000x128xf32, #tpu.memory_space<vmem_shared>> -> memref<80x128xf32, #tpu.memory_space<vmem_shared>>
      tpu.wait_dma2 semaphore(%run_scoped3A_69 : memref<!tpu.dma_semaphore, #tpu.memory_space<semaphore_mem>>) src(%arg8 : memref<80x128xf32, #tpu.memory_space<vmem>>) dst(%dma_wait3A_77 : memref<80x128xf32, #tpu.memory_space<vmem_shared>>)
      tpu.yield
    }) : () -> ()
    %add3A_31 = arith.constant 480 : i32
    %add3A_32 = arith.addi %mul3A_2, %add3A_31 : i32
    "tpu.region"() ({
      %run_scoped3A_69 = tpu.sem_alloc : memref<!tpu.dma_semaphore, #tpu.memory_space<semaphore_mem>>
      %dma_start3A_70 = arith.constant 0 : i32
      %dma_start3A_71 = tpu.memref_slice %arg10[%add3A_32, %dma_start3A_70] : memref<10000x128xf32, #tpu.memory_space<vmem_shared>> -> memref<80x128xf32, #tpu.memory_space<vmem_shared>>
      %dma_start3A_72 = arith.constant 0 : i32
      %dma_start3A_73 = tpu.memref_slice %arg10[%add3A_32, %dma_start3A_72] : memref<10000x128xf32, #tpu.memory_space<vmem_shared>> -> memref<80x128xf32, #tpu.memory_space<vmem_shared>>
      tpu.enqueue_dma source(%arg8 : memref<80x128xf32, #tpu.memory_space<vmem>>) target(%dma_start3A_73 : memref<80x128xf32, #tpu.memory_space<vmem_shared>>) target_semaphore(%run_scoped3A_69 : memref<!tpu.dma_semaphore, #tpu.memory_space<semaphore_mem>>)
      %dma_wait3A_74 = arith.constant 0 : i32
      %dma_wait3A_75 = tpu.memref_slice %arg10[%add3A_32, %dma_wait3A_74] : memref<10000x128xf32, #tpu.memory_space<vmem_shared>> -> memref<80x128xf32, #tpu.memory_space<vmem_shared>>
      %dma_wait3A_76 = arith.constant 0 : i32
      %dma_wait3A_77 = tpu.memref_slice %arg10[%add3A_32, %dma_wait3A_76] : memref<10000x128xf32, #tpu.memory_space<vmem_shared>> -> memref<80x128xf32, #tpu.memory_space<vmem_shared>>
      tpu.wait_dma2 semaphore(%run_scoped3A_69 : memref<!tpu.dma_semaphore, #tpu.memory_space<semaphore_mem>>) src(%arg8 : memref<80x128xf32, #tpu.memory_space<vmem>>) dst(%dma_wait3A_77 : memref<80x128xf32, #tpu.memory_space<vmem_shared>>)
      tpu.yield
    }) : () -> ()
    %add3A_33 = arith.constant 560 : i32
    %add3A_34 = arith.addi %mul3A_2, %add3A_33 : i32
    "tpu.region"() ({
      %run_scoped3A_69 = tpu.sem_alloc : memref<!tpu.dma_semaphore, #tpu.memory_space<semaphore_mem>>
      %dma_start3A_70 = arith.constant 0 : i32
      %dma_start3A_71 = tpu.memref_slice %arg10[%add3A_34, %dma_start3A_70] : memref<10000x128xf32, #tpu.memory_space<vmem_shared>> -> memref<80x128xf32, #tpu.memory_space<vmem_shared>>
      %dma_start3A_72 = arith.constant 0 : i32
      %dma_start3A_73 = tpu.memref_slice %arg10[%add3A_34, %dma_start3A_72] : memref<10000x128xf32, #tpu.memory_space<vmem_shared>> -> memref<80x128xf32, #tpu.memory_space<vmem_shared>>
      tpu.enqueue_dma source(%arg8 : memref<80x128xf32, #tpu.memory_space<vmem>>) target(%dma_start3A_73 : memref<80x128xf32, #tpu.memory_space<vmem_shared>>) target_semaphore(%run_scoped3A_69 : memref<!tpu.dma_semaphore, #tpu.memory_space<semaphore_mem>>)
      %dma_wait3A_74 = arith.constant 0 : i32
      %dma_wait3A_75 = tpu.memref_slice %arg10[%add3A_34, %dma_wait3A_74] : memref<10000x128xf32, #tpu.memory_space<vmem_shared>> -> memref<80x128xf32, #tpu.memory_space<vmem_shared>>
      %dma_wait3A_76 = arith.constant 0 : i32
      %dma_wait3A_77 = tpu.memref_slice %arg10[%add3A_34, %dma_wait3A_76] : memref<10000x128xf32, #tpu.memory_space<vmem_shared>> -> memref<80x128xf32, #tpu.memory_space<vmem_shared>>
      tpu.wait_dma2 semaphore(%run_scoped3A_69 : memref<!tpu.dma_semaphore, #tpu.memory_space<semaphore_mem>>) src(%arg8 : memref<80x128xf32, #tpu.memory_space<vmem>>) dst(%dma_wait3A_77 : memref<80x128xf32, #tpu.memory_space<vmem_shared>>)
      tpu.yield
    }) : () -> ()
    %dma_wait3A = tpu.memref_slice %arg3[%mul3A_4] : memref<320000xi32, #tpu.memory_space<hbm>> -> memref<10000xi32, #tpu.memory_space<hbm>>
    %dma_wait3A_35 = tpu.memref_slice %arg3[%mul3A_4] : memref<320000xi32, #tpu.memory_space<hbm>> -> memref<10000xi32, #tpu.memory_space<hbm>>
    tpu.wait_dma2 semaphore(%arg11 : memref<!tpu.dma_semaphore, #tpu.memory_space<semaphore_mem>>) src(%dma_wait3A_35 : memref<10000xi32, #tpu.memory_space<hbm>>) dst(%arg7 : memref<10000xi32, #tpu.memory_space<vmem>>)
    %dma_wait3A_36 = arith.constant 0 : i32
    %dma_wait3A_37 = arith.constant 0 : i32
    %dma_wait3A_38 = tpu.memref_slice %arg4[%add3A, %dma_wait3A_36, %dma_wait3A_37] : memref<32x125x80xi32, #tpu.memory_space<hbm>> -> memref<1x125x80xi32, #tpu.memory_space<hbm>>
    %dma_wait3A_39 = tpu.memref_squeeze %dma_wait3A_38 : memref<1x125x80xi32, #tpu.memory_space<hbm>> -> memref<125x80xi32, #tpu.memory_space<hbm>>
    %dma_wait3A_40 = arith.constant 0 : i32
    %dma_wait3A_41 = arith.constant 0 : i32
    %dma_wait3A_42 = tpu.memref_slice %arg4[%add3A, %dma_wait3A_40, %dma_wait3A_41] : memref<32x125x80xi32, #tpu.memory_space<hbm>> -> memref<1x125x80xi32, #tpu.memory_space<hbm>>
    %dma_wait3A_43 = tpu.memref_squeeze %dma_wait3A_42 : memref<1x125x80xi32, #tpu.memory_space<hbm>> -> memref<125x80xi32, #tpu.memory_space<hbm>>
    tpu.wait_dma2 semaphore(%arg12 : memref<!tpu.dma_semaphore, #tpu.memory_space<semaphore_mem>>) src(%dma_wait3A_43 : memref<125x80xi32, #tpu.memory_space<hbm>>) dst(%arg6 : memref<125x80xi32, #tpu.memory_space<vmem>>)
    %barrier3A = arith.constant 0 : index
    tpu.barrier barrier_id(%barrier3A)
    %dma_start3A_44 = arith.constant 0 : i32
    %dma_start3A_45 = tpu.memref_slice %arg7[%dma_start3A_44] : memref<10000xi32, #tpu.memory_space<vmem>> -> memref<80xi32, #tpu.memory_space<vmem>>
    %dma_start3A_46 = arith.constant 0 : i32
    %dma_start3A_47 = arith.constant 0 : i32
    %dma_start3A_48 = tpu.memref_slice %arg2[%dma_start3A_46, %dma_start3A_47] : memref<90000x128xf32, #tpu.memory_space<hbm>> -> memref<90000x128xf32, #tpu.memory_space<hbm>>
    tpu.enqueue_indirect_dma source(%dma_start3A_48 : memref<90000x128xf32, #tpu.memory_space<hbm>>) target(%arg8 : memref<80x128xf32, #tpu.memory_space<vmem>>) offsets(%dma_start3A_45 : memref<80xi32, #tpu.memory_space<vmem>>) semaphore(%arg11 : memref<!tpu.dma_semaphore, #tpu.memory_space<semaphore_mem>>)
    %dma_start3A_49 = arith.constant 80 : i32
    %dma_start3A_50 = tpu.memref_slice %arg7[%dma_start3A_49] : memref<10000xi32, #tpu.memory_space<vmem>> -> memref<80xi32, #tpu.memory_space<vmem>>
    %dma_start3A_51 = arith.constant 0 : i32
    %dma_start3A_52 = arith.constant 0 : i32
    %dma_start3A_53 = tpu.memref_slice %arg2[%dma_start3A_51, %dma_start3A_52] : memref<90000x128xf32, #tpu.memory_space<hbm>> -> memref<90000x128xf32, #tpu.memory_space<hbm>>
    tpu.enqueue_indirect_dma source(%dma_start3A_53 : memref<90000x128xf32, #tpu.memory_space<hbm>>) target(%arg9 : memref<80x128xf32, #tpu.memory_space<vmem>>) offsets(%dma_start3A_50 : memref<80xi32, #tpu.memory_space<vmem>>) semaphore(%arg12 : memref<!tpu.dma_semaphore, #tpu.memory_space<semaphore_mem>>)
    %scan3A_54 = arith.constant 0 : i32
    %scan3A_55 = arith.constant 0 : i32
    %scan3A_56 = arith.constant 62 : i32
    %scan3A_57 = arith.addi %scan3A_55, %scan3A_56 : i32
    %scan3A_58 = arith.constant 1 : i32
    scf.for %scan3A_69 = %scan3A_55 to %scan3A_57 step %scan3A_58  : i32 {
      %mul3A_70 = arith.constant 2 : i32
      %mul3A_71 = arith.muli %mul3A_70, %scan3A_69 : i32
      %dma_wait3A_72 = arith.constant 0 : i32
      %dma_wait3A_73 = tpu.memref_slice %arg7[%dma_wait3A_72] : memref<10000xi32, #tpu.memory_space<vmem>> -> memref<80xi32, #tpu.memory_space<vmem>>
      %dma_wait3A_74 = arith.constant 0 : i32
      %dma_wait3A_75 = arith.constant 0 : i32
      %dma_wait3A_76 = tpu.memref_slice %arg2[%dma_wait3A_74, %dma_wait3A_75] : memref<90000x128xf32, #tpu.memory_space<hbm>> -> memref<90000x128xf32, #tpu.memory_space<hbm>>
      tpu.wait_indirect_dma semaphore(%arg11 : memref<!tpu.dma_semaphore, #tpu.memory_space<semaphore_mem>>) src(%dma_wait3A_76 : memref<90000x128xf32, #tpu.memory_space<hbm>>) dst(%arg8 : memref<80x128xf32, #tpu.memory_space<vmem>>)
      "tpu.region"() ({
        %run_scoped3A_94 = tpu.sem_alloc : memref<!tpu.dma_semaphore, #tpu.memory_space<semaphore_mem>>
        %dma_start3A_95 = arith.constant 0 : i32
        %dma_start3A_96 = tpu.memref_slice %arg6[%mul3A_71, %dma_start3A_95] : memref<125x80xi32, #tpu.memory_space<vmem>> -> memref<1x80xi32, #tpu.memory_space<vmem>>
        %dma_start3A_97 = tpu.memref_squeeze %dma_start3A_96 : memref<1x80xi32, #tpu.memory_space<vmem>> -> memref<80xi32, #tpu.memory_space<vmem>>
        %dma_start3A_98 = arith.constant 0 : i32
        %dma_start3A_99 = arith.constant 0 : i32
        %dma_start3A_100 = tpu.memref_slice %arg10[%dma_start3A_98, %dma_start3A_99] : memref<10000x128xf32, #tpu.memory_space<vmem_shared>> -> memref<10000x128xf32, #tpu.memory_space<vmem_shared>>
        tpu.enqueue_indirect_dma source(%arg8 : memref<80x128xf32, #tpu.memory_space<vmem>>) target(%dma_start3A_100 : memref<10000x128xf32, #tpu.memory_space<vmem_shared>>) offsets(%dma_start3A_97 : memref<80xi32, #tpu.memory_space<vmem>>) semaphore(%run_scoped3A_94 : memref<!tpu.dma_semaphore, #tpu.memory_space<semaphore_mem>>) {add = true}
        %dma_wait3A_101 = arith.constant 0 : i32
        %dma_wait3A_102 = tpu.memref_slice %arg6[%mul3A_71, %dma_wait3A_101] : memref<125x80xi32, #tpu.memory_space<vmem>> -> memref<1x80xi32, #tpu.memory_space<vmem>>
        %dma_wait3A_103 = tpu.memref_squeeze %dma_wait3A_102 : memref<1x80xi32, #tpu.memory_space<vmem>> -> memref<80xi32, #tpu.memory_space<vmem>>
        %dma_wait3A_104 = arith.constant 0 : i32
        %dma_wait3A_105 = arith.constant 0 : i32
        %dma_wait3A_106 = tpu.memref_slice %arg10[%dma_wait3A_104, %dma_wait3A_105] : memref<10000x128xf32, #tpu.memory_space<vmem_shared>> -> memref<10000x128xf32, #tpu.memory_space<vmem_shared>>
        tpu.wait_indirect_dma semaphore(%run_scoped3A_94 : memref<!tpu.dma_semaphore, #tpu.memory_space<semaphore_mem>>) src(%arg8 : memref<80x128xf32, #tpu.memory_space<vmem>>) dst(%dma_wait3A_106 : memref<10000x128xf32, #tpu.memory_space<vmem_shared>>)
        tpu.yield
      }) : () -> ()
      %add3A_77 = arith.constant 2 : i32
      %add3A_78 = arith.addi %mul3A_71, %add3A_77 : i32
      %mul3A_79 = arith.constant 80 : i32
      %mul3A_80 = arith.muli %add3A_78, %mul3A_79 : i32
      %dma_start3A_81 = tpu.memref_slice %arg7[%mul3A_80] : memref<10000xi32, #tpu.memory_space<vmem>> -> memref<80xi32, #tpu.memory_space<vmem>>
      %dma_start3A_82 = arith.constant 0 : i32
      %dma_start3A_83 = arith.constant 0 : i32
      %dma_start3A_84 = tpu.memref_slice %arg2[%dma_start3A_82, %dma_start3A_83] : memref<90000x128xf32, #tpu.memory_space<hbm>> -> memref<90000x128xf32, #tpu.memory_space<hbm>>
      tpu.enqueue_indirect_dma source(%dma_start3A_84 : memref<90000x128xf32, #tpu.memory_space<hbm>>) target(%arg8 : memref<80x128xf32, #tpu.memory_space<vmem>>) offsets(%dma_start3A_81 : memref<80xi32, #tpu.memory_space<vmem>>) semaphore(%arg11 : memref<!tpu.dma_semaphore, #tpu.memory_space<semaphore_mem>>)
      %dma_wait3A_85 = arith.constant 0 : i32
      %dma_wait3A_86 = tpu.memref_slice %arg7[%dma_wait3A_85] : memref<10000xi32, #tpu.memory_space<vmem>> -> memref<80xi32, #tpu.memory_space<vmem>>
      %dma_wait3A_87 = arith.constant 0 : i32
      %dma_wait3A_88 = arith.constant 0 : i32
      %dma_wait3A_89 = tpu.memref_slice %arg2[%dma_wait3A_87, %dma_wait3A_88] : memref<90000x128xf32, #tpu.memory_space<hbm>> -> memref<90000x128xf32, #tpu.memory_space<hbm>>
      tpu.wait_indirect_dma semaphore(%arg12 : memref<!tpu.dma_semaphore, #tpu.memory_space<semaphore_mem>>) src(%dma_wait3A_89 : memref<90000x128xf32, #tpu.memory_space<hbm>>) dst(%arg9 : memref<80x128xf32, #tpu.memory_space<vmem>>)
      %add3A_90 = arith.constant 1 : i32
      %add3A_91 = arith.addi %mul3A_71, %add3A_90 : i32
      "tpu.region"() ({
        %run_scoped3A_94 = tpu.sem_alloc : memref<!tpu.dma_semaphore, #tpu.memory_space<semaphore_mem>>
        %dma_start3A_95 = arith.constant 0 : i32
        %dma_start3A_96 = tpu.memref_slice %arg6[%add3A_91, %dma_start3A_95] : memref<125x80xi32, #tpu.memory_space<vmem>> -> memref<1x80xi32, #tpu.memory_space<vmem>>
        %dma_start3A_97 = tpu.memref_squeeze %dma_start3A_96 : memref<1x80xi32, #tpu.memory_space<vmem>> -> memref<80xi32, #tpu.memory_space<vmem>>
        %dma_start3A_98 = arith.constant 0 : i32
        %dma_start3A_99 = arith.constant 0 : i32
        %dma_start3A_100 = tpu.memref_slice %arg10[%dma_start3A_98, %dma_start3A_99] : memref<10000x128xf32, #tpu.memory_space<vmem_shared>> -> memref<10000x128xf32, #tpu.memory_space<vmem_shared>>
        tpu.enqueue_indirect_dma source(%arg9 : memref<80x128xf32, #tpu.memory_space<vmem>>) target(%dma_start3A_100 : memref<10000x128xf32, #tpu.memory_space<vmem_shared>>) offsets(%dma_start3A_97 : memref<80xi32, #tpu.memory_space<vmem>>) semaphore(%run_scoped3A_94 : memref<!tpu.dma_semaphore, #tpu.memory_space<semaphore_mem>>) {add = true}
        %dma_wait3A_101 = arith.constant 0 : i32
        %dma_wait3A_102 = tpu.memref_slice %arg6[%add3A_91, %dma_wait3A_101] : memref<125x80xi32, #tpu.memory_space<vmem>> -> memref<1x80xi32, #tpu.memory_space<vmem>>
        %dma_wait3A_103 = tpu.memref_squeeze %dma_wait3A_102 : memref<1x80xi32, #tpu.memory_space<vmem>> -> memref<80xi32, #tpu.memory_space<vmem>>
        %dma_wait3A_104 = arith.constant 0 : i32
        %dma_wait3A_105 = arith.constant 0 : i32
        %dma_wait3A_106 = tpu.memref_slice %arg10[%dma_wait3A_104, %dma_wait3A_105] : memref<10000x128xf32, #tpu.memory_space<vmem_shared>> -> memref<10000x128xf32, #tpu.memory_space<vmem_shared>>
        tpu.wait_indirect_dma semaphore(%run_scoped3A_94 : memref<!tpu.dma_semaphore, #tpu.memory_space<semaphore_mem>>) src(%arg9 : memref<80x128xf32, #tpu.memory_space<vmem>>) dst(%dma_wait3A_106 : memref<10000x128xf32, #tpu.memory_space<vmem_shared>>)
        tpu.yield
      }) : () -> ()
      %lt3A = arith.constant 61 : i32
      %lt3A_92 = arith.cmpi slt, %scan3A_69, %lt3A : i32
      %convert_element_type3A = arith.extui %lt3A_92 : i1 to i32
      %cond3A = arith.constant 0 : i32
      %cond3A_93 = arith.cmpi ne, %convert_element_type3A, %cond3A : i32
      scf.if %cond3A_93 {
        %add3A_94 = arith.constant 3 : i32
        %add3A_95 = arith.addi %mul3A_71, %add3A_94 : i32
        %mul3A_96 = arith.constant 80 : i32
        %mul3A_97 = arith.muli %add3A_95, %mul3A_96 : i32
        %dma_start3A_98 = tpu.memref_slice %arg7[%mul3A_97] : memref<10000xi32, #tpu.memory_space<vmem>> -> memref<80xi32, #tpu.memory_space<vmem>>
        %dma_start3A_99 = arith.constant 0 : i32
        %dma_start3A_100 = arith.constant 0 : i32
        %dma_start3A_101 = tpu.memref_slice %arg2[%dma_start3A_99, %dma_start3A_100] : memref<90000x128xf32, #tpu.memory_space<hbm>> -> memref<90000x128xf32, #tpu.memory_space<hbm>>
        tpu.enqueue_indirect_dma source(%dma_start3A_101 : memref<90000x128xf32, #tpu.memory_space<hbm>>) target(%arg9 : memref<80x128xf32, #tpu.memory_space<vmem>>) offsets(%dma_start3A_98 : memref<80xi32, #tpu.memory_space<vmem>>) semaphore(%arg12 : memref<!tpu.dma_semaphore, #tpu.memory_space<semaphore_mem>>)
      } else {
      }
    }
    %scan3A_59 = arith.constant 62 : i32
    %dma_wait3A_60 = arith.constant 0 : i32
    %dma_wait3A_61 = tpu.memref_slice %arg7[%dma_wait3A_60] : memref<10000xi32, #tpu.memory_space<vmem>> -> memref<80xi32, #tpu.memory_space<vmem>>
    %dma_wait3A_62 = arith.constant 0 : i32
    %dma_wait3A_63 = arith.constant 0 : i32
    %dma_wait3A_64 = tpu.memref_slice %arg2[%dma_wait3A_62, %dma_wait3A_63] : memref<90000x128xf32, #tpu.memory_space<hbm>> -> memref<90000x128xf32, #tpu.memory_space<hbm>>
    tpu.wait_indirect_dma semaphore(%arg11 : memref<!tpu.dma_semaphore, #tpu.memory_space<semaphore_mem>>) src(%dma_wait3A_64 : memref<90000x128xf32, #tpu.memory_space<hbm>>) dst(%arg8 : memref<80x128xf32, #tpu.memory_space<vmem>>)
    %run_scoped3A = arith.constant 124 : i32
    "tpu.region"() ({
      %run_scoped3A_69 = tpu.sem_alloc : memref<!tpu.dma_semaphore, #tpu.memory_space<semaphore_mem>>
      %dma_start3A_70 = arith.constant 0 : i32
      %dma_start3A_71 = tpu.memref_slice %arg6[%run_scoped3A, %dma_start3A_70] : memref<125x80xi32, #tpu.memory_space<vmem>> -> memref<1x80xi32, #tpu.memory_space<vmem>>
      %dma_start3A_72 = tpu.memref_squeeze %dma_start3A_71 : memref<1x80xi32, #tpu.memory_space<vmem>> -> memref<80xi32, #tpu.memory_space<vmem>>
      %dma_start3A_73 = arith.constant 0 : i32
      %dma_start3A_74 = arith.constant 0 : i32
      %dma_start3A_75 = tpu.memref_slice %arg10[%dma_start3A_73, %dma_start3A_74] : memref<10000x128xf32, #tpu.memory_space<vmem_shared>> -> memref<10000x128xf32, #tpu.memory_space<vmem_shared>>
      tpu.enqueue_indirect_dma source(%arg8 : memref<80x128xf32, #tpu.memory_space<vmem>>) target(%dma_start3A_75 : memref<10000x128xf32, #tpu.memory_space<vmem_shared>>) offsets(%dma_start3A_72 : memref<80xi32, #tpu.memory_space<vmem>>) semaphore(%run_scoped3A_69 : memref<!tpu.dma_semaphore, #tpu.memory_space<semaphore_mem>>) {add = true}
      %dma_wait3A_76 = arith.constant 0 : i32
      %dma_wait3A_77 = tpu.memref_slice %arg6[%run_scoped3A, %dma_wait3A_76] : memref<125x80xi32, #tpu.memory_space<vmem>> -> memref<1x80xi32, #tpu.memory_space<vmem>>
      %dma_wait3A_78 = tpu.memref_squeeze %dma_wait3A_77 : memref<1x80xi32, #tpu.memory_space<vmem>> -> memref<80xi32, #tpu.memory_space<vmem>>
      %dma_wait3A_79 = arith.constant 0 : i32
      %dma_wait3A_80 = arith.constant 0 : i32
      %dma_wait3A_81 = tpu.memref_slice %arg10[%dma_wait3A_79, %dma_wait3A_80] : memref<10000x128xf32, #tpu.memory_space<vmem_shared>> -> memref<10000x128xf32, #tpu.memory_space<vmem_shared>>
      tpu.wait_indirect_dma semaphore(%run_scoped3A_69 : memref<!tpu.dma_semaphore, #tpu.memory_space<semaphore_mem>>) src(%arg8 : memref<80x128xf32, #tpu.memory_space<vmem>>) dst(%dma_wait3A_81 : memref<10000x128xf32, #tpu.memory_space<vmem_shared>>)
      tpu.yield
    }) : () -> ()
    %barrier3A_65 = arith.constant 0 : index
    tpu.barrier barrier_id(%barrier3A_65)
    %mul3A_66 = arith.constant 10000 : i32
    %mul3A_67 = arith.muli %arg0, %mul3A_66 : i32
    %add3A_68 = arith.addi %mul3A_67, %mul3A_2 : i32
    "tpu.region"() ({
      %run_scoped3A_69 = tpu.sem_alloc : memref<!tpu.dma_semaphore, #tpu.memory_space<semaphore_mem>>
      %dma_start3A_70 = arith.constant 0 : i32
      %dma_start3A_71 = tpu.memref_slice %arg5[%add3A_68, %dma_start3A_70] : memref<20000x128xf32, #tpu.memory_space<hbm>> -> memref<640x128xf32, #tpu.memory_space<hbm>>
      %dma_start3A_72 = arith.constant 0 : i32
      %dma_start3A_73 = tpu.memref_slice %arg10[%mul3A_2, %dma_start3A_72] : memref<10000x128xf32, #tpu.memory_space<vmem_shared>> -> memref<640x128xf32, #tpu.memory_space<vmem_shared>>
      tpu.enqueue_dma source(%dma_start3A_73 : memref<640x128xf32, #tpu.memory_space<vmem_shared>>) target(%dma_start3A_71 : memref<640x128xf32, #tpu.memory_space<hbm>>) target_semaphore(%run_scoped3A_69 : memref<!tpu.dma_semaphore, #tpu.memory_space<semaphore_mem>>)
      %dma_wait3A_74 = arith.constant 0 : i32
      %dma_wait3A_75 = tpu.memref_slice %arg5[%add3A_68, %dma_wait3A_74] : memref<20000x128xf32, #tpu.memory_space<hbm>> -> memref<640x128xf32, #tpu.memory_space<hbm>>
      %dma_wait3A_76 = arith.constant 0 : i32
      %dma_wait3A_77 = tpu.memref_slice %arg10[%mul3A_2, %dma_wait3A_76] : memref<10000x128xf32, #tpu.memory_space<vmem_shared>> -> memref<640x128xf32, #tpu.memory_space<vmem_shared>>
      tpu.wait_dma2 semaphore(%run_scoped3A_69 : memref<!tpu.dma_semaphore, #tpu.memory_space<semaphore_mem>>) src(%dma_wait3A_77 : memref<640x128xf32, #tpu.memory_space<vmem_shared>>) dst(%dma_wait3A_75 : memref<640x128xf32, #tpu.memory_space<hbm>>)
      tpu.yield
    }) : () -> ()
    return
  }
}

module attributes {stable_mosaic.version = 14 : i64} {
  func.func @body(%arg0: i32, %arg1: memref<8x4xf32, #tpu.memory_space<smem>>, %arg2: memref<4x128x128xf32, #tpu.memory_space<vmem>>, %arg3: memref<128x128xf32, #tpu.memory_space<vmem>>, %arg4: memref<2000x128xf32, #tpu.memory_space<vmem>>, %arg5: memref<8x8000xi32, #tpu.memory_space<vmem>>, %arg6: memref<8x8000xi32, #tpu.memory_space<vmem>>, %arg7: memref<9x2000x128xf32, #tpu.memory_space<vmem>>, %arg8: memref<8x8000xi32, #tpu.memory_space<vmem>>, %arg9: memref<9x128x128xf32, #tpu.memory_space<vmem>>) attributes {dimension_semantics = [#tpu.dimension_semantics<arbitrary>], iteration_bounds = array<i64: 5>, scalar_prefetch = 0 : i64, scratch_operands = 1 : i64, tpu.core_type = #tpu.core_type<tc>, window_params = [{transform_indices = @transform_0, window_bounds = array<i64: 8, 4>}, {pipeline_mode = #tpu.pipeline_mode<synchronous>, transform_indices = @transform_1, window_bounds = array<i64: 4, 128, 128>}, {pipeline_mode = #tpu.pipeline_mode<synchronous>, transform_indices = @transform_2, window_bounds = array<i64: 128, 128>}, {transform_indices = @transform_3, window_bounds = array<i64: 2000, 128>}, {transform_indices = @transform_4, window_bounds = array<i64: 8, 8000>}, {transform_indices = @transform_5, window_bounds = array<i64: 8, 8000>}, {transform_indices = @transform_6, window_bounds = array<i64: 9, 2000, 128>}, {transform_indices = @transform_7, window_bounds = array<i64: 8, 8000>}]} {
    %eq3A = arith.constant 0 : i32
    %eq3A_0 = arith.cmpi eq, %arg0, %eq3A : i32
    %convert_element_type3A = arith.extui %eq3A_0 : i1 to i32
    %cond3A = arith.constant 0 : i32
    %cond3A_1 = arith.cmpi ne, %convert_element_type3A, %cond3A : i32
    scf.if %cond3A_1 {
      %get3A_130 = arith.constant 0 : index
      %get3A_131 = arith.constant 0 : index
      %get3A_132 = memref.load %arg1[%get3A_130, %get3A_131] : memref<8x4xf32, #tpu.memory_space<smem>>
      %get3A_133 = arith.constant 0 : index
      %get3A_134 = arith.constant 0 : index
      %get3A_135 = arith.constant 0 : index
      %get3A_136 = vector.load %arg2[%get3A_133, %get3A_134, %get3A_135] : memref<4x128x128xf32, #tpu.memory_space<vmem>>, vector<1x128x128xf32>
      %get3A_137 = vector.shape_cast %get3A_136 : vector<1x128x128xf32> to vector<128x128xf32>
      %mul3A_138 = vector.broadcast %get3A_132 : f32 to vector<128x128xf32>
      %mul3A_139 = arith.mulf %mul3A_138, %get3A_137 : vector<128x128xf32>
      %get3A_140 = arith.constant 0 : index
      %get3A_141 = arith.constant 1 : index
      %get3A_142 = memref.load %arg1[%get3A_140, %get3A_141] : memref<8x4xf32, #tpu.memory_space<smem>>
      %get3A_143 = arith.constant 1 : index
      %get3A_144 = arith.constant 0 : index
      %get3A_145 = arith.constant 0 : index
      %get3A_146 = vector.load %arg2[%get3A_143, %get3A_144, %get3A_145] : memref<4x128x128xf32, #tpu.memory_space<vmem>>, vector<1x128x128xf32>
      %get3A_147 = vector.shape_cast %get3A_146 : vector<1x128x128xf32> to vector<128x128xf32>
      %mul3A_148 = vector.broadcast %get3A_142 : f32 to vector<128x128xf32>
      %mul3A_149 = arith.mulf %mul3A_148, %get3A_147 : vector<128x128xf32>
      %add3A_150 = arith.addf %mul3A_139, %mul3A_149 : vector<128x128xf32>
      %get3A_151 = arith.constant 0 : index
      %get3A_152 = arith.constant 2 : index
      %get3A_153 = memref.load %arg1[%get3A_151, %get3A_152] : memref<8x4xf32, #tpu.memory_space<smem>>
      %get3A_154 = arith.constant 2 : index
      %get3A_155 = arith.constant 0 : index
      %get3A_156 = arith.constant 0 : index
      %get3A_157 = vector.load %arg2[%get3A_154, %get3A_155, %get3A_156] : memref<4x128x128xf32, #tpu.memory_space<vmem>>, vector<1x128x128xf32>
      %get3A_158 = vector.shape_cast %get3A_157 : vector<1x128x128xf32> to vector<128x128xf32>
      %mul3A_159 = vector.broadcast %get3A_153 : f32 to vector<128x128xf32>
      %mul3A_160 = arith.mulf %mul3A_159, %get3A_158 : vector<128x128xf32>
      %add3A_161 = arith.addf %add3A_150, %mul3A_160 : vector<128x128xf32>
      %get3A_162 = arith.constant 0 : index
      %get3A_163 = arith.constant 3 : index
      %get3A_164 = memref.load %arg1[%get3A_162, %get3A_163] : memref<8x4xf32, #tpu.memory_space<smem>>
      %get3A_165 = arith.constant 3 : index
      %get3A_166 = arith.constant 0 : index
      %get3A_167 = arith.constant 0 : index
      %get3A_168 = vector.load %arg2[%get3A_165, %get3A_166, %get3A_167] : memref<4x128x128xf32, #tpu.memory_space<vmem>>, vector<1x128x128xf32>
      %get3A_169 = vector.shape_cast %get3A_168 : vector<1x128x128xf32> to vector<128x128xf32>
      %mul3A_170 = vector.broadcast %get3A_164 : f32 to vector<128x128xf32>
      %mul3A_171 = arith.mulf %mul3A_170, %get3A_169 : vector<128x128xf32>
      %add3A_172 = arith.addf %add3A_161, %mul3A_171 : vector<128x128xf32>
      %swap3A_173 = arith.constant 0 : index
      %swap3A_174 = arith.constant 0 : index
      %swap3A_175 = arith.constant 0 : index
      %swap3A_176 = vector.load %arg9[%swap3A_173, %swap3A_174, %swap3A_175] : memref<9x128x128xf32, #tpu.memory_space<vmem>>, vector<1x128x128xf32>
      %swap3A_177 = vector.shape_cast %swap3A_176 : vector<1x128x128xf32> to vector<128x128xf32>
      %swap3A_178 = vector.shape_cast %add3A_172 : vector<128x128xf32> to vector<1x128x128xf32>
      tpu.vector_store %arg9[%swap3A_173, %swap3A_174, %swap3A_175], %swap3A_178 {strides = array<i32>} : memref<9x128x128xf32, #tpu.memory_space<vmem>>, vector<1x128x128xf32>,
      %get3A_179 = arith.constant 1 : index
      %get3A_180 = arith.constant 0 : index
      %get3A_181 = memref.load %arg1[%get3A_179, %get3A_180] : memref<8x4xf32, #tpu.memory_space<smem>>
      %get3A_182 = arith.constant 0 : index
      %get3A_183 = arith.constant 0 : index
      %get3A_184 = arith.constant 0 : index
      %get3A_185 = vector.load %arg2[%get3A_182, %get3A_183, %get3A_184] : memref<4x128x128xf32, #tpu.memory_space<vmem>>, vector<1x128x128xf32>
      %get3A_186 = vector.shape_cast %get3A_185 : vector<1x128x128xf32> to vector<128x128xf32>
      %mul3A_187 = vector.broadcast %get3A_181 : f32 to vector<128x128xf32>
      %mul3A_188 = arith.mulf %mul3A_187, %get3A_186 : vector<128x128xf32>
      %get3A_189 = arith.constant 1 : index
      %get3A_190 = arith.constant 1 : index
      %get3A_191 = memref.load %arg1[%get3A_189, %get3A_190] : memref<8x4xf32, #tpu.memory_space<smem>>
      %get3A_192 = arith.constant 1 : index
      %get3A_193 = arith.constant 0 : index
      %get3A_194 = arith.constant 0 : index
      %get3A_195 = vector.load %arg2[%get3A_192, %get3A_193, %get3A_194] : memref<4x128x128xf32, #tpu.memory_space<vmem>>, vector<1x128x128xf32>
      %get3A_196 = vector.shape_cast %get3A_195 : vector<1x128x128xf32> to vector<128x128xf32>
      %mul3A_197 = vector.broadcast %get3A_191 : f32 to vector<128x128xf32>
      %mul3A_198 = arith.mulf %mul3A_197, %get3A_196 : vector<128x128xf32>
      %add3A_199 = arith.addf %mul3A_188, %mul3A_198 : vector<128x128xf32>
      %get3A_200 = arith.constant 1 : index
      %get3A_201 = arith.constant 2 : index
      %get3A_202 = memref.load %arg1[%get3A_200, %get3A_201] : memref<8x4xf32, #tpu.memory_space<smem>>
      %get3A_203 = arith.constant 2 : index
      %get3A_204 = arith.constant 0 : index
      %get3A_205 = arith.constant 0 : index
      %get3A_206 = vector.load %arg2[%get3A_203, %get3A_204, %get3A_205] : memref<4x128x128xf32, #tpu.memory_space<vmem>>, vector<1x128x128xf32>
      %get3A_207 = vector.shape_cast %get3A_206 : vector<1x128x128xf32> to vector<128x128xf32>
      %mul3A_208 = vector.broadcast %get3A_202 : f32 to vector<128x128xf32>
      %mul3A_209 = arith.mulf %mul3A_208, %get3A_207 : vector<128x128xf32>
      %add3A_210 = arith.addf %add3A_199, %mul3A_209 : vector<128x128xf32>
      %get3A_211 = arith.constant 1 : index
      %get3A_212 = arith.constant 3 : index
      %get3A_213 = memref.load %arg1[%get3A_211, %get3A_212] : memref<8x4xf32, #tpu.memory_space<smem>>
      %get3A_214 = arith.constant 3 : index
      %get3A_215 = arith.constant 0 : index
      %get3A_216 = arith.constant 0 : index
      %get3A_217 = vector.load %arg2[%get3A_214, %get3A_215, %get3A_216] : memref<4x128x128xf32, #tpu.memory_space<vmem>>, vector<1x128x128xf32>
      %get3A_218 = vector.shape_cast %get3A_217 : vector<1x128x128xf32> to vector<128x128xf32>
      %mul3A_219 = vector.broadcast %get3A_213 : f32 to vector<128x128xf32>
      %mul3A_220 = arith.mulf %mul3A_219, %get3A_218 : vector<128x128xf32>
      %add3A_221 = arith.addf %add3A_210, %mul3A_220 : vector<128x128xf32>
      %swap3A_222 = arith.constant 1 : index
      %swap3A_223 = arith.constant 0 : index
      %swap3A_224 = arith.constant 0 : index
      %swap3A_225 = vector.load %arg9[%swap3A_222, %swap3A_223, %swap3A_224] : memref<9x128x128xf32, #tpu.memory_space<vmem>>, vector<1x128x128xf32>
      %swap3A_226 = vector.shape_cast %swap3A_225 : vector<1x128x128xf32> to vector<128x128xf32>
      %swap3A_227 = vector.shape_cast %add3A_221 : vector<128x128xf32> to vector<1x128x128xf32>
      tpu.vector_store %arg9[%swap3A_222, %swap3A_223, %swap3A_224], %swap3A_227 {strides = array<i32>} : memref<9x128x128xf32, #tpu.memory_space<vmem>>, vector<1x128x128xf32>,
      %get3A_228 = arith.constant 2 : index
      %get3A_229 = arith.constant 0 : index
      %get3A_230 = memref.load %arg1[%get3A_228, %get3A_229] : memref<8x4xf32, #tpu.memory_space<smem>>
      %get3A_231 = arith.constant 0 : index
      %get3A_232 = arith.constant 0 : index
      %get3A_233 = arith.constant 0 : index
      %get3A_234 = vector.load %arg2[%get3A_231, %get3A_232, %get3A_233] : memref<4x128x128xf32, #tpu.memory_space<vmem>>, vector<1x128x128xf32>
      %get3A_235 = vector.shape_cast %get3A_234 : vector<1x128x128xf32> to vector<128x128xf32>
      %mul3A_236 = vector.broadcast %get3A_230 : f32 to vector<128x128xf32>
      %mul3A_237 = arith.mulf %mul3A_236, %get3A_235 : vector<128x128xf32>
      %get3A_238 = arith.constant 2 : index
      %get3A_239 = arith.constant 1 : index
      %get3A_240 = memref.load %arg1[%get3A_238, %get3A_239] : memref<8x4xf32, #tpu.memory_space<smem>>
      %get3A_241 = arith.constant 1 : index
      %get3A_242 = arith.constant 0 : index
      %get3A_243 = arith.constant 0 : index
      %get3A_244 = vector.load %arg2[%get3A_241, %get3A_242, %get3A_243] : memref<4x128x128xf32, #tpu.memory_space<vmem>>, vector<1x128x128xf32>
      %get3A_245 = vector.shape_cast %get3A_244 : vector<1x128x128xf32> to vector<128x128xf32>
      %mul3A_246 = vector.broadcast %get3A_240 : f32 to vector<128x128xf32>
      %mul3A_247 = arith.mulf %mul3A_246, %get3A_245 : vector<128x128xf32>
      %add3A_248 = arith.addf %mul3A_237, %mul3A_247 : vector<128x128xf32>
      %get3A_249 = arith.constant 2 : index
      %get3A_250 = arith.constant 2 : index
      %get3A_251 = memref.load %arg1[%get3A_249, %get3A_250] : memref<8x4xf32, #tpu.memory_space<smem>>
      %get3A_252 = arith.constant 2 : index
      %get3A_253 = arith.constant 0 : index
      %get3A_254 = arith.constant 0 : index
      %get3A_255 = vector.load %arg2[%get3A_252, %get3A_253, %get3A_254] : memref<4x128x128xf32, #tpu.memory_space<vmem>>, vector<1x128x128xf32>
      %get3A_256 = vector.shape_cast %get3A_255 : vector<1x128x128xf32> to vector<128x128xf32>
      %mul3A_257 = vector.broadcast %get3A_251 : f32 to vector<128x128xf32>
      %mul3A_258 = arith.mulf %mul3A_257, %get3A_256 : vector<128x128xf32>
      %add3A_259 = arith.addf %add3A_248, %mul3A_258 : vector<128x128xf32>
      %get3A_260 = arith.constant 2 : index
      %get3A_261 = arith.constant 3 : index
      %get3A_262 = memref.load %arg1[%get3A_260, %get3A_261] : memref<8x4xf32, #tpu.memory_space<smem>>
      %get3A_263 = arith.constant 3 : index
      %get3A_264 = arith.constant 0 : index
      %get3A_265 = arith.constant 0 : index
      %get3A_266 = vector.load %arg2[%get3A_263, %get3A_264, %get3A_265] : memref<4x128x128xf32, #tpu.memory_space<vmem>>, vector<1x128x128xf32>
      %get3A_267 = vector.shape_cast %get3A_266 : vector<1x128x128xf32> to vector<128x128xf32>
      %mul3A_268 = vector.broadcast %get3A_262 : f32 to vector<128x128xf32>
      %mul3A_269 = arith.mulf %mul3A_268, %get3A_267 : vector<128x128xf32>
      %add3A_270 = arith.addf %add3A_259, %mul3A_269 : vector<128x128xf32>
      %swap3A_271 = arith.constant 2 : index
      %swap3A_272 = arith.constant 0 : index
      %swap3A_273 = arith.constant 0 : index
      %swap3A_274 = vector.load %arg9[%swap3A_271, %swap3A_272, %swap3A_273] : memref<9x128x128xf32, #tpu.memory_space<vmem>>, vector<1x128x128xf32>
      %swap3A_275 = vector.shape_cast %swap3A_274 : vector<1x128x128xf32> to vector<128x128xf32>
      %swap3A_276 = vector.shape_cast %add3A_270 : vector<128x128xf32> to vector<1x128x128xf32>
      tpu.vector_store %arg9[%swap3A_271, %swap3A_272, %swap3A_273], %swap3A_276 {strides = array<i32>} : memref<9x128x128xf32, #tpu.memory_space<vmem>>, vector<1x128x128xf32>,
      %get3A_277 = arith.constant 3 : index
      %get3A_278 = arith.constant 0 : index
      %get3A_279 = memref.load %arg1[%get3A_277, %get3A_278] : memref<8x4xf32, #tpu.memory_space<smem>>
      %get3A_280 = arith.constant 0 : index
      %get3A_281 = arith.constant 0 : index
      %get3A_282 = arith.constant 0 : index
      %get3A_283 = vector.load %arg2[%get3A_280, %get3A_281, %get3A_282] : memref<4x128x128xf32, #tpu.memory_space<vmem>>, vector<1x128x128xf32>
      %get3A_284 = vector.shape_cast %get3A_283 : vector<1x128x128xf32> to vector<128x128xf32>
      %mul3A_285 = vector.broadcast %get3A_279 : f32 to vector<128x128xf32>
      %mul3A_286 = arith.mulf %mul3A_285, %get3A_284 : vector<128x128xf32>
      %get3A_287 = arith.constant 3 : index
      %get3A_288 = arith.constant 1 : index
      %get3A_289 = memref.load %arg1[%get3A_287, %get3A_288] : memref<8x4xf32, #tpu.memory_space<smem>>
      %get3A_290 = arith.constant 1 : index
      %get3A_291 = arith.constant 0 : index
      %get3A_292 = arith.constant 0 : index
      %get3A_293 = vector.load %arg2[%get3A_290, %get3A_291, %get3A_292] : memref<4x128x128xf32, #tpu.memory_space<vmem>>, vector<1x128x128xf32>
      %get3A_294 = vector.shape_cast %get3A_293 : vector<1x128x128xf32> to vector<128x128xf32>
      %mul3A_295 = vector.broadcast %get3A_289 : f32 to vector<128x128xf32>
      %mul3A_296 = arith.mulf %mul3A_295, %get3A_294 : vector<128x128xf32>
      %add3A_297 = arith.addf %mul3A_286, %mul3A_296 : vector<128x128xf32>
      %get3A_298 = arith.constant 3 : index
      %get3A_299 = arith.constant 2 : index
      %get3A_300 = memref.load %arg1[%get3A_298, %get3A_299] : memref<8x4xf32, #tpu.memory_space<smem>>
      %get3A_301 = arith.constant 2 : index
      %get3A_302 = arith.constant 0 : index
      %get3A_303 = arith.constant 0 : index
      %get3A_304 = vector.load %arg2[%get3A_301, %get3A_302, %get3A_303] : memref<4x128x128xf32, #tpu.memory_space<vmem>>, vector<1x128x128xf32>
      %get3A_305 = vector.shape_cast %get3A_304 : vector<1x128x128xf32> to vector<128x128xf32>
      %mul3A_306 = vector.broadcast %get3A_300 : f32 to vector<128x128xf32>
      %mul3A_307 = arith.mulf %mul3A_306, %get3A_305 : vector<128x128xf32>
      %add3A_308 = arith.addf %add3A_297, %mul3A_307 : vector<128x128xf32>
      %get3A_309 = arith.constant 3 : index
      %get3A_310 = arith.constant 3 : index
      %get3A_311 = memref.load %arg1[%get3A_309, %get3A_310] : memref<8x4xf32, #tpu.memory_space<smem>>
      %get3A_312 = arith.constant 3 : index
      %get3A_313 = arith.constant 0 : index
      %get3A_314 = arith.constant 0 : index
      %get3A_315 = vector.load %arg2[%get3A_312, %get3A_313, %get3A_314] : memref<4x128x128xf32, #tpu.memory_space<vmem>>, vector<1x128x128xf32>
      %get3A_316 = vector.shape_cast %get3A_315 : vector<1x128x128xf32> to vector<128x128xf32>
      %mul3A_317 = vector.broadcast %get3A_311 : f32 to vector<128x128xf32>
      %mul3A_318 = arith.mulf %mul3A_317, %get3A_316 : vector<128x128xf32>
      %add3A_319 = arith.addf %add3A_308, %mul3A_318 : vector<128x128xf32>
      %swap3A_320 = arith.constant 3 : index
      %swap3A_321 = arith.constant 0 : index
      %swap3A_322 = arith.constant 0 : index
      %swap3A_323 = vector.load %arg9[%swap3A_320, %swap3A_321, %swap3A_322] : memref<9x128x128xf32, #tpu.memory_space<vmem>>, vector<1x128x128xf32>
      %swap3A_324 = vector.shape_cast %swap3A_323 : vector<1x128x128xf32> to vector<128x128xf32>
      %swap3A_325 = vector.shape_cast %add3A_319 : vector<128x128xf32> to vector<1x128x128xf32>
      tpu.vector_store %arg9[%swap3A_320, %swap3A_321, %swap3A_322], %swap3A_325 {strides = array<i32>} : memref<9x128x128xf32, #tpu.memory_space<vmem>>, vector<1x128x128xf32>,
      %get3A_326 = arith.constant 4 : index
      %get3A_327 = arith.constant 0 : index
      %get3A_328 = memref.load %arg1[%get3A_326, %get3A_327] : memref<8x4xf32, #tpu.memory_space<smem>>
      %get3A_329 = arith.constant 0 : index
      %get3A_330 = arith.constant 0 : index
      %get3A_331 = arith.constant 0 : index
      %get3A_332 = vector.load %arg2[%get3A_329, %get3A_330, %get3A_331] : memref<4x128x128xf32, #tpu.memory_space<vmem>>, vector<1x128x128xf32>
      %get3A_333 = vector.shape_cast %get3A_332 : vector<1x128x128xf32> to vector<128x128xf32>
      %mul3A_334 = vector.broadcast %get3A_328 : f32 to vector<128x128xf32>
      %mul3A_335 = arith.mulf %mul3A_334, %get3A_333 : vector<128x128xf32>
      %get3A_336 = arith.constant 4 : index
      %get3A_337 = arith.constant 1 : index
      %get3A_338 = memref.load %arg1[%get3A_336, %get3A_337] : memref<8x4xf32, #tpu.memory_space<smem>>
      %get3A_339 = arith.constant 1 : index
      %get3A_340 = arith.constant 0 : index
      %get3A_341 = arith.constant 0 : index
      %get3A_342 = vector.load %arg2[%get3A_339, %get3A_340, %get3A_341] : memref<4x128x128xf32, #tpu.memory_space<vmem>>, vector<1x128x128xf32>
      %get3A_343 = vector.shape_cast %get3A_342 : vector<1x128x128xf32> to vector<128x128xf32>
      %mul3A_344 = vector.broadcast %get3A_338 : f32 to vector<128x128xf32>
      %mul3A_345 = arith.mulf %mul3A_344, %get3A_343 : vector<128x128xf32>
      %add3A_346 = arith.addf %mul3A_335, %mul3A_345 : vector<128x128xf32>
      %get3A_347 = arith.constant 4 : index
      %get3A_348 = arith.constant 2 : index
      %get3A_349 = memref.load %arg1[%get3A_347, %get3A_348] : memref<8x4xf32, #tpu.memory_space<smem>>
      %get3A_350 = arith.constant 2 : index
      %get3A_351 = arith.constant 0 : index
      %get3A_352 = arith.constant 0 : index
      %get3A_353 = vector.load %arg2[%get3A_350, %get3A_351, %get3A_352] : memref<4x128x128xf32, #tpu.memory_space<vmem>>, vector<1x128x128xf32>
      %get3A_354 = vector.shape_cast %get3A_353 : vector<1x128x128xf32> to vector<128x128xf32>
      %mul3A_355 = vector.broadcast %get3A_349 : f32 to vector<128x128xf32>
      %mul3A_356 = arith.mulf %mul3A_355, %get3A_354 : vector<128x128xf32>
      %add3A_357 = arith.addf %add3A_346, %mul3A_356 : vector<128x128xf32>
      %get3A_358 = arith.constant 4 : index
      %get3A_359 = arith.constant 3 : index
      %get3A_360 = memref.load %arg1[%get3A_358, %get3A_359] : memref<8x4xf32, #tpu.memory_space<smem>>
      %get3A_361 = arith.constant 3 : index
      %get3A_362 = arith.constant 0 : index
      %get3A_363 = arith.constant 0 : index
      %get3A_364 = vector.load %arg2[%get3A_361, %get3A_362, %get3A_363] : memref<4x128x128xf32, #tpu.memory_space<vmem>>, vector<1x128x128xf32>
      %get3A_365 = vector.shape_cast %get3A_364 : vector<1x128x128xf32> to vector<128x128xf32>
      %mul3A_366 = vector.broadcast %get3A_360 : f32 to vector<128x128xf32>
      %mul3A_367 = arith.mulf %mul3A_366, %get3A_365 : vector<128x128xf32>
      %add3A_368 = arith.addf %add3A_357, %mul3A_367 : vector<128x128xf32>
      %swap3A_369 = arith.constant 4 : index
      %swap3A_370 = arith.constant 0 : index
      %swap3A_371 = arith.constant 0 : index
      %swap3A_372 = vector.load %arg9[%swap3A_369, %swap3A_370, %swap3A_371] : memref<9x128x128xf32, #tpu.memory_space<vmem>>, vector<1x128x128xf32>
      %swap3A_373 = vector.shape_cast %swap3A_372 : vector<1x128x128xf32> to vector<128x128xf32>
      %swap3A_374 = vector.shape_cast %add3A_368 : vector<128x128xf32> to vector<1x128x128xf32>
      tpu.vector_store %arg9[%swap3A_369, %swap3A_370, %swap3A_371], %swap3A_374 {strides = array<i32>} : memref<9x128x128xf32, #tpu.memory_space<vmem>>, vector<1x128x128xf32>,
      %get3A_375 = arith.constant 5 : index
      %get3A_376 = arith.constant 0 : index
      %get3A_377 = memref.load %arg1[%get3A_375, %get3A_376] : memref<8x4xf32, #tpu.memory_space<smem>>
      %get3A_378 = arith.constant 0 : index
      %get3A_379 = arith.constant 0 : index
      %get3A_380 = arith.constant 0 : index
      %get3A_381 = vector.load %arg2[%get3A_378, %get3A_379, %get3A_380] : memref<4x128x128xf32, #tpu.memory_space<vmem>>, vector<1x128x128xf32>
      %get3A_382 = vector.shape_cast %get3A_381 : vector<1x128x128xf32> to vector<128x128xf32>
      %mul3A_383 = vector.broadcast %get3A_377 : f32 to vector<128x128xf32>
      %mul3A_384 = arith.mulf %mul3A_383, %get3A_382 : vector<128x128xf32>
      %get3A_385 = arith.constant 5 : index
      %get3A_386 = arith.constant 1 : index
      %get3A_387 = memref.load %arg1[%get3A_385, %get3A_386] : memref<8x4xf32, #tpu.memory_space<smem>>
      %get3A_388 = arith.constant 1 : index
      %get3A_389 = arith.constant 0 : index
      %get3A_390 = arith.constant 0 : index
      %get3A_391 = vector.load %arg2[%get3A_388, %get3A_389, %get3A_390] : memref<4x128x128xf32, #tpu.memory_space<vmem>>, vector<1x128x128xf32>
      %get3A_392 = vector.shape_cast %get3A_391 : vector<1x128x128xf32> to vector<128x128xf32>
      %mul3A_393 = vector.broadcast %get3A_387 : f32 to vector<128x128xf32>
      %mul3A_394 = arith.mulf %mul3A_393, %get3A_392 : vector<128x128xf32>
      %add3A_395 = arith.addf %mul3A_384, %mul3A_394 : vector<128x128xf32>
      %get3A_396 = arith.constant 5 : index
      %get3A_397 = arith.constant 2 : index
      %get3A_398 = memref.load %arg1[%get3A_396, %get3A_397] : memref<8x4xf32, #tpu.memory_space<smem>>
      %get3A_399 = arith.constant 2 : index
      %get3A_400 = arith.constant 0 : index
      %get3A_401 = arith.constant 0 : index
      %get3A_402 = vector.load %arg2[%get3A_399, %get3A_400, %get3A_401] : memref<4x128x128xf32, #tpu.memory_space<vmem>>, vector<1x128x128xf32>
      %get3A_403 = vector.shape_cast %get3A_402 : vector<1x128x128xf32> to vector<128x128xf32>
      %mul3A_404 = vector.broadcast %get3A_398 : f32 to vector<128x128xf32>
      %mul3A_405 = arith.mulf %mul3A_404, %get3A_403 : vector<128x128xf32>
      %add3A_406 = arith.addf %add3A_395, %mul3A_405 : vector<128x128xf32>
      %get3A_407 = arith.constant 5 : index
      %get3A_408 = arith.constant 3 : index
      %get3A_409 = memref.load %arg1[%get3A_407, %get3A_408] : memref<8x4xf32, #tpu.memory_space<smem>>
      %get3A_410 = arith.constant 3 : index
      %get3A_411 = arith.constant 0 : index
      %get3A_412 = arith.constant 0 : index
      %get3A_413 = vector.load %arg2[%get3A_410, %get3A_411, %get3A_412] : memref<4x128x128xf32, #tpu.memory_space<vmem>>, vector<1x128x128xf32>
      %get3A_414 = vector.shape_cast %get3A_413 : vector<1x128x128xf32> to vector<128x128xf32>
      %mul3A_415 = vector.broadcast %get3A_409 : f32 to vector<128x128xf32>
      %mul3A_416 = arith.mulf %mul3A_415, %get3A_414 : vector<128x128xf32>
      %add3A_417 = arith.addf %add3A_406, %mul3A_416 : vector<128x128xf32>
      %swap3A_418 = arith.constant 5 : index
      %swap3A_419 = arith.constant 0 : index
      %swap3A_420 = arith.constant 0 : index
      %swap3A_421 = vector.load %arg9[%swap3A_418, %swap3A_419, %swap3A_420] : memref<9x128x128xf32, #tpu.memory_space<vmem>>, vector<1x128x128xf32>
      %swap3A_422 = vector.shape_cast %swap3A_421 : vector<1x128x128xf32> to vector<128x128xf32>
      %swap3A_423 = vector.shape_cast %add3A_417 : vector<128x128xf32> to vector<1x128x128xf32>
      tpu.vector_store %arg9[%swap3A_418, %swap3A_419, %swap3A_420], %swap3A_423 {strides = array<i32>} : memref<9x128x128xf32, #tpu.memory_space<vmem>>, vector<1x128x128xf32>,
      %get3A_424 = arith.constant 6 : index
      %get3A_425 = arith.constant 0 : index
      %get3A_426 = memref.load %arg1[%get3A_424, %get3A_425] : memref<8x4xf32, #tpu.memory_space<smem>>
      %get3A_427 = arith.constant 0 : index
      %get3A_428 = arith.constant 0 : index
      %get3A_429 = arith.constant 0 : index
      %get3A_430 = vector.load %arg2[%get3A_427, %get3A_428, %get3A_429] : memref<4x128x128xf32, #tpu.memory_space<vmem>>, vector<1x128x128xf32>
      %get3A_431 = vector.shape_cast %get3A_430 : vector<1x128x128xf32> to vector<128x128xf32>
      %mul3A_432 = vector.broadcast %get3A_426 : f32 to vector<128x128xf32>
      %mul3A_433 = arith.mulf %mul3A_432, %get3A_431 : vector<128x128xf32>
      %get3A_434 = arith.constant 6 : index
      %get3A_435 = arith.constant 1 : index
      %get3A_436 = memref.load %arg1[%get3A_434, %get3A_435] : memref<8x4xf32, #tpu.memory_space<smem>>
      %get3A_437 = arith.constant 1 : index
      %get3A_438 = arith.constant 0 : index
      %get3A_439 = arith.constant 0 : index
      %get3A_440 = vector.load %arg2[%get3A_437, %get3A_438, %get3A_439] : memref<4x128x128xf32, #tpu.memory_space<vmem>>, vector<1x128x128xf32>
      %get3A_441 = vector.shape_cast %get3A_440 : vector<1x128x128xf32> to vector<128x128xf32>
      %mul3A_442 = vector.broadcast %get3A_436 : f32 to vector<128x128xf32>
      %mul3A_443 = arith.mulf %mul3A_442, %get3A_441 : vector<128x128xf32>
      %add3A_444 = arith.addf %mul3A_433, %mul3A_443 : vector<128x128xf32>
      %get3A_445 = arith.constant 6 : index
      %get3A_446 = arith.constant 2 : index
      %get3A_447 = memref.load %arg1[%get3A_445, %get3A_446] : memref<8x4xf32, #tpu.memory_space<smem>>
      %get3A_448 = arith.constant 2 : index
      %get3A_449 = arith.constant 0 : index
      %get3A_450 = arith.constant 0 : index
      %get3A_451 = vector.load %arg2[%get3A_448, %get3A_449, %get3A_450] : memref<4x128x128xf32, #tpu.memory_space<vmem>>, vector<1x128x128xf32>
      %get3A_452 = vector.shape_cast %get3A_451 : vector<1x128x128xf32> to vector<128x128xf32>
      %mul3A_453 = vector.broadcast %get3A_447 : f32 to vector<128x128xf32>
      %mul3A_454 = arith.mulf %mul3A_453, %get3A_452 : vector<128x128xf32>
      %add3A_455 = arith.addf %add3A_444, %mul3A_454 : vector<128x128xf32>
      %get3A_456 = arith.constant 6 : index
      %get3A_457 = arith.constant 3 : index
      %get3A_458 = memref.load %arg1[%get3A_456, %get3A_457] : memref<8x4xf32, #tpu.memory_space<smem>>
      %get3A_459 = arith.constant 3 : index
      %get3A_460 = arith.constant 0 : index
      %get3A_461 = arith.constant 0 : index
      %get3A_462 = vector.load %arg2[%get3A_459, %get3A_460, %get3A_461] : memref<4x128x128xf32, #tpu.memory_space<vmem>>, vector<1x128x128xf32>
      %get3A_463 = vector.shape_cast %get3A_462 : vector<1x128x128xf32> to vector<128x128xf32>
      %mul3A_464 = vector.broadcast %get3A_458 : f32 to vector<128x128xf32>
      %mul3A_465 = arith.mulf %mul3A_464, %get3A_463 : vector<128x128xf32>
      %add3A_466 = arith.addf %add3A_455, %mul3A_465 : vector<128x128xf32>
      %swap3A_467 = arith.constant 6 : index
      %swap3A_468 = arith.constant 0 : index
      %swap3A_469 = arith.constant 0 : index
      %swap3A_470 = vector.load %arg9[%swap3A_467, %swap3A_468, %swap3A_469] : memref<9x128x128xf32, #tpu.memory_space<vmem>>, vector<1x128x128xf32>
      %swap3A_471 = vector.shape_cast %swap3A_470 : vector<1x128x128xf32> to vector<128x128xf32>
      %swap3A_472 = vector.shape_cast %add3A_466 : vector<128x128xf32> to vector<1x128x128xf32>
      tpu.vector_store %arg9[%swap3A_467, %swap3A_468, %swap3A_469], %swap3A_472 {strides = array<i32>} : memref<9x128x128xf32, #tpu.memory_space<vmem>>, vector<1x128x128xf32>,
      %get3A_473 = arith.constant 7 : index
      %get3A_474 = arith.constant 0 : index
      %get3A_475 = memref.load %arg1[%get3A_473, %get3A_474] : memref<8x4xf32, #tpu.memory_space<smem>>
      %get3A_476 = arith.constant 0 : index
      %get3A_477 = arith.constant 0 : index
      %get3A_478 = arith.constant 0 : index
      %get3A_479 = vector.load %arg2[%get3A_476, %get3A_477, %get3A_478] : memref<4x128x128xf32, #tpu.memory_space<vmem>>, vector<1x128x128xf32>
      %get3A_480 = vector.shape_cast %get3A_479 : vector<1x128x128xf32> to vector<128x128xf32>
      %mul3A_481 = vector.broadcast %get3A_475 : f32 to vector<128x128xf32>
      %mul3A_482 = arith.mulf %mul3A_481, %get3A_480 : vector<128x128xf32>
      %get3A_483 = arith.constant 7 : index
      %get3A_484 = arith.constant 1 : index
      %get3A_485 = memref.load %arg1[%get3A_483, %get3A_484] : memref<8x4xf32, #tpu.memory_space<smem>>
      %get3A_486 = arith.constant 1 : index
      %get3A_487 = arith.constant 0 : index
      %get3A_488 = arith.constant 0 : index
      %get3A_489 = vector.load %arg2[%get3A_486, %get3A_487, %get3A_488] : memref<4x128x128xf32, #tpu.memory_space<vmem>>, vector<1x128x128xf32>
      %get3A_490 = vector.shape_cast %get3A_489 : vector<1x128x128xf32> to vector<128x128xf32>
      %mul3A_491 = vector.broadcast %get3A_485 : f32 to vector<128x128xf32>
      %mul3A_492 = arith.mulf %mul3A_491, %get3A_490 : vector<128x128xf32>
      %add3A_493 = arith.addf %mul3A_482, %mul3A_492 : vector<128x128xf32>
      %get3A_494 = arith.constant 7 : index
      %get3A_495 = arith.constant 2 : index
      %get3A_496 = memref.load %arg1[%get3A_494, %get3A_495] : memref<8x4xf32, #tpu.memory_space<smem>>
      %get3A_497 = arith.constant 2 : index
      %get3A_498 = arith.constant 0 : index
      %get3A_499 = arith.constant 0 : index
      %get3A_500 = vector.load %arg2[%get3A_497, %get3A_498, %get3A_499] : memref<4x128x128xf32, #tpu.memory_space<vmem>>, vector<1x128x128xf32>
      %get3A_501 = vector.shape_cast %get3A_500 : vector<1x128x128xf32> to vector<128x128xf32>
      %mul3A_502 = vector.broadcast %get3A_496 : f32 to vector<128x128xf32>
      %mul3A_503 = arith.mulf %mul3A_502, %get3A_501 : vector<128x128xf32>
      %add3A_504 = arith.addf %add3A_493, %mul3A_503 : vector<128x128xf32>
      %get3A_505 = arith.constant 7 : index
      %get3A_506 = arith.constant 3 : index
      %get3A_507 = memref.load %arg1[%get3A_505, %get3A_506] : memref<8x4xf32, #tpu.memory_space<smem>>
      %get3A_508 = arith.constant 3 : index
      %get3A_509 = arith.constant 0 : index
      %get3A_510 = arith.constant 0 : index
      %get3A_511 = vector.load %arg2[%get3A_508, %get3A_509, %get3A_510] : memref<4x128x128xf32, #tpu.memory_space<vmem>>, vector<1x128x128xf32>
      %get3A_512 = vector.shape_cast %get3A_511 : vector<1x128x128xf32> to vector<128x128xf32>
      %mul3A_513 = vector.broadcast %get3A_507 : f32 to vector<128x128xf32>
      %mul3A_514 = arith.mulf %mul3A_513, %get3A_512 : vector<128x128xf32>
      %add3A_515 = arith.addf %add3A_504, %mul3A_514 : vector<128x128xf32>
      %swap3A_516 = arith.constant 7 : index
      %swap3A_517 = arith.constant 0 : index
      %swap3A_518 = arith.constant 0 : index
      %swap3A_519 = vector.load %arg9[%swap3A_516, %swap3A_517, %swap3A_518] : memref<9x128x128xf32, #tpu.memory_space<vmem>>, vector<1x128x128xf32>
      %swap3A_520 = vector.shape_cast %swap3A_519 : vector<1x128x128xf32> to vector<128x128xf32>
      %swap3A_521 = vector.shape_cast %add3A_515 : vector<128x128xf32> to vector<1x128x128xf32>
      tpu.vector_store %arg9[%swap3A_516, %swap3A_517, %swap3A_518], %swap3A_521 {strides = array<i32>} : memref<9x128x128xf32, #tpu.memory_space<vmem>>, vector<1x128x128xf32>,
      %get3A_522 = arith.constant 0 : index
      %get3A_523 = arith.constant 0 : index
      %get3A_524 = vector.load %arg3[%get3A_522, %get3A_523] : memref<128x128xf32, #tpu.memory_space<vmem>>, vector<128x128xf32>
      %swap3A_525 = arith.constant 8 : index
      %swap3A_526 = arith.constant 0 : index
      %swap3A_527 = arith.constant 0 : index
      %swap3A_528 = vector.load %arg9[%swap3A_525, %swap3A_526, %swap3A_527] : memref<9x128x128xf32, #tpu.memory_space<vmem>>, vector<1x128x128xf32>
      %swap3A_529 = vector.shape_cast %swap3A_528 : vector<1x128x128xf32> to vector<128x128xf32>
      %swap3A_530 = vector.shape_cast %get3A_524 : vector<128x128xf32> to vector<1x128x128xf32>
      tpu.vector_store %arg9[%swap3A_525, %swap3A_526, %swap3A_527], %swap3A_530 {strides = array<i32>} : memref<9x128x128xf32, #tpu.memory_space<vmem>>, vector<1x128x128xf32>,
    } else {
    }
    %get3A = arith.constant 0 : index
    %get3A_2 = arith.constant 0 : index
    %get3A_3 = vector.load %arg6[%get3A, %get3A_2] : memref<8x8000xi32, #tpu.memory_space<vmem>>, vector<8x8000xi32>
    %mul3A = arith.constant 10000 : i32
    %mul3A_4 = vector.broadcast %mul3A : i32 to vector<8x8000xi32>
    %mul3A_5 = arith.muli %get3A_3, %mul3A_4 : vector<8x8000xi32>
    %get3A_6 = arith.constant 0 : index
    %get3A_7 = arith.constant 0 : index
    %get3A_8 = vector.load %arg5[%get3A_6, %get3A_7] : memref<8x8000xi32, #tpu.memory_space<vmem>>, vector<8x8000xi32>
    %add3A = arith.addi %mul3A_5, %get3A_8 : vector<8x8000xi32>
    %swap3A = arith.constant 0 : index
    %swap3A_9 = arith.constant 0 : index
    %swap3A_10 = vector.load %arg8[%swap3A, %swap3A_9] : memref<8x8000xi32, #tpu.memory_space<vmem>>, vector<8x8000xi32>
    tpu.vector_store %arg8[%swap3A, %swap3A_9], %add3A {strides = array<i32>} : memref<8x8000xi32, #tpu.memory_space<vmem>>, vector<8x8000xi32>,
    %get3A_11 = arith.constant 0 : index
    %get3A_12 = arith.constant 0 : index
    %get3A_13 = vector.load %arg4[%get3A_11, %get3A_12] : memref<2000x128xf32, #tpu.memory_space<vmem>>, vector<2000x128xf32>
    %get3A_14 = arith.constant 0 : index
    %get3A_15 = arith.constant 0 : index
    %get3A_16 = arith.constant 0 : index
    %get3A_17 = vector.load %arg9[%get3A_14, %get3A_15, %get3A_16] : memref<9x128x128xf32, #tpu.memory_space<vmem>>, vector<1x128x128xf32>
    %get3A_18 = vector.shape_cast %get3A_17 : vector<1x128x128xf32> to vector<128x128xf32>
    %dot_general3A = arith.constant dense<0.000000e+00> : vector<2000x128xf32>
    %dot_general3A_19 = tpu.matmul %get3A_13, %get3A_18, %dot_general3A {dimension_numbers = #tpu.dot_dimension_numbers<[1], [0], [0], [1], [0, 0, 1, 1], [], []>, transpose_lhs_hint = false} : vector<2000x128xf32>, vector<128x128xf32>, vector<2000x128xf32> -> vector<2000x128xf32>
    %swap3A_20 = arith.constant 0 : index
    %swap3A_21 = arith.constant 0 : index
    %swap3A_22 = arith.constant 0 : index
    %swap3A_23 = vector.load %arg7[%swap3A_20, %swap3A_21, %swap3A_22] : memref<9x2000x128xf32, #tpu.memory_space<vmem>>, vector<1x2000x128xf32>
    %swap3A_24 = vector.shape_cast %swap3A_23 : vector<1x2000x128xf32> to vector<2000x128xf32>
    %swap3A_25 = vector.shape_cast %dot_general3A_19 : vector<2000x128xf32> to vector<1x2000x128xf32>
    tpu.vector_store %arg7[%swap3A_20, %swap3A_21, %swap3A_22], %swap3A_25 {strides = array<i32>} : memref<9x2000x128xf32, #tpu.memory_space<vmem>>, vector<1x2000x128xf32>,
    %get3A_26 = arith.constant 1 : index
    %get3A_27 = arith.constant 0 : index
    %get3A_28 = arith.constant 0 : index
    %get3A_29 = vector.load %arg9[%get3A_26, %get3A_27, %get3A_28] : memref<9x128x128xf32, #tpu.memory_space<vmem>>, vector<1x128x128xf32>
    %get3A_30 = vector.shape_cast %get3A_29 : vector<1x128x128xf32> to vector<128x128xf32>
    %dot_general3A_31 = arith.constant dense<0.000000e+00> : vector<2000x128xf32>
    %dot_general3A_32 = tpu.matmul %get3A_13, %get3A_30, %dot_general3A_31 {dimension_numbers = #tpu.dot_dimension_numbers<[1], [0], [0], [1], [0, 0, 1, 1], [], []>, transpose_lhs_hint = false} : vector<2000x128xf32>, vector<128x128xf32>, vector<2000x128xf32> -> vector<2000x128xf32>
    %swap3A_33 = arith.constant 1 : index
    %swap3A_34 = arith.constant 0 : index
    %swap3A_35 = arith.constant 0 : index
    %swap3A_36 = vector.load %arg7[%swap3A_33, %swap3A_34, %swap3A_35] : memref<9x2000x128xf32, #tpu.memory_space<vmem>>, vector<1x2000x128xf32>
    %swap3A_37 = vector.shape_cast %swap3A_36 : vector<1x2000x128xf32> to vector<2000x128xf32>
    %swap3A_38 = vector.shape_cast %dot_general3A_32 : vector<2000x128xf32> to vector<1x2000x128xf32>
    tpu.vector_store %arg7[%swap3A_33, %swap3A_34, %swap3A_35], %swap3A_38 {strides = array<i32>} : memref<9x2000x128xf32, #tpu.memory_space<vmem>>, vector<1x2000x128xf32>,
    %get3A_39 = arith.constant 2 : index
    %get3A_40 = arith.constant 0 : index
    %get3A_41 = arith.constant 0 : index
    %get3A_42 = vector.load %arg9[%get3A_39, %get3A_40, %get3A_41] : memref<9x128x128xf32, #tpu.memory_space<vmem>>, vector<1x128x128xf32>
    %get3A_43 = vector.shape_cast %get3A_42 : vector<1x128x128xf32> to vector<128x128xf32>
    %dot_general3A_44 = arith.constant dense<0.000000e+00> : vector<2000x128xf32>
    %dot_general3A_45 = tpu.matmul %get3A_13, %get3A_43, %dot_general3A_44 {dimension_numbers = #tpu.dot_dimension_numbers<[1], [0], [0], [1], [0, 0, 1, 1], [], []>, transpose_lhs_hint = false} : vector<2000x128xf32>, vector<128x128xf32>, vector<2000x128xf32> -> vector<2000x128xf32>
    %swap3A_46 = arith.constant 2 : index
    %swap3A_47 = arith.constant 0 : index
    %swap3A_48 = arith.constant 0 : index
    %swap3A_49 = vector.load %arg7[%swap3A_46, %swap3A_47, %swap3A_48] : memref<9x2000x128xf32, #tpu.memory_space<vmem>>, vector<1x2000x128xf32>
    %swap3A_50 = vector.shape_cast %swap3A_49 : vector<1x2000x128xf32> to vector<2000x128xf32>
    %swap3A_51 = vector.shape_cast %dot_general3A_45 : vector<2000x128xf32> to vector<1x2000x128xf32>
    tpu.vector_store %arg7[%swap3A_46, %swap3A_47, %swap3A_48], %swap3A_51 {strides = array<i32>} : memref<9x2000x128xf32, #tpu.memory_space<vmem>>, vector<1x2000x128xf32>,
    %get3A_52 = arith.constant 3 : index
    %get3A_53 = arith.constant 0 : index
    %get3A_54 = arith.constant 0 : index
    %get3A_55 = vector.load %arg9[%get3A_52, %get3A_53, %get3A_54] : memref<9x128x128xf32, #tpu.memory_space<vmem>>, vector<1x128x128xf32>
    %get3A_56 = vector.shape_cast %get3A_55 : vector<1x128x128xf32> to vector<128x128xf32>
    %dot_general3A_57 = arith.constant dense<0.000000e+00> : vector<2000x128xf32>
    %dot_general3A_58 = tpu.matmul %get3A_13, %get3A_56, %dot_general3A_57 {dimension_numbers = #tpu.dot_dimension_numbers<[1], [0], [0], [1], [0, 0, 1, 1], [], []>, transpose_lhs_hint = false} : vector<2000x128xf32>, vector<128x128xf32>, vector<2000x128xf32> -> vector<2000x128xf32>
    %swap3A_59 = arith.constant 3 : index
    %swap3A_60 = arith.constant 0 : index
    %swap3A_61 = arith.constant 0 : index
    %swap3A_62 = vector.load %arg7[%swap3A_59, %swap3A_60, %swap3A_61] : memref<9x2000x128xf32, #tpu.memory_space<vmem>>, vector<1x2000x128xf32>
    %swap3A_63 = vector.shape_cast %swap3A_62 : vector<1x2000x128xf32> to vector<2000x128xf32>
    %swap3A_64 = vector.shape_cast %dot_general3A_58 : vector<2000x128xf32> to vector<1x2000x128xf32>
    tpu.vector_store %arg7[%swap3A_59, %swap3A_60, %swap3A_61], %swap3A_64 {strides = array<i32>} : memref<9x2000x128xf32, #tpu.memory_space<vmem>>, vector<1x2000x128xf32>,
    %get3A_65 = arith.constant 4 : index
    %get3A_66 = arith.constant 0 : index
    %get3A_67 = arith.constant 0 : index
    %get3A_68 = vector.load %arg9[%get3A_65, %get3A_66, %get3A_67] : memref<9x128x128xf32, #tpu.memory_space<vmem>>, vector<1x128x128xf32>
    %get3A_69 = vector.shape_cast %get3A_68 : vector<1x128x128xf32> to vector<128x128xf32>
    %dot_general3A_70 = arith.constant dense<0.000000e+00> : vector<2000x128xf32>
    %dot_general3A_71 = tpu.matmul %get3A_13, %get3A_69, %dot_general3A_70 {dimension_numbers = #tpu.dot_dimension_numbers<[1], [0], [0], [1], [0, 0, 1, 1], [], []>, transpose_lhs_hint = false} : vector<2000x128xf32>, vector<128x128xf32>, vector<2000x128xf32> -> vector<2000x128xf32>
    %swap3A_72 = arith.constant 4 : index
    %swap3A_73 = arith.constant 0 : index
    %swap3A_74 = arith.constant 0 : index
    %swap3A_75 = vector.load %arg7[%swap3A_72, %swap3A_73, %swap3A_74] : memref<9x2000x128xf32, #tpu.memory_space<vmem>>, vector<1x2000x128xf32>
    %swap3A_76 = vector.shape_cast %swap3A_75 : vector<1x2000x128xf32> to vector<2000x128xf32>
    %swap3A_77 = vector.shape_cast %dot_general3A_71 : vector<2000x128xf32> to vector<1x2000x128xf32>
    tpu.vector_store %arg7[%swap3A_72, %swap3A_73, %swap3A_74], %swap3A_77 {strides = array<i32>} : memref<9x2000x128xf32, #tpu.memory_space<vmem>>, vector<1x2000x128xf32>,
    %get3A_78 = arith.constant 5 : index
    %get3A_79 = arith.constant 0 : index
    %get3A_80 = arith.constant 0 : index
    %get3A_81 = vector.load %arg9[%get3A_78, %get3A_79, %get3A_80] : memref<9x128x128xf32, #tpu.memory_space<vmem>>, vector<1x128x128xf32>
    %get3A_82 = vector.shape_cast %get3A_81 : vector<1x128x128xf32> to vector<128x128xf32>
    %dot_general3A_83 = arith.constant dense<0.000000e+00> : vector<2000x128xf32>
    %dot_general3A_84 = tpu.matmul %get3A_13, %get3A_82, %dot_general3A_83 {dimension_numbers = #tpu.dot_dimension_numbers<[1], [0], [0], [1], [0, 0, 1, 1], [], []>, transpose_lhs_hint = false} : vector<2000x128xf32>, vector<128x128xf32>, vector<2000x128xf32> -> vector<2000x128xf32>
    %swap3A_85 = arith.constant 5 : index
    %swap3A_86 = arith.constant 0 : index
    %swap3A_87 = arith.constant 0 : index
    %swap3A_88 = vector.load %arg7[%swap3A_85, %swap3A_86, %swap3A_87] : memref<9x2000x128xf32, #tpu.memory_space<vmem>>, vector<1x2000x128xf32>
    %swap3A_89 = vector.shape_cast %swap3A_88 : vector<1x2000x128xf32> to vector<2000x128xf32>
    %swap3A_90 = vector.shape_cast %dot_general3A_84 : vector<2000x128xf32> to vector<1x2000x128xf32>
    tpu.vector_store %arg7[%swap3A_85, %swap3A_86, %swap3A_87], %swap3A_90 {strides = array<i32>} : memref<9x2000x128xf32, #tpu.memory_space<vmem>>, vector<1x2000x128xf32>,
    %get3A_91 = arith.constant 6 : index
    %get3A_92 = arith.constant 0 : index
    %get3A_93 = arith.constant 0 : index
    %get3A_94 = vector.load %arg9[%get3A_91, %get3A_92, %get3A_93] : memref<9x128x128xf32, #tpu.memory_space<vmem>>, vector<1x128x128xf32>
    %get3A_95 = vector.shape_cast %get3A_94 : vector<1x128x128xf32> to vector<128x128xf32>
    %dot_general3A_96 = arith.constant dense<0.000000e+00> : vector<2000x128xf32>
    %dot_general3A_97 = tpu.matmul %get3A_13, %get3A_95, %dot_general3A_96 {dimension_numbers = #tpu.dot_dimension_numbers<[1], [0], [0], [1], [0, 0, 1, 1], [], []>, transpose_lhs_hint = false} : vector<2000x128xf32>, vector<128x128xf32>, vector<2000x128xf32> -> vector<2000x128xf32>
    %swap3A_98 = arith.constant 6 : index
    %swap3A_99 = arith.constant 0 : index
    %swap3A_100 = arith.constant 0 : index
    %swap3A_101 = vector.load %arg7[%swap3A_98, %swap3A_99, %swap3A_100] : memref<9x2000x128xf32, #tpu.memory_space<vmem>>, vector<1x2000x128xf32>
    %swap3A_102 = vector.shape_cast %swap3A_101 : vector<1x2000x128xf32> to vector<2000x128xf32>
    %swap3A_103 = vector.shape_cast %dot_general3A_97 : vector<2000x128xf32> to vector<1x2000x128xf32>
    tpu.vector_store %arg7[%swap3A_98, %swap3A_99, %swap3A_100], %swap3A_103 {strides = array<i32>} : memref<9x2000x128xf32, #tpu.memory_space<vmem>>, vector<1x2000x128xf32>,
    %get3A_104 = arith.constant 7 : index
    %get3A_105 = arith.constant 0 : index
    %get3A_106 = arith.constant 0 : index
    %get3A_107 = vector.load %arg9[%get3A_104, %get3A_105, %get3A_106] : memref<9x128x128xf32, #tpu.memory_space<vmem>>, vector<1x128x128xf32>
    %get3A_108 = vector.shape_cast %get3A_107 : vector<1x128x128xf32> to vector<128x128xf32>
    %dot_general3A_109 = arith.constant dense<0.000000e+00> : vector<2000x128xf32>
    %dot_general3A_110 = tpu.matmul %get3A_13, %get3A_108, %dot_general3A_109 {dimension_numbers = #tpu.dot_dimension_numbers<[1], [0], [0], [1], [0, 0, 1, 1], [], []>, transpose_lhs_hint = false} : vector<2000x128xf32>, vector<128x128xf32>, vector<2000x128xf32> -> vector<2000x128xf32>
    %swap3A_111 = arith.constant 7 : index
    %swap3A_112 = arith.constant 0 : index
    %swap3A_113 = arith.constant 0 : index
    %swap3A_114 = vector.load %arg7[%swap3A_111, %swap3A_112, %swap3A_113] : memref<9x2000x128xf32, #tpu.memory_space<vmem>>, vector<1x2000x128xf32>
    %swap3A_115 = vector.shape_cast %swap3A_114 : vector<1x2000x128xf32> to vector<2000x128xf32>
    %swap3A_116 = vector.shape_cast %dot_general3A_110 : vector<2000x128xf32> to vector<1x2000x128xf32>
    tpu.vector_store %arg7[%swap3A_111, %swap3A_112, %swap3A_113], %swap3A_116 {strides = array<i32>} : memref<9x2000x128xf32, #tpu.memory_space<vmem>>, vector<1x2000x128xf32>,
    %get3A_117 = arith.constant 8 : index
    %get3A_118 = arith.constant 0 : index
    %get3A_119 = arith.constant 0 : index
    %get3A_120 = vector.load %arg9[%get3A_117, %get3A_118, %get3A_119] : memref<9x128x128xf32, #tpu.memory_space<vmem>>, vector<1x128x128xf32>
    %get3A_121 = vector.shape_cast %get3A_120 : vector<1x128x128xf32> to vector<128x128xf32>
    %dot_general3A_122 = arith.constant dense<0.000000e+00> : vector<2000x128xf32>
    %dot_general3A_123 = tpu.matmul %get3A_13, %get3A_121, %dot_general3A_122 {dimension_numbers = #tpu.dot_dimension_numbers<[1], [0], [0], [1], [0, 0, 1, 1], [], []>, transpose_lhs_hint = false} : vector<2000x128xf32>, vector<128x128xf32>, vector<2000x128xf32> -> vector<2000x128xf32>
    %swap3A_124 = arith.constant 8 : index
    %swap3A_125 = arith.constant 0 : index
    %swap3A_126 = arith.constant 0 : index
    %swap3A_127 = vector.load %arg7[%swap3A_124, %swap3A_125, %swap3A_126] : memref<9x2000x128xf32, #tpu.memory_space<vmem>>, vector<1x2000x128xf32>
    %swap3A_128 = vector.shape_cast %swap3A_127 : vector<1x2000x128xf32> to vector<2000x128xf32>
    %swap3A_129 = vector.shape_cast %dot_general3A_123 : vector<2000x128xf32> to vector<1x2000x128xf32>
    tpu.vector_store %arg7[%swap3A_124, %swap3A_125, %swap3A_126], %swap3A_129 {strides = array<i32>} : memref<9x2000x128xf32, #tpu.memory_space<vmem>>, vector<1x2000x128xf32>,
    return
  }
  func.func @transform_0(%arg0: i32) -> (i32, i32) {
    %c0_i32 = arith.constant 0 : i32
    %c0_i32_0 = arith.constant 0 : i32
    %c0_i32_1 = arith.constant 0 : i32
    return %c0_i32, %c0_i32_0 : i32, i32
  }
  func.func @transform_1(%arg0: i32) -> (i32, i32, i32) {
    %c0_i32 = arith.constant 0 : i32
    %c0_i32_0 = arith.constant 0 : i32
    %c0_i32_1 = arith.constant 0 : i32
    %c0_i32_2 = arith.constant 0 : i32
    return %c0_i32, %c0_i32_0, %c0_i32_1 : i32, i32, i32
  }
  func.func @transform_2(%arg0: i32) -> (i32, i32) {
    %c0_i32 = arith.constant 0 : i32
    %c0_i32_0 = arith.constant 0 : i32
    %c0_i32_1 = arith.constant 0 : i32
    return %c0_i32, %c0_i32_0 : i32, i32
  }
  func.func @transform_3(%arg0: i32) -> (i32, i32) {
    %add3A = arith.constant 0 : i32
    %add3A_0 = arith.addi %add3A, %arg0 : i32
    %c0_i32 = arith.constant 0 : i32
    %c0_i32_1 = arith.constant 0 : i32
    return %add3A_0, %c0_i32 : i32, i32
  }
  func.func @transform_4(%arg0: i32) -> (i32, i32) {
    %c0_i32 = arith.constant 0 : i32
    %c0_i32_0 = arith.constant 0 : i32
    return %arg0, %c0_i32 : i32, i32
  }
  func.func @transform_5(%arg0: i32) -> (i32, i32) {
    %c0_i32 = arith.constant 0 : i32
    %c0_i32_0 = arith.constant 0 : i32
    return %arg0, %c0_i32 : i32, i32
  }
  func.func @transform_6(%arg0: i32) -> (i32, i32, i32) {
    %c0_i32 = arith.constant 0 : i32
    %c0_i32_0 = arith.constant 0 : i32
    %c0_i32_1 = arith.constant 0 : i32
    return %c0_i32, %arg0, %c0_i32_0 : i32, i32, i32
  }
  func.func @transform_7(%arg0: i32) -> (i32, i32) {
    %c0_i32 = arith.constant 0 : i32
    %c0_i32_0 = arith.constant 0 : i32
    return %arg0, %c0_i32 : i32, i32
  }
}

module attributes {stable_mosaic.version = 14 : i64} {
  func.func @body(%arg0: i32, %arg1: memref<8x4xf32, #tpu.memory_space<smem>>, %arg2: memref<4x128x128xf32, #tpu.memory_space<vmem>>, %arg3: memref<128x128xf32, #tpu.memory_space<vmem>>, %arg4: memref<2000x128xf32, #tpu.memory_space<vmem>>, %arg5: memref<2000x128xf32, #tpu.memory_space<vmem>>, %arg6: memref<2000x128xf32, #tpu.memory_space<vmem>>, %arg7: memref<2000x128xf32, #tpu.memory_space<vmem>>, %arg8: memref<9x2000x128xf32, #tpu.memory_space<vmem>>, %arg9: memref<9x128x128xf32, #tpu.memory_space<vmem>>) attributes {dimension_semantics = [#tpu.dimension_semantics<arbitrary>], iteration_bounds = array<i64: 5>, scalar_prefetch = 0 : i64, scratch_operands = 1 : i64, tpu.core_type = #tpu.core_type<tc>, window_params = [{transform_indices = @transform_0, window_bounds = array<i64: 8, 4>}, {pipeline_mode = #tpu.pipeline_mode<synchronous>, transform_indices = @transform_1, window_bounds = array<i64: 4, 128, 128>}, {pipeline_mode = #tpu.pipeline_mode<synchronous>, transform_indices = @transform_2, window_bounds = array<i64: 128, 128>}, {transform_indices = @transform_3, window_bounds = array<i64: 2000, 128>}, {transform_indices = @transform_4, window_bounds = array<i64: 2000, 128>}, {transform_indices = @transform_5, window_bounds = array<i64: 2000, 128>}, {transform_indices = @transform_6, window_bounds = array<i64: 2000, 128>}, {transform_indices = @transform_7, window_bounds = array<i64: 9, 2000, 128>}]} {
    %eq3A = arith.constant 0 : i32
    %eq3A_0 = arith.cmpi eq, %arg0, %eq3A : i32
    %convert_element_type3A = arith.extui %eq3A_0 : i1 to i32
    %cond3A = arith.constant 0 : i32
    %cond3A_1 = arith.cmpi ne, %convert_element_type3A, %cond3A : i32
    scf.if %cond3A_1 {
      %get3A_130 = arith.constant 0 : index
      %get3A_131 = arith.constant 0 : index
      %get3A_132 = memref.load %arg1[%get3A_130, %get3A_131] : memref<8x4xf32, #tpu.memory_space<smem>>
      %get3A_133 = arith.constant 0 : index
      %get3A_134 = arith.constant 0 : index
      %get3A_135 = arith.constant 0 : index
      %get3A_136 = vector.load %arg2[%get3A_133, %get3A_134, %get3A_135] : memref<4x128x128xf32, #tpu.memory_space<vmem>>, vector<1x128x128xf32>
      %get3A_137 = vector.shape_cast %get3A_136 : vector<1x128x128xf32> to vector<128x128xf32>
      %mul3A = vector.broadcast %get3A_132 : f32 to vector<128x128xf32>
      %mul3A_138 = arith.mulf %mul3A, %get3A_137 : vector<128x128xf32>
      %get3A_139 = arith.constant 0 : index
      %get3A_140 = arith.constant 1 : index
      %get3A_141 = memref.load %arg1[%get3A_139, %get3A_140] : memref<8x4xf32, #tpu.memory_space<smem>>
      %get3A_142 = arith.constant 1 : index
      %get3A_143 = arith.constant 0 : index
      %get3A_144 = arith.constant 0 : index
      %get3A_145 = vector.load %arg2[%get3A_142, %get3A_143, %get3A_144] : memref<4x128x128xf32, #tpu.memory_space<vmem>>, vector<1x128x128xf32>
      %get3A_146 = vector.shape_cast %get3A_145 : vector<1x128x128xf32> to vector<128x128xf32>
      %mul3A_147 = vector.broadcast %get3A_141 : f32 to vector<128x128xf32>
      %mul3A_148 = arith.mulf %mul3A_147, %get3A_146 : vector<128x128xf32>
      %add3A_149 = arith.addf %mul3A_138, %mul3A_148 : vector<128x128xf32>
      %get3A_150 = arith.constant 0 : index
      %get3A_151 = arith.constant 2 : index
      %get3A_152 = memref.load %arg1[%get3A_150, %get3A_151] : memref<8x4xf32, #tpu.memory_space<smem>>
      %get3A_153 = arith.constant 2 : index
      %get3A_154 = arith.constant 0 : index
      %get3A_155 = arith.constant 0 : index
      %get3A_156 = vector.load %arg2[%get3A_153, %get3A_154, %get3A_155] : memref<4x128x128xf32, #tpu.memory_space<vmem>>, vector<1x128x128xf32>
      %get3A_157 = vector.shape_cast %get3A_156 : vector<1x128x128xf32> to vector<128x128xf32>
      %mul3A_158 = vector.broadcast %get3A_152 : f32 to vector<128x128xf32>
      %mul3A_159 = arith.mulf %mul3A_158, %get3A_157 : vector<128x128xf32>
      %add3A_160 = arith.addf %add3A_149, %mul3A_159 : vector<128x128xf32>
      %get3A_161 = arith.constant 0 : index
      %get3A_162 = arith.constant 3 : index
      %get3A_163 = memref.load %arg1[%get3A_161, %get3A_162] : memref<8x4xf32, #tpu.memory_space<smem>>
      %get3A_164 = arith.constant 3 : index
      %get3A_165 = arith.constant 0 : index
      %get3A_166 = arith.constant 0 : index
      %get3A_167 = vector.load %arg2[%get3A_164, %get3A_165, %get3A_166] : memref<4x128x128xf32, #tpu.memory_space<vmem>>, vector<1x128x128xf32>
      %get3A_168 = vector.shape_cast %get3A_167 : vector<1x128x128xf32> to vector<128x128xf32>
      %mul3A_169 = vector.broadcast %get3A_163 : f32 to vector<128x128xf32>
      %mul3A_170 = arith.mulf %mul3A_169, %get3A_168 : vector<128x128xf32>
      %add3A_171 = arith.addf %add3A_160, %mul3A_170 : vector<128x128xf32>
      %swap3A_172 = arith.constant 0 : index
      %swap3A_173 = arith.constant 0 : index
      %swap3A_174 = arith.constant 0 : index
      %swap3A_175 = vector.load %arg9[%swap3A_172, %swap3A_173, %swap3A_174] : memref<9x128x128xf32, #tpu.memory_space<vmem>>, vector<1x128x128xf32>
      %swap3A_176 = vector.shape_cast %swap3A_175 : vector<1x128x128xf32> to vector<128x128xf32>
      %swap3A_177 = vector.shape_cast %add3A_171 : vector<128x128xf32> to vector<1x128x128xf32>
      tpu.vector_store %arg9[%swap3A_172, %swap3A_173, %swap3A_174], %swap3A_177 {strides = array<i32>} : memref<9x128x128xf32, #tpu.memory_space<vmem>>, vector<1x128x128xf32>,
      %get3A_178 = arith.constant 1 : index
      %get3A_179 = arith.constant 0 : index
      %get3A_180 = memref.load %arg1[%get3A_178, %get3A_179] : memref<8x4xf32, #tpu.memory_space<smem>>
      %get3A_181 = arith.constant 0 : index
      %get3A_182 = arith.constant 0 : index
      %get3A_183 = arith.constant 0 : index
      %get3A_184 = vector.load %arg2[%get3A_181, %get3A_182, %get3A_183] : memref<4x128x128xf32, #tpu.memory_space<vmem>>, vector<1x128x128xf32>
      %get3A_185 = vector.shape_cast %get3A_184 : vector<1x128x128xf32> to vector<128x128xf32>
      %mul3A_186 = vector.broadcast %get3A_180 : f32 to vector<128x128xf32>
      %mul3A_187 = arith.mulf %mul3A_186, %get3A_185 : vector<128x128xf32>
      %get3A_188 = arith.constant 1 : index
      %get3A_189 = arith.constant 1 : index
      %get3A_190 = memref.load %arg1[%get3A_188, %get3A_189] : memref<8x4xf32, #tpu.memory_space<smem>>
      %get3A_191 = arith.constant 1 : index
      %get3A_192 = arith.constant 0 : index
      %get3A_193 = arith.constant 0 : index
      %get3A_194 = vector.load %arg2[%get3A_191, %get3A_192, %get3A_193] : memref<4x128x128xf32, #tpu.memory_space<vmem>>, vector<1x128x128xf32>
      %get3A_195 = vector.shape_cast %get3A_194 : vector<1x128x128xf32> to vector<128x128xf32>
      %mul3A_196 = vector.broadcast %get3A_190 : f32 to vector<128x128xf32>
      %mul3A_197 = arith.mulf %mul3A_196, %get3A_195 : vector<128x128xf32>
      %add3A_198 = arith.addf %mul3A_187, %mul3A_197 : vector<128x128xf32>
      %get3A_199 = arith.constant 1 : index
      %get3A_200 = arith.constant 2 : index
      %get3A_201 = memref.load %arg1[%get3A_199, %get3A_200] : memref<8x4xf32, #tpu.memory_space<smem>>
      %get3A_202 = arith.constant 2 : index
      %get3A_203 = arith.constant 0 : index
      %get3A_204 = arith.constant 0 : index
      %get3A_205 = vector.load %arg2[%get3A_202, %get3A_203, %get3A_204] : memref<4x128x128xf32, #tpu.memory_space<vmem>>, vector<1x128x128xf32>
      %get3A_206 = vector.shape_cast %get3A_205 : vector<1x128x128xf32> to vector<128x128xf32>
      %mul3A_207 = vector.broadcast %get3A_201 : f32 to vector<128x128xf32>
      %mul3A_208 = arith.mulf %mul3A_207, %get3A_206 : vector<128x128xf32>
      %add3A_209 = arith.addf %add3A_198, %mul3A_208 : vector<128x128xf32>
      %get3A_210 = arith.constant 1 : index
      %get3A_211 = arith.constant 3 : index
      %get3A_212 = memref.load %arg1[%get3A_210, %get3A_211] : memref<8x4xf32, #tpu.memory_space<smem>>
      %get3A_213 = arith.constant 3 : index
      %get3A_214 = arith.constant 0 : index
      %get3A_215 = arith.constant 0 : index
      %get3A_216 = vector.load %arg2[%get3A_213, %get3A_214, %get3A_215] : memref<4x128x128xf32, #tpu.memory_space<vmem>>, vector<1x128x128xf32>
      %get3A_217 = vector.shape_cast %get3A_216 : vector<1x128x128xf32> to vector<128x128xf32>
      %mul3A_218 = vector.broadcast %get3A_212 : f32 to vector<128x128xf32>
      %mul3A_219 = arith.mulf %mul3A_218, %get3A_217 : vector<128x128xf32>
      %add3A_220 = arith.addf %add3A_209, %mul3A_219 : vector<128x128xf32>
      %swap3A_221 = arith.constant 1 : index
      %swap3A_222 = arith.constant 0 : index
      %swap3A_223 = arith.constant 0 : index
      %swap3A_224 = vector.load %arg9[%swap3A_221, %swap3A_222, %swap3A_223] : memref<9x128x128xf32, #tpu.memory_space<vmem>>, vector<1x128x128xf32>
      %swap3A_225 = vector.shape_cast %swap3A_224 : vector<1x128x128xf32> to vector<128x128xf32>
      %swap3A_226 = vector.shape_cast %add3A_220 : vector<128x128xf32> to vector<1x128x128xf32>
      tpu.vector_store %arg9[%swap3A_221, %swap3A_222, %swap3A_223], %swap3A_226 {strides = array<i32>} : memref<9x128x128xf32, #tpu.memory_space<vmem>>, vector<1x128x128xf32>,
      %get3A_227 = arith.constant 2 : index
      %get3A_228 = arith.constant 0 : index
      %get3A_229 = memref.load %arg1[%get3A_227, %get3A_228] : memref<8x4xf32, #tpu.memory_space<smem>>
      %get3A_230 = arith.constant 0 : index
      %get3A_231 = arith.constant 0 : index
      %get3A_232 = arith.constant 0 : index
      %get3A_233 = vector.load %arg2[%get3A_230, %get3A_231, %get3A_232] : memref<4x128x128xf32, #tpu.memory_space<vmem>>, vector<1x128x128xf32>
      %get3A_234 = vector.shape_cast %get3A_233 : vector<1x128x128xf32> to vector<128x128xf32>
      %mul3A_235 = vector.broadcast %get3A_229 : f32 to vector<128x128xf32>
      %mul3A_236 = arith.mulf %mul3A_235, %get3A_234 : vector<128x128xf32>
      %get3A_237 = arith.constant 2 : index
      %get3A_238 = arith.constant 1 : index
      %get3A_239 = memref.load %arg1[%get3A_237, %get3A_238] : memref<8x4xf32, #tpu.memory_space<smem>>
      %get3A_240 = arith.constant 1 : index
      %get3A_241 = arith.constant 0 : index
      %get3A_242 = arith.constant 0 : index
      %get3A_243 = vector.load %arg2[%get3A_240, %get3A_241, %get3A_242] : memref<4x128x128xf32, #tpu.memory_space<vmem>>, vector<1x128x128xf32>
      %get3A_244 = vector.shape_cast %get3A_243 : vector<1x128x128xf32> to vector<128x128xf32>
      %mul3A_245 = vector.broadcast %get3A_239 : f32 to vector<128x128xf32>
      %mul3A_246 = arith.mulf %mul3A_245, %get3A_244 : vector<128x128xf32>
      %add3A_247 = arith.addf %mul3A_236, %mul3A_246 : vector<128x128xf32>
      %get3A_248 = arith.constant 2 : index
      %get3A_249 = arith.constant 2 : index
      %get3A_250 = memref.load %arg1[%get3A_248, %get3A_249] : memref<8x4xf32, #tpu.memory_space<smem>>
      %get3A_251 = arith.constant 2 : index
      %get3A_252 = arith.constant 0 : index
      %get3A_253 = arith.constant 0 : index
      %get3A_254 = vector.load %arg2[%get3A_251, %get3A_252, %get3A_253] : memref<4x128x128xf32, #tpu.memory_space<vmem>>, vector<1x128x128xf32>
      %get3A_255 = vector.shape_cast %get3A_254 : vector<1x128x128xf32> to vector<128x128xf32>
      %mul3A_256 = vector.broadcast %get3A_250 : f32 to vector<128x128xf32>
      %mul3A_257 = arith.mulf %mul3A_256, %get3A_255 : vector<128x128xf32>
      %add3A_258 = arith.addf %add3A_247, %mul3A_257 : vector<128x128xf32>
      %get3A_259 = arith.constant 2 : index
      %get3A_260 = arith.constant 3 : index
      %get3A_261 = memref.load %arg1[%get3A_259, %get3A_260] : memref<8x4xf32, #tpu.memory_space<smem>>
      %get3A_262 = arith.constant 3 : index
      %get3A_263 = arith.constant 0 : index
      %get3A_264 = arith.constant 0 : index
      %get3A_265 = vector.load %arg2[%get3A_262, %get3A_263, %get3A_264] : memref<4x128x128xf32, #tpu.memory_space<vmem>>, vector<1x128x128xf32>
      %get3A_266 = vector.shape_cast %get3A_265 : vector<1x128x128xf32> to vector<128x128xf32>
      %mul3A_267 = vector.broadcast %get3A_261 : f32 to vector<128x128xf32>
      %mul3A_268 = arith.mulf %mul3A_267, %get3A_266 : vector<128x128xf32>
      %add3A_269 = arith.addf %add3A_258, %mul3A_268 : vector<128x128xf32>
      %swap3A_270 = arith.constant 2 : index
      %swap3A_271 = arith.constant 0 : index
      %swap3A_272 = arith.constant 0 : index
      %swap3A_273 = vector.load %arg9[%swap3A_270, %swap3A_271, %swap3A_272] : memref<9x128x128xf32, #tpu.memory_space<vmem>>, vector<1x128x128xf32>
      %swap3A_274 = vector.shape_cast %swap3A_273 : vector<1x128x128xf32> to vector<128x128xf32>
      %swap3A_275 = vector.shape_cast %add3A_269 : vector<128x128xf32> to vector<1x128x128xf32>
      tpu.vector_store %arg9[%swap3A_270, %swap3A_271, %swap3A_272], %swap3A_275 {strides = array<i32>} : memref<9x128x128xf32, #tpu.memory_space<vmem>>, vector<1x128x128xf32>,
      %get3A_276 = arith.constant 3 : index
      %get3A_277 = arith.constant 0 : index
      %get3A_278 = memref.load %arg1[%get3A_276, %get3A_277] : memref<8x4xf32, #tpu.memory_space<smem>>
      %get3A_279 = arith.constant 0 : index
      %get3A_280 = arith.constant 0 : index
      %get3A_281 = arith.constant 0 : index
      %get3A_282 = vector.load %arg2[%get3A_279, %get3A_280, %get3A_281] : memref<4x128x128xf32, #tpu.memory_space<vmem>>, vector<1x128x128xf32>
      %get3A_283 = vector.shape_cast %get3A_282 : vector<1x128x128xf32> to vector<128x128xf32>
      %mul3A_284 = vector.broadcast %get3A_278 : f32 to vector<128x128xf32>
      %mul3A_285 = arith.mulf %mul3A_284, %get3A_283 : vector<128x128xf32>
      %get3A_286 = arith.constant 3 : index
      %get3A_287 = arith.constant 1 : index
      %get3A_288 = memref.load %arg1[%get3A_286, %get3A_287] : memref<8x4xf32, #tpu.memory_space<smem>>
      %get3A_289 = arith.constant 1 : index
      %get3A_290 = arith.constant 0 : index
      %get3A_291 = arith.constant 0 : index
      %get3A_292 = vector.load %arg2[%get3A_289, %get3A_290, %get3A_291] : memref<4x128x128xf32, #tpu.memory_space<vmem>>, vector<1x128x128xf32>
      %get3A_293 = vector.shape_cast %get3A_292 : vector<1x128x128xf32> to vector<128x128xf32>
      %mul3A_294 = vector.broadcast %get3A_288 : f32 to vector<128x128xf32>
      %mul3A_295 = arith.mulf %mul3A_294, %get3A_293 : vector<128x128xf32>
      %add3A_296 = arith.addf %mul3A_285, %mul3A_295 : vector<128x128xf32>
      %get3A_297 = arith.constant 3 : index
      %get3A_298 = arith.constant 2 : index
      %get3A_299 = memref.load %arg1[%get3A_297, %get3A_298] : memref<8x4xf32, #tpu.memory_space<smem>>
      %get3A_300 = arith.constant 2 : index
      %get3A_301 = arith.constant 0 : index
      %get3A_302 = arith.constant 0 : index
      %get3A_303 = vector.load %arg2[%get3A_300, %get3A_301, %get3A_302] : memref<4x128x128xf32, #tpu.memory_space<vmem>>, vector<1x128x128xf32>
      %get3A_304 = vector.shape_cast %get3A_303 : vector<1x128x128xf32> to vector<128x128xf32>
      %mul3A_305 = vector.broadcast %get3A_299 : f32 to vector<128x128xf32>
      %mul3A_306 = arith.mulf %mul3A_305, %get3A_304 : vector<128x128xf32>
      %add3A_307 = arith.addf %add3A_296, %mul3A_306 : vector<128x128xf32>
      %get3A_308 = arith.constant 3 : index
      %get3A_309 = arith.constant 3 : index
      %get3A_310 = memref.load %arg1[%get3A_308, %get3A_309] : memref<8x4xf32, #tpu.memory_space<smem>>
      %get3A_311 = arith.constant 3 : index
      %get3A_312 = arith.constant 0 : index
      %get3A_313 = arith.constant 0 : index
      %get3A_314 = vector.load %arg2[%get3A_311, %get3A_312, %get3A_313] : memref<4x128x128xf32, #tpu.memory_space<vmem>>, vector<1x128x128xf32>
      %get3A_315 = vector.shape_cast %get3A_314 : vector<1x128x128xf32> to vector<128x128xf32>
      %mul3A_316 = vector.broadcast %get3A_310 : f32 to vector<128x128xf32>
      %mul3A_317 = arith.mulf %mul3A_316, %get3A_315 : vector<128x128xf32>
      %add3A_318 = arith.addf %add3A_307, %mul3A_317 : vector<128x128xf32>
      %swap3A_319 = arith.constant 3 : index
      %swap3A_320 = arith.constant 0 : index
      %swap3A_321 = arith.constant 0 : index
      %swap3A_322 = vector.load %arg9[%swap3A_319, %swap3A_320, %swap3A_321] : memref<9x128x128xf32, #tpu.memory_space<vmem>>, vector<1x128x128xf32>
      %swap3A_323 = vector.shape_cast %swap3A_322 : vector<1x128x128xf32> to vector<128x128xf32>
      %swap3A_324 = vector.shape_cast %add3A_318 : vector<128x128xf32> to vector<1x128x128xf32>
      tpu.vector_store %arg9[%swap3A_319, %swap3A_320, %swap3A_321], %swap3A_324 {strides = array<i32>} : memref<9x128x128xf32, #tpu.memory_space<vmem>>, vector<1x128x128xf32>,
      %get3A_325 = arith.constant 4 : index
      %get3A_326 = arith.constant 0 : index
      %get3A_327 = memref.load %arg1[%get3A_325, %get3A_326] : memref<8x4xf32, #tpu.memory_space<smem>>
      %get3A_328 = arith.constant 0 : index
      %get3A_329 = arith.constant 0 : index
      %get3A_330 = arith.constant 0 : index
      %get3A_331 = vector.load %arg2[%get3A_328, %get3A_329, %get3A_330] : memref<4x128x128xf32, #tpu.memory_space<vmem>>, vector<1x128x128xf32>
      %get3A_332 = vector.shape_cast %get3A_331 : vector<1x128x128xf32> to vector<128x128xf32>
      %mul3A_333 = vector.broadcast %get3A_327 : f32 to vector<128x128xf32>
      %mul3A_334 = arith.mulf %mul3A_333, %get3A_332 : vector<128x128xf32>
      %get3A_335 = arith.constant 4 : index
      %get3A_336 = arith.constant 1 : index
      %get3A_337 = memref.load %arg1[%get3A_335, %get3A_336] : memref<8x4xf32, #tpu.memory_space<smem>>
      %get3A_338 = arith.constant 1 : index
      %get3A_339 = arith.constant 0 : index
      %get3A_340 = arith.constant 0 : index
      %get3A_341 = vector.load %arg2[%get3A_338, %get3A_339, %get3A_340] : memref<4x128x128xf32, #tpu.memory_space<vmem>>, vector<1x128x128xf32>
      %get3A_342 = vector.shape_cast %get3A_341 : vector<1x128x128xf32> to vector<128x128xf32>
      %mul3A_343 = vector.broadcast %get3A_337 : f32 to vector<128x128xf32>
      %mul3A_344 = arith.mulf %mul3A_343, %get3A_342 : vector<128x128xf32>
      %add3A_345 = arith.addf %mul3A_334, %mul3A_344 : vector<128x128xf32>
      %get3A_346 = arith.constant 4 : index
      %get3A_347 = arith.constant 2 : index
      %get3A_348 = memref.load %arg1[%get3A_346, %get3A_347] : memref<8x4xf32, #tpu.memory_space<smem>>
      %get3A_349 = arith.constant 2 : index
      %get3A_350 = arith.constant 0 : index
      %get3A_351 = arith.constant 0 : index
      %get3A_352 = vector.load %arg2[%get3A_349, %get3A_350, %get3A_351] : memref<4x128x128xf32, #tpu.memory_space<vmem>>, vector<1x128x128xf32>
      %get3A_353 = vector.shape_cast %get3A_352 : vector<1x128x128xf32> to vector<128x128xf32>
      %mul3A_354 = vector.broadcast %get3A_348 : f32 to vector<128x128xf32>
      %mul3A_355 = arith.mulf %mul3A_354, %get3A_353 : vector<128x128xf32>
      %add3A_356 = arith.addf %add3A_345, %mul3A_355 : vector<128x128xf32>
      %get3A_357 = arith.constant 4 : index
      %get3A_358 = arith.constant 3 : index
      %get3A_359 = memref.load %arg1[%get3A_357, %get3A_358] : memref<8x4xf32, #tpu.memory_space<smem>>
      %get3A_360 = arith.constant 3 : index
      %get3A_361 = arith.constant 0 : index
      %get3A_362 = arith.constant 0 : index
      %get3A_363 = vector.load %arg2[%get3A_360, %get3A_361, %get3A_362] : memref<4x128x128xf32, #tpu.memory_space<vmem>>, vector<1x128x128xf32>
      %get3A_364 = vector.shape_cast %get3A_363 : vector<1x128x128xf32> to vector<128x128xf32>
      %mul3A_365 = vector.broadcast %get3A_359 : f32 to vector<128x128xf32>
      %mul3A_366 = arith.mulf %mul3A_365, %get3A_364 : vector<128x128xf32>
      %add3A_367 = arith.addf %add3A_356, %mul3A_366 : vector<128x128xf32>
      %swap3A_368 = arith.constant 4 : index
      %swap3A_369 = arith.constant 0 : index
      %swap3A_370 = arith.constant 0 : index
      %swap3A_371 = vector.load %arg9[%swap3A_368, %swap3A_369, %swap3A_370] : memref<9x128x128xf32, #tpu.memory_space<vmem>>, vector<1x128x128xf32>
      %swap3A_372 = vector.shape_cast %swap3A_371 : vector<1x128x128xf32> to vector<128x128xf32>
      %swap3A_373 = vector.shape_cast %add3A_367 : vector<128x128xf32> to vector<1x128x128xf32>
      tpu.vector_store %arg9[%swap3A_368, %swap3A_369, %swap3A_370], %swap3A_373 {strides = array<i32>} : memref<9x128x128xf32, #tpu.memory_space<vmem>>, vector<1x128x128xf32>,
      %get3A_374 = arith.constant 5 : index
      %get3A_375 = arith.constant 0 : index
      %get3A_376 = memref.load %arg1[%get3A_374, %get3A_375] : memref<8x4xf32, #tpu.memory_space<smem>>
      %get3A_377 = arith.constant 0 : index
      %get3A_378 = arith.constant 0 : index
      %get3A_379 = arith.constant 0 : index
      %get3A_380 = vector.load %arg2[%get3A_377, %get3A_378, %get3A_379] : memref<4x128x128xf32, #tpu.memory_space<vmem>>, vector<1x128x128xf32>
      %get3A_381 = vector.shape_cast %get3A_380 : vector<1x128x128xf32> to vector<128x128xf32>
      %mul3A_382 = vector.broadcast %get3A_376 : f32 to vector<128x128xf32>
      %mul3A_383 = arith.mulf %mul3A_382, %get3A_381 : vector<128x128xf32>
      %get3A_384 = arith.constant 5 : index
      %get3A_385 = arith.constant 1 : index
      %get3A_386 = memref.load %arg1[%get3A_384, %get3A_385] : memref<8x4xf32, #tpu.memory_space<smem>>
      %get3A_387 = arith.constant 1 : index
      %get3A_388 = arith.constant 0 : index
      %get3A_389 = arith.constant 0 : index
      %get3A_390 = vector.load %arg2[%get3A_387, %get3A_388, %get3A_389] : memref<4x128x128xf32, #tpu.memory_space<vmem>>, vector<1x128x128xf32>
      %get3A_391 = vector.shape_cast %get3A_390 : vector<1x128x128xf32> to vector<128x128xf32>
      %mul3A_392 = vector.broadcast %get3A_386 : f32 to vector<128x128xf32>
      %mul3A_393 = arith.mulf %mul3A_392, %get3A_391 : vector<128x128xf32>
      %add3A_394 = arith.addf %mul3A_383, %mul3A_393 : vector<128x128xf32>
      %get3A_395 = arith.constant 5 : index
      %get3A_396 = arith.constant 2 : index
      %get3A_397 = memref.load %arg1[%get3A_395, %get3A_396] : memref<8x4xf32, #tpu.memory_space<smem>>
      %get3A_398 = arith.constant 2 : index
      %get3A_399 = arith.constant 0 : index
      %get3A_400 = arith.constant 0 : index
      %get3A_401 = vector.load %arg2[%get3A_398, %get3A_399, %get3A_400] : memref<4x128x128xf32, #tpu.memory_space<vmem>>, vector<1x128x128xf32>
      %get3A_402 = vector.shape_cast %get3A_401 : vector<1x128x128xf32> to vector<128x128xf32>
      %mul3A_403 = vector.broadcast %get3A_397 : f32 to vector<128x128xf32>
      %mul3A_404 = arith.mulf %mul3A_403, %get3A_402 : vector<128x128xf32>
      %add3A_405 = arith.addf %add3A_394, %mul3A_404 : vector<128x128xf32>
      %get3A_406 = arith.constant 5 : index
      %get3A_407 = arith.constant 3 : index
      %get3A_408 = memref.load %arg1[%get3A_406, %get3A_407] : memref<8x4xf32, #tpu.memory_space<smem>>
      %get3A_409 = arith.constant 3 : index
      %get3A_410 = arith.constant 0 : index
      %get3A_411 = arith.constant 0 : index
      %get3A_412 = vector.load %arg2[%get3A_409, %get3A_410, %get3A_411] : memref<4x128x128xf32, #tpu.memory_space<vmem>>, vector<1x128x128xf32>
      %get3A_413 = vector.shape_cast %get3A_412 : vector<1x128x128xf32> to vector<128x128xf32>
      %mul3A_414 = vector.broadcast %get3A_408 : f32 to vector<128x128xf32>
      %mul3A_415 = arith.mulf %mul3A_414, %get3A_413 : vector<128x128xf32>
      %add3A_416 = arith.addf %add3A_405, %mul3A_415 : vector<128x128xf32>
      %swap3A_417 = arith.constant 5 : index
      %swap3A_418 = arith.constant 0 : index
      %swap3A_419 = arith.constant 0 : index
      %swap3A_420 = vector.load %arg9[%swap3A_417, %swap3A_418, %swap3A_419] : memref<9x128x128xf32, #tpu.memory_space<vmem>>, vector<1x128x128xf32>
      %swap3A_421 = vector.shape_cast %swap3A_420 : vector<1x128x128xf32> to vector<128x128xf32>
      %swap3A_422 = vector.shape_cast %add3A_416 : vector<128x128xf32> to vector<1x128x128xf32>
      tpu.vector_store %arg9[%swap3A_417, %swap3A_418, %swap3A_419], %swap3A_422 {strides = array<i32>} : memref<9x128x128xf32, #tpu.memory_space<vmem>>, vector<1x128x128xf32>,
      %get3A_423 = arith.constant 6 : index
      %get3A_424 = arith.constant 0 : index
      %get3A_425 = memref.load %arg1[%get3A_423, %get3A_424] : memref<8x4xf32, #tpu.memory_space<smem>>
      %get3A_426 = arith.constant 0 : index
      %get3A_427 = arith.constant 0 : index
      %get3A_428 = arith.constant 0 : index
      %get3A_429 = vector.load %arg2[%get3A_426, %get3A_427, %get3A_428] : memref<4x128x128xf32, #tpu.memory_space<vmem>>, vector<1x128x128xf32>
      %get3A_430 = vector.shape_cast %get3A_429 : vector<1x128x128xf32> to vector<128x128xf32>
      %mul3A_431 = vector.broadcast %get3A_425 : f32 to vector<128x128xf32>
      %mul3A_432 = arith.mulf %mul3A_431, %get3A_430 : vector<128x128xf32>
      %get3A_433 = arith.constant 6 : index
      %get3A_434 = arith.constant 1 : index
      %get3A_435 = memref.load %arg1[%get3A_433, %get3A_434] : memref<8x4xf32, #tpu.memory_space<smem>>
      %get3A_436 = arith.constant 1 : index
      %get3A_437 = arith.constant 0 : index
      %get3A_438 = arith.constant 0 : index
      %get3A_439 = vector.load %arg2[%get3A_436, %get3A_437, %get3A_438] : memref<4x128x128xf32, #tpu.memory_space<vmem>>, vector<1x128x128xf32>
      %get3A_440 = vector.shape_cast %get3A_439 : vector<1x128x128xf32> to vector<128x128xf32>
      %mul3A_441 = vector.broadcast %get3A_435 : f32 to vector<128x128xf32>
      %mul3A_442 = arith.mulf %mul3A_441, %get3A_440 : vector<128x128xf32>
      %add3A_443 = arith.addf %mul3A_432, %mul3A_442 : vector<128x128xf32>
      %get3A_444 = arith.constant 6 : index
      %get3A_445 = arith.constant 2 : index
      %get3A_446 = memref.load %arg1[%get3A_444, %get3A_445] : memref<8x4xf32, #tpu.memory_space<smem>>
      %get3A_447 = arith.constant 2 : index
      %get3A_448 = arith.constant 0 : index
      %get3A_449 = arith.constant 0 : index
      %get3A_450 = vector.load %arg2[%get3A_447, %get3A_448, %get3A_449] : memref<4x128x128xf32, #tpu.memory_space<vmem>>, vector<1x128x128xf32>
      %get3A_451 = vector.shape_cast %get3A_450 : vector<1x128x128xf32> to vector<128x128xf32>
      %mul3A_452 = vector.broadcast %get3A_446 : f32 to vector<128x128xf32>
      %mul3A_453 = arith.mulf %mul3A_452, %get3A_451 : vector<128x128xf32>
      %add3A_454 = arith.addf %add3A_443, %mul3A_453 : vector<128x128xf32>
      %get3A_455 = arith.constant 6 : index
      %get3A_456 = arith.constant 3 : index
      %get3A_457 = memref.load %arg1[%get3A_455, %get3A_456] : memref<8x4xf32, #tpu.memory_space<smem>>
      %get3A_458 = arith.constant 3 : index
      %get3A_459 = arith.constant 0 : index
      %get3A_460 = arith.constant 0 : index
      %get3A_461 = vector.load %arg2[%get3A_458, %get3A_459, %get3A_460] : memref<4x128x128xf32, #tpu.memory_space<vmem>>, vector<1x128x128xf32>
      %get3A_462 = vector.shape_cast %get3A_461 : vector<1x128x128xf32> to vector<128x128xf32>
      %mul3A_463 = vector.broadcast %get3A_457 : f32 to vector<128x128xf32>
      %mul3A_464 = arith.mulf %mul3A_463, %get3A_462 : vector<128x128xf32>
      %add3A_465 = arith.addf %add3A_454, %mul3A_464 : vector<128x128xf32>
      %swap3A_466 = arith.constant 6 : index
      %swap3A_467 = arith.constant 0 : index
      %swap3A_468 = arith.constant 0 : index
      %swap3A_469 = vector.load %arg9[%swap3A_466, %swap3A_467, %swap3A_468] : memref<9x128x128xf32, #tpu.memory_space<vmem>>, vector<1x128x128xf32>
      %swap3A_470 = vector.shape_cast %swap3A_469 : vector<1x128x128xf32> to vector<128x128xf32>
      %swap3A_471 = vector.shape_cast %add3A_465 : vector<128x128xf32> to vector<1x128x128xf32>
      tpu.vector_store %arg9[%swap3A_466, %swap3A_467, %swap3A_468], %swap3A_471 {strides = array<i32>} : memref<9x128x128xf32, #tpu.memory_space<vmem>>, vector<1x128x128xf32>,
      %get3A_472 = arith.constant 7 : index
      %get3A_473 = arith.constant 0 : index
      %get3A_474 = memref.load %arg1[%get3A_472, %get3A_473] : memref<8x4xf32, #tpu.memory_space<smem>>
      %get3A_475 = arith.constant 0 : index
      %get3A_476 = arith.constant 0 : index
      %get3A_477 = arith.constant 0 : index
      %get3A_478 = vector.load %arg2[%get3A_475, %get3A_476, %get3A_477] : memref<4x128x128xf32, #tpu.memory_space<vmem>>, vector<1x128x128xf32>
      %get3A_479 = vector.shape_cast %get3A_478 : vector<1x128x128xf32> to vector<128x128xf32>
      %mul3A_480 = vector.broadcast %get3A_474 : f32 to vector<128x128xf32>
      %mul3A_481 = arith.mulf %mul3A_480, %get3A_479 : vector<128x128xf32>
      %get3A_482 = arith.constant 7 : index
      %get3A_483 = arith.constant 1 : index
      %get3A_484 = memref.load %arg1[%get3A_482, %get3A_483] : memref<8x4xf32, #tpu.memory_space<smem>>
      %get3A_485 = arith.constant 1 : index
      %get3A_486 = arith.constant 0 : index
      %get3A_487 = arith.constant 0 : index
      %get3A_488 = vector.load %arg2[%get3A_485, %get3A_486, %get3A_487] : memref<4x128x128xf32, #tpu.memory_space<vmem>>, vector<1x128x128xf32>
      %get3A_489 = vector.shape_cast %get3A_488 : vector<1x128x128xf32> to vector<128x128xf32>
      %mul3A_490 = vector.broadcast %get3A_484 : f32 to vector<128x128xf32>
      %mul3A_491 = arith.mulf %mul3A_490, %get3A_489 : vector<128x128xf32>
      %add3A_492 = arith.addf %mul3A_481, %mul3A_491 : vector<128x128xf32>
      %get3A_493 = arith.constant 7 : index
      %get3A_494 = arith.constant 2 : index
      %get3A_495 = memref.load %arg1[%get3A_493, %get3A_494] : memref<8x4xf32, #tpu.memory_space<smem>>
      %get3A_496 = arith.constant 2 : index
      %get3A_497 = arith.constant 0 : index
      %get3A_498 = arith.constant 0 : index
      %get3A_499 = vector.load %arg2[%get3A_496, %get3A_497, %get3A_498] : memref<4x128x128xf32, #tpu.memory_space<vmem>>, vector<1x128x128xf32>
      %get3A_500 = vector.shape_cast %get3A_499 : vector<1x128x128xf32> to vector<128x128xf32>
      %mul3A_501 = vector.broadcast %get3A_495 : f32 to vector<128x128xf32>
      %mul3A_502 = arith.mulf %mul3A_501, %get3A_500 : vector<128x128xf32>
      %add3A_503 = arith.addf %add3A_492, %mul3A_502 : vector<128x128xf32>
      %get3A_504 = arith.constant 7 : index
      %get3A_505 = arith.constant 3 : index
      %get3A_506 = memref.load %arg1[%get3A_504, %get3A_505] : memref<8x4xf32, #tpu.memory_space<smem>>
      %get3A_507 = arith.constant 3 : index
      %get3A_508 = arith.constant 0 : index
      %get3A_509 = arith.constant 0 : index
      %get3A_510 = vector.load %arg2[%get3A_507, %get3A_508, %get3A_509] : memref<4x128x128xf32, #tpu.memory_space<vmem>>, vector<1x128x128xf32>
      %get3A_511 = vector.shape_cast %get3A_510 : vector<1x128x128xf32> to vector<128x128xf32>
      %mul3A_512 = vector.broadcast %get3A_506 : f32 to vector<128x128xf32>
      %mul3A_513 = arith.mulf %mul3A_512, %get3A_511 : vector<128x128xf32>
      %add3A_514 = arith.addf %add3A_503, %mul3A_513 : vector<128x128xf32>
      %swap3A_515 = arith.constant 7 : index
      %swap3A_516 = arith.constant 0 : index
      %swap3A_517 = arith.constant 0 : index
      %swap3A_518 = vector.load %arg9[%swap3A_515, %swap3A_516, %swap3A_517] : memref<9x128x128xf32, #tpu.memory_space<vmem>>, vector<1x128x128xf32>
      %swap3A_519 = vector.shape_cast %swap3A_518 : vector<1x128x128xf32> to vector<128x128xf32>
      %swap3A_520 = vector.shape_cast %add3A_514 : vector<128x128xf32> to vector<1x128x128xf32>
      tpu.vector_store %arg9[%swap3A_515, %swap3A_516, %swap3A_517], %swap3A_520 {strides = array<i32>} : memref<9x128x128xf32, #tpu.memory_space<vmem>>, vector<1x128x128xf32>,
      %get3A_521 = arith.constant 0 : index
      %get3A_522 = arith.constant 0 : index
      %get3A_523 = vector.load %arg3[%get3A_521, %get3A_522] : memref<128x128xf32, #tpu.memory_space<vmem>>, vector<128x128xf32>
      %swap3A_524 = arith.constant 8 : index
      %swap3A_525 = arith.constant 0 : index
      %swap3A_526 = arith.constant 0 : index
      %swap3A_527 = vector.load %arg9[%swap3A_524, %swap3A_525, %swap3A_526] : memref<9x128x128xf32, #tpu.memory_space<vmem>>, vector<1x128x128xf32>
      %swap3A_528 = vector.shape_cast %swap3A_527 : vector<1x128x128xf32> to vector<128x128xf32>
      %swap3A_529 = vector.shape_cast %get3A_523 : vector<128x128xf32> to vector<1x128x128xf32>
      tpu.vector_store %arg9[%swap3A_524, %swap3A_525, %swap3A_526], %swap3A_529 {strides = array<i32>} : memref<9x128x128xf32, #tpu.memory_space<vmem>>, vector<1x128x128xf32>,
    } else {
    }
    %get3A = arith.constant 0 : index
    %get3A_2 = arith.constant 0 : index
    %get3A_3 = vector.load %arg4[%get3A, %get3A_2] : memref<2000x128xf32, #tpu.memory_space<vmem>>, vector<2000x128xf32>
    %get3A_4 = arith.constant 0 : index
    %get3A_5 = arith.constant 0 : index
    %get3A_6 = vector.load %arg5[%get3A_4, %get3A_5] : memref<2000x128xf32, #tpu.memory_space<vmem>>, vector<2000x128xf32>
    %add3A = arith.addf %get3A_3, %get3A_6 : vector<2000x128xf32>
    %get3A_7 = arith.constant 0 : index
    %get3A_8 = arith.constant 0 : index
    %get3A_9 = vector.load %arg6[%get3A_7, %get3A_8] : memref<2000x128xf32, #tpu.memory_space<vmem>>, vector<2000x128xf32>
    %add3A_10 = arith.addf %add3A, %get3A_9 : vector<2000x128xf32>
    %get3A_11 = arith.constant 0 : index
    %get3A_12 = arith.constant 0 : index
    %get3A_13 = vector.load %arg7[%get3A_11, %get3A_12] : memref<2000x128xf32, #tpu.memory_space<vmem>>, vector<2000x128xf32>
    %add3A_14 = arith.addf %add3A_10, %get3A_13 : vector<2000x128xf32>
    %get3A_15 = arith.constant 0 : index
    %get3A_16 = arith.constant 0 : index
    %get3A_17 = arith.constant 0 : index
    %get3A_18 = vector.load %arg9[%get3A_15, %get3A_16, %get3A_17] : memref<9x128x128xf32, #tpu.memory_space<vmem>>, vector<1x128x128xf32>
    %get3A_19 = vector.shape_cast %get3A_18 : vector<1x128x128xf32> to vector<128x128xf32>
    %dot_general3A = arith.constant dense<0.000000e+00> : vector<2000x128xf32>
    %dot_general3A_20 = tpu.matmul %add3A_14, %get3A_19, %dot_general3A {dimension_numbers = #tpu.dot_dimension_numbers<[1], [0], [0], [1], [0, 0, 1, 1], [], []>, transpose_lhs_hint = false} : vector<2000x128xf32>, vector<128x128xf32>, vector<2000x128xf32> -> vector<2000x128xf32>
    %swap3A = arith.constant 0 : index
    %swap3A_21 = arith.constant 0 : index
    %swap3A_22 = arith.constant 0 : index
    %swap3A_23 = vector.load %arg8[%swap3A, %swap3A_21, %swap3A_22] : memref<9x2000x128xf32, #tpu.memory_space<vmem>>, vector<1x2000x128xf32>
    %swap3A_24 = vector.shape_cast %swap3A_23 : vector<1x2000x128xf32> to vector<2000x128xf32>
    %swap3A_25 = vector.shape_cast %dot_general3A_20 : vector<2000x128xf32> to vector<1x2000x128xf32>
    tpu.vector_store %arg8[%swap3A, %swap3A_21, %swap3A_22], %swap3A_25 {strides = array<i32>} : memref<9x2000x128xf32, #tpu.memory_space<vmem>>, vector<1x2000x128xf32>,
    %get3A_26 = arith.constant 1 : index
    %get3A_27 = arith.constant 0 : index
    %get3A_28 = arith.constant 0 : index
    %get3A_29 = vector.load %arg9[%get3A_26, %get3A_27, %get3A_28] : memref<9x128x128xf32, #tpu.memory_space<vmem>>, vector<1x128x128xf32>
    %get3A_30 = vector.shape_cast %get3A_29 : vector<1x128x128xf32> to vector<128x128xf32>
    %dot_general3A_31 = arith.constant dense<0.000000e+00> : vector<2000x128xf32>
    %dot_general3A_32 = tpu.matmul %add3A_14, %get3A_30, %dot_general3A_31 {dimension_numbers = #tpu.dot_dimension_numbers<[1], [0], [0], [1], [0, 0, 1, 1], [], []>, transpose_lhs_hint = false} : vector<2000x128xf32>, vector<128x128xf32>, vector<2000x128xf32> -> vector<2000x128xf32>
    %swap3A_33 = arith.constant 1 : index
    %swap3A_34 = arith.constant 0 : index
    %swap3A_35 = arith.constant 0 : index
    %swap3A_36 = vector.load %arg8[%swap3A_33, %swap3A_34, %swap3A_35] : memref<9x2000x128xf32, #tpu.memory_space<vmem>>, vector<1x2000x128xf32>
    %swap3A_37 = vector.shape_cast %swap3A_36 : vector<1x2000x128xf32> to vector<2000x128xf32>
    %swap3A_38 = vector.shape_cast %dot_general3A_32 : vector<2000x128xf32> to vector<1x2000x128xf32>
    tpu.vector_store %arg8[%swap3A_33, %swap3A_34, %swap3A_35], %swap3A_38 {strides = array<i32>} : memref<9x2000x128xf32, #tpu.memory_space<vmem>>, vector<1x2000x128xf32>,
    %get3A_39 = arith.constant 2 : index
    %get3A_40 = arith.constant 0 : index
    %get3A_41 = arith.constant 0 : index
    %get3A_42 = vector.load %arg9[%get3A_39, %get3A_40, %get3A_41] : memref<9x128x128xf32, #tpu.memory_space<vmem>>, vector<1x128x128xf32>
    %get3A_43 = vector.shape_cast %get3A_42 : vector<1x128x128xf32> to vector<128x128xf32>
    %dot_general3A_44 = arith.constant dense<0.000000e+00> : vector<2000x128xf32>
    %dot_general3A_45 = tpu.matmul %add3A_14, %get3A_43, %dot_general3A_44 {dimension_numbers = #tpu.dot_dimension_numbers<[1], [0], [0], [1], [0, 0, 1, 1], [], []>, transpose_lhs_hint = false} : vector<2000x128xf32>, vector<128x128xf32>, vector<2000x128xf32> -> vector<2000x128xf32>
    %swap3A_46 = arith.constant 2 : index
    %swap3A_47 = arith.constant 0 : index
    %swap3A_48 = arith.constant 0 : index
    %swap3A_49 = vector.load %arg8[%swap3A_46, %swap3A_47, %swap3A_48] : memref<9x2000x128xf32, #tpu.memory_space<vmem>>, vector<1x2000x128xf32>
    %swap3A_50 = vector.shape_cast %swap3A_49 : vector<1x2000x128xf32> to vector<2000x128xf32>
    %swap3A_51 = vector.shape_cast %dot_general3A_45 : vector<2000x128xf32> to vector<1x2000x128xf32>
    tpu.vector_store %arg8[%swap3A_46, %swap3A_47, %swap3A_48], %swap3A_51 {strides = array<i32>} : memref<9x2000x128xf32, #tpu.memory_space<vmem>>, vector<1x2000x128xf32>,
    %get3A_52 = arith.constant 3 : index
    %get3A_53 = arith.constant 0 : index
    %get3A_54 = arith.constant 0 : index
    %get3A_55 = vector.load %arg9[%get3A_52, %get3A_53, %get3A_54] : memref<9x128x128xf32, #tpu.memory_space<vmem>>, vector<1x128x128xf32>
    %get3A_56 = vector.shape_cast %get3A_55 : vector<1x128x128xf32> to vector<128x128xf32>
    %dot_general3A_57 = arith.constant dense<0.000000e+00> : vector<2000x128xf32>
    %dot_general3A_58 = tpu.matmul %add3A_14, %get3A_56, %dot_general3A_57 {dimension_numbers = #tpu.dot_dimension_numbers<[1], [0], [0], [1], [0, 0, 1, 1], [], []>, transpose_lhs_hint = false} : vector<2000x128xf32>, vector<128x128xf32>, vector<2000x128xf32> -> vector<2000x128xf32>
    %swap3A_59 = arith.constant 3 : index
    %swap3A_60 = arith.constant 0 : index
    %swap3A_61 = arith.constant 0 : index
    %swap3A_62 = vector.load %arg8[%swap3A_59, %swap3A_60, %swap3A_61] : memref<9x2000x128xf32, #tpu.memory_space<vmem>>, vector<1x2000x128xf32>
    %swap3A_63 = vector.shape_cast %swap3A_62 : vector<1x2000x128xf32> to vector<2000x128xf32>
    %swap3A_64 = vector.shape_cast %dot_general3A_58 : vector<2000x128xf32> to vector<1x2000x128xf32>
    tpu.vector_store %arg8[%swap3A_59, %swap3A_60, %swap3A_61], %swap3A_64 {strides = array<i32>} : memref<9x2000x128xf32, #tpu.memory_space<vmem>>, vector<1x2000x128xf32>,
    %get3A_65 = arith.constant 4 : index
    %get3A_66 = arith.constant 0 : index
    %get3A_67 = arith.constant 0 : index
    %get3A_68 = vector.load %arg9[%get3A_65, %get3A_66, %get3A_67] : memref<9x128x128xf32, #tpu.memory_space<vmem>>, vector<1x128x128xf32>
    %get3A_69 = vector.shape_cast %get3A_68 : vector<1x128x128xf32> to vector<128x128xf32>
    %dot_general3A_70 = arith.constant dense<0.000000e+00> : vector<2000x128xf32>
    %dot_general3A_71 = tpu.matmul %add3A_14, %get3A_69, %dot_general3A_70 {dimension_numbers = #tpu.dot_dimension_numbers<[1], [0], [0], [1], [0, 0, 1, 1], [], []>, transpose_lhs_hint = false} : vector<2000x128xf32>, vector<128x128xf32>, vector<2000x128xf32> -> vector<2000x128xf32>
    %swap3A_72 = arith.constant 4 : index
    %swap3A_73 = arith.constant 0 : index
    %swap3A_74 = arith.constant 0 : index
    %swap3A_75 = vector.load %arg8[%swap3A_72, %swap3A_73, %swap3A_74] : memref<9x2000x128xf32, #tpu.memory_space<vmem>>, vector<1x2000x128xf32>
    %swap3A_76 = vector.shape_cast %swap3A_75 : vector<1x2000x128xf32> to vector<2000x128xf32>
    %swap3A_77 = vector.shape_cast %dot_general3A_71 : vector<2000x128xf32> to vector<1x2000x128xf32>
    tpu.vector_store %arg8[%swap3A_72, %swap3A_73, %swap3A_74], %swap3A_77 {strides = array<i32>} : memref<9x2000x128xf32, #tpu.memory_space<vmem>>, vector<1x2000x128xf32>,
    %get3A_78 = arith.constant 5 : index
    %get3A_79 = arith.constant 0 : index
    %get3A_80 = arith.constant 0 : index
    %get3A_81 = vector.load %arg9[%get3A_78, %get3A_79, %get3A_80] : memref<9x128x128xf32, #tpu.memory_space<vmem>>, vector<1x128x128xf32>
    %get3A_82 = vector.shape_cast %get3A_81 : vector<1x128x128xf32> to vector<128x128xf32>
    %dot_general3A_83 = arith.constant dense<0.000000e+00> : vector<2000x128xf32>
    %dot_general3A_84 = tpu.matmul %add3A_14, %get3A_82, %dot_general3A_83 {dimension_numbers = #tpu.dot_dimension_numbers<[1], [0], [0], [1], [0, 0, 1, 1], [], []>, transpose_lhs_hint = false} : vector<2000x128xf32>, vector<128x128xf32>, vector<2000x128xf32> -> vector<2000x128xf32>
    %swap3A_85 = arith.constant 5 : index
    %swap3A_86 = arith.constant 0 : index
    %swap3A_87 = arith.constant 0 : index
    %swap3A_88 = vector.load %arg8[%swap3A_85, %swap3A_86, %swap3A_87] : memref<9x2000x128xf32, #tpu.memory_space<vmem>>, vector<1x2000x128xf32>
    %swap3A_89 = vector.shape_cast %swap3A_88 : vector<1x2000x128xf32> to vector<2000x128xf32>
    %swap3A_90 = vector.shape_cast %dot_general3A_84 : vector<2000x128xf32> to vector<1x2000x128xf32>
    tpu.vector_store %arg8[%swap3A_85, %swap3A_86, %swap3A_87], %swap3A_90 {strides = array<i32>} : memref<9x2000x128xf32, #tpu.memory_space<vmem>>, vector<1x2000x128xf32>,
    %get3A_91 = arith.constant 6 : index
    %get3A_92 = arith.constant 0 : index
    %get3A_93 = arith.constant 0 : index
    %get3A_94 = vector.load %arg9[%get3A_91, %get3A_92, %get3A_93] : memref<9x128x128xf32, #tpu.memory_space<vmem>>, vector<1x128x128xf32>
    %get3A_95 = vector.shape_cast %get3A_94 : vector<1x128x128xf32> to vector<128x128xf32>
    %dot_general3A_96 = arith.constant dense<0.000000e+00> : vector<2000x128xf32>
    %dot_general3A_97 = tpu.matmul %add3A_14, %get3A_95, %dot_general3A_96 {dimension_numbers = #tpu.dot_dimension_numbers<[1], [0], [0], [1], [0, 0, 1, 1], [], []>, transpose_lhs_hint = false} : vector<2000x128xf32>, vector<128x128xf32>, vector<2000x128xf32> -> vector<2000x128xf32>
    %swap3A_98 = arith.constant 6 : index
    %swap3A_99 = arith.constant 0 : index
    %swap3A_100 = arith.constant 0 : index
    %swap3A_101 = vector.load %arg8[%swap3A_98, %swap3A_99, %swap3A_100] : memref<9x2000x128xf32, #tpu.memory_space<vmem>>, vector<1x2000x128xf32>
    %swap3A_102 = vector.shape_cast %swap3A_101 : vector<1x2000x128xf32> to vector<2000x128xf32>
    %swap3A_103 = vector.shape_cast %dot_general3A_97 : vector<2000x128xf32> to vector<1x2000x128xf32>
    tpu.vector_store %arg8[%swap3A_98, %swap3A_99, %swap3A_100], %swap3A_103 {strides = array<i32>} : memref<9x2000x128xf32, #tpu.memory_space<vmem>>, vector<1x2000x128xf32>,
    %get3A_104 = arith.constant 7 : index
    %get3A_105 = arith.constant 0 : index
    %get3A_106 = arith.constant 0 : index
    %get3A_107 = vector.load %arg9[%get3A_104, %get3A_105, %get3A_106] : memref<9x128x128xf32, #tpu.memory_space<vmem>>, vector<1x128x128xf32>
    %get3A_108 = vector.shape_cast %get3A_107 : vector<1x128x128xf32> to vector<128x128xf32>
    %dot_general3A_109 = arith.constant dense<0.000000e+00> : vector<2000x128xf32>
    %dot_general3A_110 = tpu.matmul %add3A_14, %get3A_108, %dot_general3A_109 {dimension_numbers = #tpu.dot_dimension_numbers<[1], [0], [0], [1], [0, 0, 1, 1], [], []>, transpose_lhs_hint = false} : vector<2000x128xf32>, vector<128x128xf32>, vector<2000x128xf32> -> vector<2000x128xf32>
    %swap3A_111 = arith.constant 7 : index
    %swap3A_112 = arith.constant 0 : index
    %swap3A_113 = arith.constant 0 : index
    %swap3A_114 = vector.load %arg8[%swap3A_111, %swap3A_112, %swap3A_113] : memref<9x2000x128xf32, #tpu.memory_space<vmem>>, vector<1x2000x128xf32>
    %swap3A_115 = vector.shape_cast %swap3A_114 : vector<1x2000x128xf32> to vector<2000x128xf32>
    %swap3A_116 = vector.shape_cast %dot_general3A_110 : vector<2000x128xf32> to vector<1x2000x128xf32>
    tpu.vector_store %arg8[%swap3A_111, %swap3A_112, %swap3A_113], %swap3A_116 {strides = array<i32>} : memref<9x2000x128xf32, #tpu.memory_space<vmem>>, vector<1x2000x128xf32>,
    %get3A_117 = arith.constant 8 : index
    %get3A_118 = arith.constant 0 : index
    %get3A_119 = arith.constant 0 : index
    %get3A_120 = vector.load %arg9[%get3A_117, %get3A_118, %get3A_119] : memref<9x128x128xf32, #tpu.memory_space<vmem>>, vector<1x128x128xf32>
    %get3A_121 = vector.shape_cast %get3A_120 : vector<1x128x128xf32> to vector<128x128xf32>
    %dot_general3A_122 = arith.constant dense<0.000000e+00> : vector<2000x128xf32>
    %dot_general3A_123 = tpu.matmul %add3A_14, %get3A_121, %dot_general3A_122 {dimension_numbers = #tpu.dot_dimension_numbers<[1], [0], [0], [1], [0, 0, 1, 1], [], []>, transpose_lhs_hint = false} : vector<2000x128xf32>, vector<128x128xf32>, vector<2000x128xf32> -> vector<2000x128xf32>
    %swap3A_124 = arith.constant 8 : index
    %swap3A_125 = arith.constant 0 : index
    %swap3A_126 = arith.constant 0 : index
    %swap3A_127 = vector.load %arg8[%swap3A_124, %swap3A_125, %swap3A_126] : memref<9x2000x128xf32, #tpu.memory_space<vmem>>, vector<1x2000x128xf32>
    %swap3A_128 = vector.shape_cast %swap3A_127 : vector<1x2000x128xf32> to vector<2000x128xf32>
    %swap3A_129 = vector.shape_cast %dot_general3A_123 : vector<2000x128xf32> to vector<1x2000x128xf32>
    tpu.vector_store %arg8[%swap3A_124, %swap3A_125, %swap3A_126], %swap3A_129 {strides = array<i32>} : memref<9x2000x128xf32, #tpu.memory_space<vmem>>, vector<1x2000x128xf32>,
    return
  }
  func.func @transform_0(%arg0: i32) -> (i32, i32) {
    %c0_i32 = arith.constant 0 : i32
    %c0_i32_0 = arith.constant 0 : i32
    %c0_i32_1 = arith.constant 0 : i32
    return %c0_i32, %c0_i32_0 : i32, i32
  }
  func.func @transform_1(%arg0: i32) -> (i32, i32, i32) {
    %c0_i32 = arith.constant 0 : i32
    %c0_i32_0 = arith.constant 0 : i32
    %c0_i32_1 = arith.constant 0 : i32
    %c0_i32_2 = arith.constant 0 : i32
    return %c0_i32, %c0_i32_0, %c0_i32_1 : i32, i32, i32
  }
  func.func @transform_2(%arg0: i32) -> (i32, i32) {
    %c0_i32 = arith.constant 0 : i32
    %c0_i32_0 = arith.constant 0 : i32
    %c0_i32_1 = arith.constant 0 : i32
    return %c0_i32, %c0_i32_0 : i32, i32
  }
  func.func @transform_3(%arg0: i32) -> (i32, i32) {
    %add3A = arith.constant 0 : i32
    %add3A_0 = arith.addi %add3A, %arg0 : i32
    %c0_i32 = arith.constant 0 : i32
    %c0_i32_1 = arith.constant 0 : i32
    return %add3A_0, %c0_i32 : i32, i32
  }
  func.func @transform_4(%arg0: i32) -> (i32, i32) {
    %add3A = arith.constant 5 : i32
    %add3A_0 = arith.addi %add3A, %arg0 : i32
    %c0_i32 = arith.constant 0 : i32
    %c0_i32_1 = arith.constant 0 : i32
    return %add3A_0, %c0_i32 : i32, i32
  }
  func.func @transform_5(%arg0: i32) -> (i32, i32) {
    %add3A = arith.constant 40 : i32
    %add3A_0 = arith.addi %add3A, %arg0 : i32
    %c0_i32 = arith.constant 0 : i32
    %c0_i32_1 = arith.constant 0 : i32
    return %add3A_0, %c0_i32 : i32, i32
  }
  func.func @transform_6(%arg0: i32) -> (i32, i32) {
    %add3A = arith.constant 0 : i32
    %add3A_0 = arith.addi %add3A, %arg0 : i32
    %c0_i32 = arith.constant 0 : i32
    %c0_i32_1 = arith.constant 0 : i32
    return %add3A_0, %c0_i32 : i32, i32
  }
  func.func @transform_7(%arg0: i32) -> (i32, i32, i32) {
    %c0_i32 = arith.constant 0 : i32
    %c0_i32_0 = arith.constant 0 : i32
    %c0_i32_1 = arith.constant 0 : i32
    return %c0_i32, %arg0, %c0_i32_0 : i32, i32, i32
  }
}

module attributes {stable_mosaic.version = 14 : i64} {
  func.func @body(%arg0: i32, %arg1: memref<2000x128xf32, #tpu.memory_space<vmem>>, %arg2: memref<2000x128xf32, #tpu.memory_space<vmem>>, %arg3: memref<2000x128xf32, #tpu.memory_space<vmem>>, %arg4: memref<2000x128xf32, #tpu.memory_space<vmem>>) attributes {dimension_semantics = [#tpu.dimension_semantics<arbitrary>], iteration_bounds = array<i64: 5>, scalar_prefetch = 0 : i64, scratch_operands = 0 : i64, tpu.core_type = #tpu.core_type<tc>, window_params = [{transform_indices = @transform_0, window_bounds = array<i64: 2000, 128>}, {transform_indices = @transform_1, window_bounds = array<i64: 2000, 128>}, {transform_indices = @transform_2, window_bounds = array<i64: 2000, 128>}, {transform_indices = @transform_3, window_bounds = array<i64: 2000, 128>}]} {
    %get3A = arith.constant 0 : index
    %get3A_0 = arith.constant 0 : index
    %get3A_1 = vector.load %arg1[%get3A, %get3A_0] : memref<2000x128xf32, #tpu.memory_space<vmem>>, vector<2000x128xf32>
    %get3A_2 = arith.constant 0 : index
    %get3A_3 = arith.constant 0 : index
    %get3A_4 = vector.load %arg2[%get3A_2, %get3A_3] : memref<2000x128xf32, #tpu.memory_space<vmem>>, vector<2000x128xf32>
    %add3A = arith.addf %get3A_1, %get3A_4 : vector<2000x128xf32>
    %get3A_5 = arith.constant 0 : index
    %get3A_6 = arith.constant 0 : index
    %get3A_7 = vector.load %arg3[%get3A_5, %get3A_6] : memref<2000x128xf32, #tpu.memory_space<vmem>>, vector<2000x128xf32>
    %add3A_8 = arith.addf %add3A, %get3A_7 : vector<2000x128xf32>
    %swap3A = arith.constant 0 : index
    %swap3A_9 = arith.constant 0 : index
    %swap3A_10 = vector.load %arg4[%swap3A, %swap3A_9] : memref<2000x128xf32, #tpu.memory_space<vmem>>, vector<2000x128xf32>
    tpu.vector_store %arg4[%swap3A, %swap3A_9], %add3A_8 {strides = array<i32>} : memref<2000x128xf32, #tpu.memory_space<vmem>>, vector<2000x128xf32>,
    return
  }
  func.func @transform_0(%arg0: i32) -> (i32, i32) {
    %c0_i32 = arith.constant 0 : i32
    %c0_i32_0 = arith.constant 0 : i32
    return %arg0, %c0_i32 : i32, i32
  }
  func.func @transform_1(%arg0: i32) -> (i32, i32) {
    %add3A = arith.constant 5 : i32
    %add3A_0 = arith.addi %add3A, %arg0 : i32
    %c0_i32 = arith.constant 0 : i32
    %c0_i32_1 = arith.constant 0 : i32
    return %add3A_0, %c0_i32 : i32, i32
  }
  func.func @transform_2(%arg0: i32) -> (i32, i32) {
    %add3A = arith.constant 40 : i32
    %add3A_0 = arith.addi %add3A, %arg0 : i32
    %c0_i32 = arith.constant 0 : i32
    %c0_i32_1 = arith.constant 0 : i32
    return %add3A_0, %c0_i32 : i32, i32
  }
  func.func @transform_3(%arg0: i32) -> (i32, i32) {
    %c0_i32 = arith.constant 0 : i32
    %c0_i32_0 = arith.constant 0 : i32
    return %arg0, %c0_i32 : i32, i32
  }
}

</mosaic_0001>

<sc_bundles>
// kernel: kernel.10.cloned.1.call-start
scs
__scs_entry_jumppad:
0x0: {  	(pc) =	sbr.rel $0x88, $3  }
0x1: {  	(tag) =	ssettag $0x0;
	lr =	simm.s32 $0x1  }
0x2: {  	[smem:$0x3F9B] =	sst lr;
	_ =	strace $0xD0000000  }
0x3: {  	_ = 	snop  }
0x4: {  	_ = 	snop  }
0x5: {  	_ = 	snop  }
0x6: {  	_ = 	snop  }
0x7: {  	_ = 	snop  }
__scs_overlays_trampoline_lowered:
0x8: {  	[smem:$0x3FAA] =	sst s0  }
0x9: {  	[smem:$0x3FAB] =	sst s1  }
0xa: {  	[smem:$0x3FAC] =	sst s2  }
0xb: {  	[smem:$0x3FAD] =	sst s3  }
0xc: {  	[smem:$0x3FAE] =	sst s4  }
0xd: {  	[smem:$0x3FAF] =	sst s5  }
0xe: {  	[smem:$0x3FB0] =	sst s6  }
0xf: {  	[smem:$0x3FB1] =	sst s7  }
0x10: {  	[smem:$0x3FB2] =	sst s8  }
0x11: {  	[smem:$0x3FB3] =	sst s9;
	s0 =	simm.s32 @!p0 $0x0  }
0x12: {  	s1 =	sld [smem:$0x3F99];
	s0 =	simm.s32 @p0 $0x1  }
0x13: {  	[smem:$0x3FB4] =	sst s0;
	s0 =	simm.s32 @!p1 $0x0  }
0x14: {  	s2 =	sld [smem:$0x3F98];
	s0 =	simm.s32 @p1 $0x1  }
0x15: {  	[smem:$0x3FB5] =	sst s0;
	s0 =	simm.s32 @!p2 $0x0  }
0x16: {  	s3 =	sld [smem:$0x3FDB];
	s0 =	simm.s32 @p2 $0x1  }
0x17: {  	s4 =	simm.s32 $0x1BF5;
	[smem:$0x3FB7] =	sst s0  }
0x18: {  	s0 =	sld [smem:$0x3F9A];
	_ =	swait.ge [sflag:s4], $0x0  }
0x19: {  	s7 =	sld [smem:$0x3F9B]  }
0x1a: {  	s8 =	sadd.s32 $0xFFFFE003, lr  }
0x1b: {  	s9 =	sadd.s32 $0xFFFFFEF7, lr;
	s5 =	simm.s32 $0xFFFFFFFF;
	p2 =	slt.u32 s8, $0xFFFFF086  }
0x1c: {  	p1 =	slt.u32 s9, $0xF7A;
	s5 =	simm.s32 @!p2 $0x0  }
0x1d: {  	s5 =	simm.s32 @p1 $0x1;
	p0 =	seq.s32 s7, s2  }
0x1e: {  	s7 =	smul.u32 @!p0 $0xF7A, s2;
	p2 =	seq.s32 @!p0 s5, $0x0  }
0x1f: {  	s9 =	smul.u32 $0xF7A, s1;
	s8 =	simm.s32 @!p0 $0x1BF5;
	p2 =	por !p2, p0  }
0x20: {  	[sflag:s8] =	ssyncset.s32 @!p0 $0xFFFFF086;
	s6 =	sadd.s32 @!p0 s3, s7;
	s7 =	simm.s32 @!p0 $0x108  }
0x21: {  	s3 =	sadd.s32 s3, s9;
	s6 =	sadd.s32 @!p0 $0x88, s6;
	s7 =	simm.s32 @p2 $0x1082  }
0x22: {  	[simem:s7], [sflag:s8] =	dma.local @!p0 [hbm:s6], $0xF7A  }
0x23: {  	s9 =	sor.u32 $0xD0000000, s2;
	s6 =	simm.s32 $0x108;
	_ =	swait.ge @!p0 [sflag:s8], $0x0  }
0x24: {  	s3 =	sadd.s32 $0x88, s3;
	s6 =	simm.s32 @!p1 $0x1082;
	[sflag:s4] =	ssyncset.s32 $0xFFFFF086  }
0x25: {  	[simem:s6], [sflag:s4] =	dma.local [hbm:s3], $0xF7A  }
0x26: {  	[smem:$0x3F9B] =	sst s1;
	(tag) =	ssettag s2;
	_ =	strace s9  }
0x27: {  	s1 =	sld [smem:$0x3FAB]  }
0x28: {  	s2 =	sld [smem:$0x3FAC]  }
0x29: {  	s4 =	sld [smem:$0x3FAE]  }
0x2a: {  	p0 =	seq.s32 s5, $0x0;
	s5 =	sld [smem:$0x3FAF]  }
0x2b: {  	s6 =	sld [smem:$0x3FB0]  }
0x2c: {  	s7 =	sld [smem:$0x3FB1]  }
0x2d: {  	s3 =	simm.s32 $0x108;
	s8 =	sld [smem:$0x3FB2]  }
0x2e: {  	s3 =	simm.s32 @!p0 $0x1082;
	s9 =	sld [smem:$0x3FB3]  }
0x2f: {  	lr =	sadd.s32 s0, s3;
	s0 =	sld [smem:$0x3FAA]  }
0x30: {  	s3 =	sld [smem:$0x3FAD]  }
0x31: {  	[smem:$0x3FB6] =	sst s10  }
0x32: {  	s10 =	sld [smem:$0x3FB4];
	_ =	sdelay $0x3  }
0x33: {  	p0 =	seq.s32 s10, $0x1;
	s10 =	sld [smem:$0x3FB6];
	_ =	sdelay $0x3  }
0x34: {  	[smem:$0x3FB6] =	sst s10  }
0x35: {  	s10 =	sld [smem:$0x3FB5];
	_ =	sdelay $0x3  }
0x36: {  	p1 =	seq.s32 s10, $0x1;
	s10 =	sld [smem:$0x3FB6];
	_ =	sdelay $0x3  }
0x37: {  	[smem:$0x3FB6] =	sst s10  }
0x38: {  	s10 =	sld [smem:$0x3FB7]  }
0x39: {  	_ = 	snop;
	(pc) =	sbr.ind lr, $3  }
0x3a: {  	_ = 	snop  }
0x3b: {  	_ = 	snop  }
0x3c: {  	p2 =	seq.s32 s10, $0x1;
	s10 =	sld [smem:$0x3FB6]  }
0x3d: {  	_ =	shalt  }
0x3e: {  	_ =	shalt  }
0x3f: {  	_ =	shalt  }
0x40: {  	_ =	shalt  }
0x41: {  	_ =	shalt  }
0x42: {  	_ =	shalt  }
0x43: {  	_ =	shalt  }
0x44: {  	_ =	shalt  }
0x45: {  	_ =	shalt  }
0x46: {  	_ =	shalt  }
0x47: {  	_ =	shalt  }
0x48: {  	_ =	shalt  }
0x49: {  	_ =	shalt  }
0x4a: {  	_ =	shalt  }
0x4b: {  	_ =	shalt  }
0x4c: {  	_ =	shalt  }
0x4d: {  	_ =	shalt  }
0x4e: {  	_ =	shalt  }
0x4f: {  	_ =	shalt  }
0x50: {  	_ =	shalt  }
0x51: {  	_ =	shalt  }
0x52: {  	_ =	shalt  }
0x53: {  	_ =	shalt  }
0x54: {  	_ =	shalt  }
0x55: {  	_ =	shalt  }
0x56: {  	_ =	shalt  }
0x57: {  	_ =	shalt  }
0x58: {  	_ =	shalt  }
0x59: {  	_ =	shalt  }
0x5a: {  	_ =	shalt  }
0x5b: {  	_ =	shalt  }
0x5c: {  	_ =	shalt  }
0x5d: {  	_ =	shalt  }
0x5e: {  	_ =	shalt  }
0x5f: {  	_ =	shalt  }
0x60: {  	_ =	shalt  }
0x61: {  	_ =	shalt  }
0x62: {  	_ =	shalt  }
0x63: {  	_ =	shalt  }
0x64: {  	_ =	shalt  }
0x65: {  	_ =	shalt  }
0x66: {  	_ =	shalt  }
0x67: {  	_ =	shalt  }
0x68: {  	_ =	shalt  }
0x69: {  	_ =	shalt  }
0x6a: {  	_ =	shalt  }
0x6b: {  	_ =	shalt  }
0x6c: {  	_ =	shalt  }
0x6d: {  	_ =	shalt  }
0x6e: {  	_ =	shalt  }
0x6f: {  	_ =	shalt  }
0x70: {  	_ =	shalt  }
0x71: {  	_ =	shalt  }
0x72: {  	_ =	shalt  }
0x73: {  	_ =	shalt  }
0x74: {  	_ =	shalt  }
0x75: {  	_ =	shalt  }
0x76: {  	_ =	shalt  }
0x77: {  	_ =	shalt  }
0x78: {  	_ =	shalt  }
0x79: {  	_ =	shalt  }
0x7a: {  	_ =	shalt  }
0x7b: {  	_ =	shalt  }
0x7c: {  	_ =	shalt  }
0x7d: {  	_ =	shalt  }
0x7e: {  	_ =	shalt  }
0x7f: {  	_ =	shalt  }
0x80: {  	_ =	shalt  }
0x81: {  	_ =	shalt  }
0x82: {  	_ =	shalt  }
0x83: {  	_ =	shalt  }
0x84: {  	_ =	shalt  }
0x85: {  	_ =	shalt  }
0x86: {  	_ =	shalt  }
0x87: {  	_ =	shalt  }
.Lfunc_end0:
.L_simem_size_0:
called_computation.1_lowered:
.L_overlay_start_0:
0x88: {  	s2 =	sld [smem:$0x3FD9]  }
0x89: {  	s3 =	sld [smem:$0x3FFE];
	_ =	sdelay $0x1  }
0x8a: {  	s1 =	srdreg.scid  }
0x8b: {  	s0 =	sand.u32 $0x1, s1  }
0x8c: {  	s17 =	sshll.u32 s0, $0xA;
	s2 =	sadd.s32 s3, s2  }
0x8d: {  	s2 =	sadd.s32 s2, s17  }
0x8e: {  	[smem:$0x3FC2] =	sst s2  }
0x8f: {  	_ = 	snop  }
0x90: {  	s2 =	sld [smem:$0x3FD0];
	(tm) =	ssettm $0x1  }
0x91: {  	s18 =	sld [smem:$0x3FFB];
	_ =	sdelay $0x3  }
0x92: {  	_ =	strace s18  }
0x93: {  	s3 =	sld [smem:$0x3FFC];
	_ =	sdelay $0x3  }
0x94: {  	_ =	strace s3  }
0x95: {  	s3 =	sld [smem:$0x3FFD];
	_ =	sdelay $0x3  }
0x96: {  	_ =	strace s3  }
0x97: {  	_ =	strace $0x8FFFFFFF  }
0x98: {  	s19 =	sld [smem:$0x3FDB];
	_ =	sdelay $0x1  }
0x99: {  	s4 =	simm.s32 $_scs_section_size  }
0x9a: {  	s5 =	simm.s32 $_size__tile_overlayer_lowered;
	s6 =	simm.s32 $_tile_overlayer_lowered  }
0x9b: {  	s22 =	simm.s32 $0x1BFF;
	s21 =	sshll.u32 s6, $0x1;
	s3 =	sadd.s32 s4, s19  }
0x9c: {  	s7 =	simm.s32 $0x0;
	s20 =	sshll.u32 s5, $0x1;
	s5 =	sadd.s32 s21, s3  }
0x9d: {  	[timem:s7], [sflag:s22] =	dma.local [hbm:s5], s20  }
0x9e: {  	_ =	swait.ge [sflag:s22], s20  }
0x9f: {  	s4 =	ssub.s32 $0x0, s20;
	[sflag:s22] =	ssyncset.done $0x0  }
0xa0: {  	[sflag:s22] =	ssyncadd.s32 s4;
	_ =	sdelay $0x1  }
0xa1: {  	s23 =	simm.s32 $0x1B8B  }
0xa2: {  	_ =	swait.ge [sflag:s23], $0x1  }
0xa3: {  	[sflag:s23] =	ssyncset.done $0x0  }
0xa4: {  	s25 =	simm.s32 $0x1B8E;
	s24 =	sld [smem:$0x3FFE];
	[sflag:s23] =	ssyncadd.s32 $0xFFFFFFFF  }
0xa5: {  	s26 =	simm.s32 $execute0_lowered;
	[smem:$0x3FD2] =	sst s25  }
0xa6: {  	s5 =	sshll.u32 s26, $0x1;
	_ =	strace $0x80000049;
	[dreg:$0x1] =	wrdreg $0xFFFFFFFF  }
0xa7: {  	s28 =	simm.s32 $_size_execute0_lowered;
	s3 =	sadd.s32 s3, s5;
	[dreg:$0x0] =	wrdreg $0x0  }
0xa8: {  	s5 =	sshll.u32 s28, $0x1;
	[dreg:$0x2] =	wrdreg s3  }
0xa9: {  	[dreg:$0x3] =	wrdreg s5  }
0xaa: {  	[dreg:$0x4] =	wrdreg $0xC0  }
0xab: {  	_ =	task [dreg:s7], $0x5FFFF  }
0xac: {  	[dreg:$0x1] =	wrdreg $0xFFFFFFFF  }
0xad: {  	[dreg:$0x0] =	wrdreg $0x60  }
0xae: {  	[dreg:$0x2] =	wrdreg s24  }
0xaf: {  	[dreg:$0x3] =	wrdreg s2  }
0xb0: {  	[dreg:$0x4] =	wrdreg $0xB7800  }
0xb1: {  	[dreg:$0x5] =	wrdreg $0x9  }
0xb2: {  	_ =	task.clear_ibuf [dreg:s7], $0x6FFFF;
	_ =	strace $0x90000049  }
0xb3: {  	s29 =	simm.s32 $0x9;
	_ =	strace $0x8000004B  }
0xb4: {  	_ =	swait.ge [sflag:s29], $0x1  }
0xb5: {  	[sflag:s29] =	ssyncadd.s32 $0xFFFFFFFF  }
0xb6: {  	_ =	strace $0x9000004B  }
0xb7: {  	_ =	sfence  }
0xb8: {  	s30 =	sld [smem:$0x0];
	_ =	sdelay $0x2  }
0xb9: {  	s31 =	sshll.u32 s1, $0xD;
	s1 =	sshrl.u32 s1, $0x2  }
0xba: {  	s3 =	sand.u32 $0x4000, s31;
	s1 =	sadd.s32 s1, s30  }
0xbb: {  	s0 =	sor.u32 s3, s0;
	s1 =	sshll.u32 s1, $0x11  }
0xbc: {  	s0 =	sor.u32 s1, s0  }
0xbd: {  	s0 =	sadd.s32 $0x8F2B, s0  }
0xbe: {  	[sflag:s0] =	ssyncadd.remote.s32 $0x1  }
0xbf: {  	_ =	sfence.sel $0xFFFF  }
0xc0: {  	[dreg:$0x0] =	wrdreg $0xFFFFFFFF;
	(pc) =	sbr.abs _section_cstart, $3  }
0xc1: {  	[dreg:$0x1] =	wrdreg $0xFFFFFFFF  }
0xc2: {  	_ =	task.clear_ibuf [dreg:s7], $0x2FFFF;
	_ =	strace $0x9FFFFFFF  }
0xc3: {  	(tm) =	ssettm $0x7FFFFFFF  }
tec
execute0_lowered:
.L_overlay_start_1:
0x0: {  	(tag) =	ssettag $0x1  }
0x1: {  	s1 =	rddreg [dreg:$0x0]  }
0x2: {  	s0 =	srdreg.scid;
	s7 =	rddreg [dreg:$0x1]  }
0x3: {  	s10 =	stileid.u32;
	s2 =	rddreg [dreg:$0x2]  }
0x4: {  	s17 =	simm.s32 $0x4000;
	s18 =	simm.s32 $0x6780;
	s19 =	simm.s32 $0x3  }
0x5: {  	s20 =	simm.s32 $0x1;
	s21 =	simm.s32 $0x2;
	s22 =	simm.s32 $0x50  }
0x6: {  	s24 =	simm.s32 $0x8F80;
	s28 =	simm.s32 $0x3D80;
	s29 =	simm.s32 $0x3E00  }
0x7: {  	s30 =	simm.s32 $0x0;
	s0 =	sand.u32 $0x1, s0;
	s8 =	smul.u32 $0x2700, s10  }
0x8: {  	s4 =	sadd.s32 $0x16AC00, s1;
	s3 =	sshll.u32 s0, $0x4;
	s9 =	smul.u32 $0x27100, s0  }
0x9: {  	s0 =	ssub.s32 $0x2, s0;
	s5 =	sor.u32 s10, s3;
	s10 =	smul.u32 $0x4E000, s10  }
0xa: {  	s3 =	simm.s32 $0x0;
	s25 =	sshrl.u32 s0, $0x1;
	s6 =	smul.u32 $0x4E2, s5  }
0xb: {  	[smem:$0x7FF] =	sst s3;
	s8 =	sadd.s32 s8, s9;
	s0 =	ssub.s32 s0, s25  }
0xc: {  	s31 =	sshll.u32 s5, $0xB;
	_ =	strace $0x8000004A;
	s26 =	sshrl.u32 s10, $0x2  }
0xd: {  	s7 =	sadd.s32 s7, s31;
	s16 =	smax.u32 s0, $0x1;
	s6 =	sadd.s32 s6, s1  }
0xe: {  	s1 =	sadd.s32 s8, s1;
	s5 =	sadd.s32 s26, s2;
	s26 =	simm.s32 $0x66C0  }
0xf: {  	s6 =	sadd.s32 $0x160E00, s6;
	s8 =	sadd.s32 $0x2800, s5;
	s9 =	sadd.s32 $0x5000, s5  }
0x10: {  	s10 =	sadd.s32 $0x7800, s5;
	s11 =	sadd.s32 $0xA000, s5;
	s12 =	sadd.s32 $0xC800, s5  }
0x11: {  	v0 =	vimm.f32 $0.0e+00;
	s13 =	sadd.s32 $0xF000, s5;
	s14 =	sadd.s32 $0x11800, s5;
	s15 =	sadd.s32 $0x1400, s1  }
.LBB2_1:
0x12: {  	[tilespmem:s17], [sflag:$0x1] =	stream.linear.gather [hbm4b:s6+s3], $0x2710, $0x38;
	[tilespmem:$0x1F000] =	vst v63  }
0x13: {  	s0 =	simm.s32 $0x0;
	s1 =	simm.s32 $0x200  }
0x14: {  	[tilespmem:s3], [sflag:$0x2] =	stream.linear.gather [hbm4b:s7+s3], $0x3E80, $0x38;
	[tilespmem:$0x1F000] =	vst v63  }
.LBB2_2:
0x15: {  	p0 =	sne.s32 s1, $0x9E00;
	[tilespmem:s0+$0x67F0] =	vst v0  }
0x16: {  	[tilespmem:s0+$0x6780] =	vst v0  }
0x17: {  	[tilespmem:s0+$0x6790] =	vst v0  }
.Ltmp0:
0x18: {  	[tilespmem:s0+$0x67A0] =	vst v0;
	(pc) =	sbr.rel @p0 .LBB2_2-.Ltmp0, $4  }
0x19: {  	[tilespmem:s0+$0x67B0] =	vst v0  }
0x1a: {  	[tilespmem:s0+$0x67C0] =	vst v0  }
0x1b: {  	[tilespmem:s0+$0x67D0] =	vst v0  }
0x1c: {  	[tilespmem:s0+$0x67E0] =	vst v0;
	s0 =	sshra.s32 s1, $0x2;
	s1 =	sadd.s32 $0x200, s1  }
0x1d: {  	[tilespmem:s0+$0x67F0] =	vst v0  }
0x1e: {  	[tilespmem:s0+$0x6780] =	vst v0  }
0x1f: {  	[tilespmem:s0+$0x6790] =	vst v0  }
0x20: {  	[tilespmem:s0+$0x67A0] =	vst v0  }
0x21: {  	[tilespmem:s0+$0x67B0] =	vst v0  }
0x22: {  	[tilespmem:s0+$0x67C0] =	vst v0  }
0x23: {  	[tilespmem:s0+$0x67D0] =	vst v0  }
0x24: {  	[tilespmem:s0+$0x67E0] =	vst v0  }
0x25: {  	[spmem:s5] =	stream.linear.scatter [tilespmem:s18], [sflag:$0x3], $0x2800, $0x38;
	[tilespmem:$0x1F000] =	vst v63  }
0x26: {  	_ =	swait.ge [sflag:s19], $0x2800  }
0x27: {  	[sflag:s19] =	ssyncset.done $0x0  }
0x28: {  	[sflag:s19] =	ssyncadd.s32 $0xFFFFD800  }
0x29: {  	[spmem:s8] =	stream.linear.scatter [tilespmem:s18], [sflag:$0x3], $0x2800, $0x38;
	[tilespmem:$0x1F000] =	vst v63  }
0x2a: {  	_ =	swait.ge [sflag:s19], $0x2800  }
0x2b: {  	[sflag:s19] =	ssyncset.done $0x0  }
0x2c: {  	[sflag:s19] =	ssyncadd.s32 $0xFFFFD800  }
0x2d: {  	[spmem:s9] =	stream.linear.scatter [tilespmem:s18], [sflag:$0x3], $0x2800, $0x38;
	[tilespmem:$0x1F000] =	vst v63  }
0x2e: {  	_ =	swait.ge [sflag:s19], $0x2800  }
0x2f: {  	[sflag:s19] =	ssyncset.done $0x0  }
0x30: {  	[sflag:s19] =	ssyncadd.s32 $0xFFFFD800  }
0x31: {  	[spmem:s10] =	stream.linear.scatter [tilespmem:s18], [sflag:$0x3], $0x2800, $0x38;
	[tilespmem:$0x1F000] =	vst v63  }
0x32: {  	_ =	swait.ge [sflag:s19], $0x2800  }
0x33: {  	[sflag:s19] =	ssyncset.done $0x0  }
0x34: {  	[sflag:s19] =	ssyncadd.s32 $0xFFFFD800  }
0x35: {  	[spmem:s11] =	stream.linear.scatter [tilespmem:s18], [sflag:$0x3], $0x2800, $0x38;
	[tilespmem:$0x1F000] =	vst v63  }
0x36: {  	_ =	swait.ge [sflag:s19], $0x2800  }
0x37: {  	[sflag:s19] =	ssyncset.done $0x0  }
0x38: {  	[sflag:s19] =	ssyncadd.s32 $0xFFFFD800  }
0x39: {  	[spmem:s12] =	stream.linear.scatter [tilespmem:s18], [sflag:$0x3], $0x2800, $0x38;
	[tilespmem:$0x1F000] =	vst v63  }
0x3a: {  	_ =	swait.ge [sflag:s19], $0x2800  }
0x3b: {  	[sflag:s19] =	ssyncset.done $0x0  }
0x3c: {  	[sflag:s19] =	ssyncadd.s32 $0xFFFFD800  }
0x3d: {  	[spmem:s13] =	stream.linear.scatter [tilespmem:s18], [sflag:$0x3], $0x2800, $0x38;
	[tilespmem:$0x1F000] =	vst v63  }
0x3e: {  	_ =	swait.ge [sflag:s19], $0x2800  }
0x3f: {  	[sflag:s19] =	ssyncset.done $0x0  }
0x40: {  	[sflag:s19] =	ssyncadd.s32 $0xFFFFD800  }
0x41: {  	[spmem:s14] =	stream.linear.scatter [tilespmem:s18], [sflag:$0x3], $0x2800, $0x38;
	[tilespmem:$0x1F000] =	vst v63  }
0x42: {  	_ =	swait.ge [sflag:s19], $0x2800  }
0x43: {  	[sflag:s19] =	ssyncset.done $0x0  }
0x44: {  	[sflag:s19] =	ssyncadd.s32 $0xFFFFD800  }
0x45: {  	_ =	swait.ge [sflag:s20], $0x2710  }
0x46: {  	[sflag:s20] =	ssyncset.done $0x0  }
0x47: {  	[sflag:s20] =	ssyncadd.s32 $0xFFFFD8F0  }
0x48: {  	_ =	swait.ge [sflag:s21], $0x3E80  }
0x49: {  	[sflag:s21] =	ssyncset.done $0x0  }
0x4a: {  	[sflag:s21] =	ssyncadd.s32 $0xFFFFC180  }
0x4b: {  	[bflag:$0x0] =	sbarrier.arrive $0xFFFF  }
0x4c: {  	[tilespmem:s18], [sflag:$0x1] =	stream.indirect.gather [hbm4b:s4+s22], $0x80, s17, s22, $0xb8;
	[tilespmem:$0x1F000] =	vst v63  }
0x4d: {  	s25 =	simm.s32 $0x4050  }
0x4e: {  	[tilespmem:s24], [sflag:$0x2] =	stream.indirect.gather [hbm4b:s4+s22], $0x80, s25, s22, $0xb8;
	[tilespmem:$0x1F000] =	vst v63  }
0x4f: {  	_ =	swait.ge [sflag:s20], $0x2800  }
0x50: {  	[sflag:s20] =	ssyncset.done $0x0  }
0x51: {  	s1 =	simm.s32 $0x0;
	[sflag:s20] =	ssyncadd.s32 $0xFFFFD800  }
0x52: {  	[spmem:s2] =	stream.indirect.scatter.add.f32 [tilespmem:s18], [sflag:$0x3], $0x80, s1, s22, $0xb8;
	[tilespmem:$0x1F000] =	vst v63  }
0x53: {  	_ =	swait.ge [sflag:s19], $0x2800  }
0x54: {  	[sflag:s19] =	ssyncset.done $0x0  }
0x55: {  	s23 =	simm.s32 $0x40A0;
	[sflag:s19] =	ssyncadd.s32 $0xFFFFD800  }
0x56: {  	[tilespmem:s18], [sflag:$0x1] =	stream.indirect.gather [hbm4b:s4+s22], $0x80, s23, s22, $0xb8;
	[tilespmem:$0x1F000] =	vst v63  }
0x57: {  	_ =	swait.ge [sflag:s21], $0x2800  }
0x58: {  	[sflag:s21] =	ssyncset.done $0x0  }
0x59: {  	s25 =	simm.s32 $0x80;
	[sflag:s21] =	ssyncadd.s32 $0xFFFFD800  }
0x5a: {  	[spmem:s2] =	stream.indirect.scatter.add.f32 [tilespmem:s24], [sflag:$0x3], $0x80, s25, s22, $0xb8;
	[tilespmem:$0x1F000] =	vst v63  }
0x5b: {  	_ =	swait.ge [sflag:s19], $0x2800  }
0x5c: {  	s31 =	simm.s32 $0x40F0;
	[sflag:s19] =	ssyncset.done $0x0  }
0x5d: {  	s0 =	simm.s32 $0x4190;
	s1 =	simm.s32 $0x400;
	[sflag:s19] =	ssyncadd.s32 $0xFFFFD800  }
.LBB2_4:
0x5e: {  	[tilespmem:s24], [sflag:$0x2] =	stream.indirect.gather [hbm4b:s4+s22], $0x80, s31, s22, $0xb8;
	[tilespmem:$0x1F000] =	vst v63  }
0x5f: {  	s23 =	smov.u32 s1;
	s31 =	smov.u32 s0  }
0x60: {  	p0 =	sne.s32 s1, $0xF000;
	s1 =	sadd.s32 $0x400, s1;
	_ =	swait.ge [sflag:s20], $0x2800  }
0x61: {  	[sflag:s20] =	ssyncset.done $0x0  }
0x62: {  	s23 =	sshra.s32 s23, $0x2;
	[sflag:s20] =	ssyncadd.s32 $0xFFFFD800  }
0x63: {  	[spmem:s2] =	stream.indirect.scatter.add.f32 [tilespmem:s18], [sflag:$0x3], $0x80, s23, s22, $0xb8;
	[tilespmem:$0x1F000] =	vst v63  }
0x64: {  	_ =	swait.ge [sflag:s19], $0x2800  }
0x65: {  	[sflag:s19] =	ssyncset.done $0x0  }
0x66: {  	s25 =	sadd.s32 $0xFFFFFFB0, s0;
	[sflag:s19] =	ssyncadd.s32 $0xFFFFD800  }
0x67: {  	[tilespmem:s18], [sflag:$0x1] =	stream.indirect.gather [hbm4b:s4+s22], $0x80, s25, s22, $0xb8;
	[tilespmem:$0x1F000] =	vst v63  }
0x68: {  	_ =	swait.ge [sflag:s21], $0x2800  }
0x69: {  	[sflag:s21] =	ssyncset.done $0x0  }
.Ltmp1:
0x6a: {  	s23 =	sadd.s32 $0x80, s23;
	[sflag:s21] =	ssyncadd.s32 $0xFFFFD800;
	(pc) =	sbr.rel @p0 .LBB2_4-.Ltmp1, $4  }
0x6b: {  	[spmem:s2] =	stream.indirect.scatter.add.f32 [tilespmem:s24], [sflag:$0x3], $0x80, s23, s22, $0xb8;
	[tilespmem:$0x1F000] =	vst v63  }
0x6c: {  	_ =	swait.ge [sflag:s19], $0x2800  }
0x6d: {  	[sflag:s19] =	ssyncset.done $0x0  }
0x6e: {  	s0 =	sadd.s32 $0xA0, s0;
	[sflag:s19] =	ssyncadd.s32 $0xFFFFD800  }
0x6f: {  	[tilespmem:s24], [sflag:$0x2] =	stream.indirect.gather [hbm4b:s4+s22], $0x80, s31, s22, $0xb8;
	[tilespmem:$0x1F000] =	vst v63  }
0x70: {  	_ =	swait.ge [sflag:s20], $0x2800  }
0x71: {  	[sflag:s20] =	ssyncset.done $0x0  }
0x72: {  	s0 =	simm.s32 $0x3D00;
	[sflag:s20] =	ssyncadd.s32 $0xFFFFD800  }
0x73: {  	[spmem:s2] =	stream.indirect.scatter.add.f32 [tilespmem:s18], [sflag:$0x3], $0x80, s0, s22, $0xb8;
	[tilespmem:$0x1F000] =	vst v63  }
0x74: {  	_ =	swait.ge [sflag:s19], $0x2800  }
0x75: {  	[sflag:s19] =	ssyncset.done $0x0  }
0x76: {  	[sflag:s19] =	ssyncadd.s32 $0xFFFFD800  }
0x77: {  	[tilespmem:s18], [sflag:$0x1] =	stream.indirect.gather [hbm4b:s4+s22], $0x80, s26, s22, $0xb8;
	[tilespmem:$0x1F000] =	vst v63  }
0x78: {  	_ =	swait.ge [sflag:s21], $0x2800  }
0x79: {  	[sflag:s21] =	ssyncset.done $0x0  }
0x7a: {  	[sflag:s21] =	ssyncadd.s32 $0xFFFFD800  }
0x7b: {  	[spmem:s2] =	stream.indirect.scatter.add.f32 [tilespmem:s24], [sflag:$0x3], $0x80, s28, s22, $0xb8;
	[tilespmem:$0x1F000] =	vst v63  }
0x7c: {  	_ =	swait.ge [sflag:s19], $0x2800  }
0x7d: {  	[sflag:s19] =	ssyncset.done $0x0  }
0x7e: {  	[sflag:s19] =	ssyncadd.s32 $0xFFFFD800  }
0x7f: {  	_ =	swait.ge [sflag:s20], $0x2800  }
0x80: {  	[sflag:s20] =	ssyncset.done $0x0  }
0x81: {  	[sflag:s20] =	ssyncadd.s32 $0xFFFFD800  }
0x82: {  	[spmem:s2] =	stream.indirect.scatter.add.f32 [tilespmem:s18], [sflag:$0x3], $0x80, s29, s22, $0xb8;
	[tilespmem:$0x1F000] =	vst v63  }
0x83: {  	s31 =	stileid.u32;
	_ =	swait.ge [sflag:s19], $0x2800  }
0x84: {  	s1 =	sshrl.u32 s5, $0x3;
	s30 =	sadd.s32 $0x1, s30;
	[sflag:s19] =	ssyncset.done $0x0  }
0x85: {  	p0 =	sne.s32 s30, s16;
	s0 =	sshll.u32 s31, $0x6;
	[sflag:s19] =	ssyncadd.s32 $0xFFFFD800  }
.Ltmp2:
0x86: {  	s0 =	sor.u32 $0x1C03, s0;
	[bflag:$0x0] =	sbarrier.arrive $0xFFFF;
	(pc) =	sbr.rel @p0 .LBB2_1-.Ltmp2, $4  }
0x87: {  	[hbm:s15], [sflag:s0] =	dma.local [spmem:s1], $0x2800  }
0x88: {  	_ =	swait.ge [sflag:s19], $0x2800  }
0x89: {  	[sflag:s19] =	ssyncset.done $0x0  }
0x8a: {  	[sflag:s19] =	ssyncadd.s32 $0xFFFFD800  }
0x8b: {  	_ =	sfence.sel $0x180000  }
0x8c: {  	[bflag:$0x0] =	sbarrier.arrive $0xFFFF  }
0x8d: {  	_ =	strace $0x9000004A  }
0x8e: {  	s0 =	stileid.u32;
	[bflag:$0x2] =	sbarrier.arrive $0xFFFF  }
0x8f: {  	p0 =	sne.s32 s0, $0x0;
	s0 =	rddreg [dreg:$0x3]  }
0x90: {  	s0 =	sadd.s32 @!p0 $0x100000, s0  }
0x91: {  	[sflag:s0] =	ssyncadd.tile.s32 @!p0 $0x1;
	_ =	shalt  }
.Lfunc_end2:
_tile_overlayer_lowered:
.L_overlay_start_2:
0x92: {  	(tag) =	ssettag $0x2  }
0x93: {  	s0 =	rddreg [dreg:$0x0];
	s2 =	stileid.u32  }
0x94: {  	s1 =	rddreg [dreg:$0x1];
	p0 =	sne.s32 s2, $0x0  }
0x95: {  	s3 =	rddreg [dreg:$0x2];
	[bflag:$0x3] =	sbarrier.arrive $0xFFFF;
	s2 =	simm.s32 @!p0 $0x1C03  }
0x96: {  	[timem:s3], [sflag:s2] =	dma.local @!p0 [hbm:s0], s1  }
0x97: {  	s0 =	simm.s32 @!p0 $0x3  }
0x98: {  	_ =	swait.ge @!p0 [sflag:s0], s1  }
0x99: {  	s1 =	ssub.s32 @!p0 $0x0, s1;
	[sflag:s0] =	ssyncset.done @!p0 $0x0  }
0x9a: {  	[sflag:s0] =	ssyncadd.s32 @!p0 s1  }
0x9b: {  	[bflag:$0x3] =	sbarrier.arrive $0xFFFF  }
0x9c: {  	_ =	shalt  }

// kernel: kernel.7.cloned.1.call-start
scs
__scs_entry_jumppad:
0x0: {  	(pc) =	sbr.rel $0x88, $3  }
0x1: {  	(tag) =	ssettag $0x0;
	lr =	simm.s32 $0x1  }
0x2: {  	[smem:$0x3F9B] =	sst lr;
	_ =	strace $0xD0000000  }
0x3: {  	_ = 	snop  }
0x4: {  	_ = 	snop  }
0x5: {  	_ = 	snop  }
0x6: {  	_ = 	snop  }
0x7: {  	_ = 	snop  }
__scs_overlays_trampoline_lowered:
0x8: {  	[smem:$0x3FAA] =	sst s0  }
0x9: {  	[smem:$0x3FAB] =	sst s1  }
0xa: {  	[smem:$0x3FAC] =	sst s2  }
0xb: {  	[smem:$0x3FAD] =	sst s3  }
0xc: {  	[smem:$0x3FAE] =	sst s4  }
0xd: {  	[smem:$0x3FAF] =	sst s5  }
0xe: {  	[smem:$0x3FB0] =	sst s6  }
0xf: {  	[smem:$0x3FB1] =	sst s7  }
0x10: {  	[smem:$0x3FB2] =	sst s8  }
0x11: {  	[smem:$0x3FB3] =	sst s9;
	s0 =	simm.s32 @!p0 $0x0  }
0x12: {  	s1 =	sld [smem:$0x3F99];
	s0 =	simm.s32 @p0 $0x1  }
0x13: {  	[smem:$0x3FB4] =	sst s0;
	s0 =	simm.s32 @!p1 $0x0  }
0x14: {  	s2 =	sld [smem:$0x3F98];
	s0 =	simm.s32 @p1 $0x1  }
0x15: {  	[smem:$0x3FB5] =	sst s0;
	s0 =	simm.s32 @!p2 $0x0  }
0x16: {  	s3 =	sld [smem:$0x3FDB];
	s0 =	simm.s32 @p2 $0x1  }
0x17: {  	s4 =	simm.s32 $0x1BF5;
	[smem:$0x3FB7] =	sst s0  }
0x18: {  	s0 =	sld [smem:$0x3F9A];
	_ =	swait.ge [sflag:s4], $0x0  }
0x19: {  	s7 =	sld [smem:$0x3F9B]  }
0x1a: {  	s8 =	sadd.s32 $0xFFFFE003, lr  }
0x1b: {  	s9 =	sadd.s32 $0xFFFFFEF7, lr;
	s5 =	simm.s32 $0xFFFFFFFF;
	p2 =	slt.u32 s8, $0xFFFFF086  }
0x1c: {  	p1 =	slt.u32 s9, $0xF7A;
	s5 =	simm.s32 @!p2 $0x0  }
0x1d: {  	s5 =	simm.s32 @p1 $0x1;
	p0 =	seq.s32 s7, s2  }
0x1e: {  	s7 =	smul.u32 @!p0 $0xF7A, s2;
	p2 =	seq.s32 @!p0 s5, $0x0  }
0x1f: {  	s9 =	smul.u32 $0xF7A, s1;
	s8 =	simm.s32 @!p0 $0x1BF5;
	p2 =	por !p2, p0  }
0x20: {  	[sflag:s8] =	ssyncset.s32 @!p0 $0xFFFFF086;
	s6 =	sadd.s32 @!p0 s3, s7;
	s7 =	simm.s32 @!p0 $0x108  }
0x21: {  	s3 =	sadd.s32 s3, s9;
	s6 =	sadd.s32 @!p0 $0x88, s6;
	s7 =	simm.s32 @p2 $0x1082  }
0x22: {  	[simem:s7], [sflag:s8] =	dma.local @!p0 [hbm:s6], $0xF7A  }
0x23: {  	s9 =	sor.u32 $0xD0000000, s2;
	s6 =	simm.s32 $0x108;
	_ =	swait.ge @!p0 [sflag:s8], $0x0  }
0x24: {  	s3 =	sadd.s32 $0x88, s3;
	s6 =	simm.s32 @!p1 $0x1082;
	[sflag:s4] =	ssyncset.s32 $0xFFFFF086  }
0x25: {  	[simem:s6], [sflag:s4] =	dma.local [hbm:s3], $0xF7A  }
0x26: {  	[smem:$0x3F9B] =	sst s1;
	(tag) =	ssettag s2;
	_ =	strace s9  }
0x27: {  	s1 =	sld [smem:$0x3FAB]  }
0x28: {  	s2 =	sld [smem:$0x3FAC]  }
0x29: {  	s4 =	sld [smem:$0x3FAE]  }
0x2a: {  	p0 =	seq.s32 s5, $0x0;
	s5 =	sld [smem:$0x3FAF]  }
0x2b: {  	s6 =	sld [smem:$0x3FB0]  }
0x2c: {  	s7 =	sld [smem:$0x3FB1]  }
0x2d: {  	s3 =	simm.s32 $0x108;
	s8 =	sld [smem:$0x3FB2]  }
0x2e: {  	s3 =	simm.s32 @!p0 $0x1082;
	s9 =	sld [smem:$0x3FB3]  }
0x2f: {  	lr =	sadd.s32 s0, s3;
	s0 =	sld [smem:$0x3FAA]  }
0x30: {  	s3 =	sld [smem:$0x3FAD]  }
0x31: {  	[smem:$0x3FB6] =	sst s10  }
0x32: {  	s10 =	sld [smem:$0x3FB4];
	_ =	sdelay $0x3  }
0x33: {  	p0 =	seq.s32 s10, $0x1;
	s10 =	sld [smem:$0x3FB6];
	_ =	sdelay $0x3  }
0x34: {  	[smem:$0x3FB6] =	sst s10  }
0x35: {  	s10 =	sld [smem:$0x3FB5];
	_ =	sdelay $0x3  }
0x36: {  	p1 =	seq.s32 s10, $0x1;
	s10 =	sld [smem:$0x3FB6];
	_ =	sdelay $0x3  }
0x37: {  	[smem:$0x3FB6] =	sst s10  }
0x38: {  	s10 =	sld [smem:$0x3FB7]  }
0x39: {  	_ = 	snop;
	(pc) =	sbr.ind lr, $3  }
0x3a: {  	_ = 	snop  }
0x3b: {  	_ = 	snop  }
0x3c: {  	p2 =	seq.s32 s10, $0x1;
	s10 =	sld [smem:$0x3FB6]  }
0x3d: {  	_ =	shalt  }
0x3e: {  	_ =	shalt  }
0x3f: {  	_ =	shalt  }
0x40: {  	_ =	shalt  }
0x41: {  	_ =	shalt  }
0x42: {  	_ =	shalt  }
0x43: {  	_ =	shalt  }
0x44: {  	_ =	shalt  }
0x45: {  	_ =	shalt  }
0x46: {  	_ =	shalt  }
0x47: {  	_ =	shalt  }
0x48: {  	_ =	shalt  }
0x49: {  	_ =	shalt  }
0x4a: {  	_ =	shalt  }
0x4b: {  	_ =	shalt  }
0x4c: {  	_ =	shalt  }
0x4d: {  	_ =	shalt  }
0x4e: {  	_ =	shalt  }
0x4f: {  	_ =	shalt  }
0x50: {  	_ =	shalt  }
0x51: {  	_ =	shalt  }
0x52: {  	_ =	shalt  }
0x53: {  	_ =	shalt  }
0x54: {  	_ =	shalt  }
0x55: {  	_ =	shalt  }
0x56: {  	_ =	shalt  }
0x57: {  	_ =	shalt  }
0x58: {  	_ =	shalt  }
0x59: {  	_ =	shalt  }
0x5a: {  	_ =	shalt  }
0x5b: {  	_ =	shalt  }
0x5c: {  	_ =	shalt  }
0x5d: {  	_ =	shalt  }
0x5e: {  	_ =	shalt  }
0x5f: {  	_ =	shalt  }
0x60: {  	_ =	shalt  }
0x61: {  	_ =	shalt  }
0x62: {  	_ =	shalt  }
0x63: {  	_ =	shalt  }
0x64: {  	_ =	shalt  }
0x65: {  	_ =	shalt  }
0x66: {  	_ =	shalt  }
0x67: {  	_ =	shalt  }
0x68: {  	_ =	shalt  }
0x69: {  	_ =	shalt  }
0x6a: {  	_ =	shalt  }
0x6b: {  	_ =	shalt  }
0x6c: {  	_ =	shalt  }
0x6d: {  	_ =	shalt  }
0x6e: {  	_ =	shalt  }
0x6f: {  	_ =	shalt  }
0x70: {  	_ =	shalt  }
0x71: {  	_ =	shalt  }
0x72: {  	_ =	shalt  }
0x73: {  	_ =	shalt  }
0x74: {  	_ =	shalt  }
0x75: {  	_ =	shalt  }
0x76: {  	_ =	shalt  }
0x77: {  	_ =	shalt  }
0x78: {  	_ =	shalt  }
0x79: {  	_ =	shalt  }
0x7a: {  	_ =	shalt  }
0x7b: {  	_ =	shalt  }
0x7c: {  	_ =	shalt  }
0x7d: {  	_ =	shalt  }
0x7e: {  	_ =	shalt  }
0x7f: {  	_ =	shalt  }
0x80: {  	_ =	shalt  }
0x81: {  	_ =	shalt  }
0x82: {  	_ =	shalt  }
0x83: {  	_ =	shalt  }
0x84: {  	_ =	shalt  }
0x85: {  	_ =	shalt  }
0x86: {  	_ =	shalt  }
0x87: {  	_ =	shalt  }
.Lfunc_end0:
.L_simem_size_0:
called_computation_lowered:
.L_overlay_start_0:
0x88: {  	s2 =	sld [smem:$0x3FD9]  }
0x89: {  	s3 =	sld [smem:$0x3FFE];
	_ =	sdelay $0x1  }
0x8a: {  	s1 =	srdreg.scid  }
0x8b: {  	s0 =	sand.u32 $0x1, s1  }
0x8c: {  	s17 =	sshll.u32 s0, $0xA;
	s2 =	sadd.s32 s3, s2  }
0x8d: {  	s2 =	sadd.s32 s2, s17  }
0x8e: {  	[smem:$0x3FC2] =	sst s2  }
0x8f: {  	_ = 	snop  }
0x90: {  	s2 =	sld [smem:$0x3FD0];
	(tm) =	ssettm $0x1  }
0x91: {  	s18 =	sld [smem:$0x3FFB];
	_ =	sdelay $0x3  }
0x92: {  	_ =	strace s18  }
0x93: {  	s3 =	sld [smem:$0x3FFC];
	_ =	sdelay $0x3  }
0x94: {  	_ =	strace s3  }
0x95: {  	s3 =	sld [smem:$0x3FFD];
	_ =	sdelay $0x3  }
0x96: {  	_ =	strace s3  }
0x97: {  	_ =	strace $0x8FFFFFFF  }
0x98: {  	s19 =	sld [smem:$0x3FDB];
	_ =	sdelay $0x1  }
0x99: {  	s4 =	simm.s32 $_scs_section_size  }
0x9a: {  	s5 =	simm.s32 $_size__tile_overlayer_lowered;
	s6 =	simm.s32 $_tile_overlayer_lowered  }
0x9b: {  	s22 =	simm.s32 $0x1BFF;
	s21 =	sshll.u32 s6, $0x1;
	s3 =	sadd.s32 s4, s19  }
0x9c: {  	s7 =	simm.s32 $0x0;
	s20 =	sshll.u32 s5, $0x1;
	s5 =	sadd.s32 s21, s3  }
0x9d: {  	[timem:s7], [sflag:s22] =	dma.local [hbm:s5], s20  }
0x9e: {  	_ =	swait.ge [sflag:s22], s20  }
0x9f: {  	s4 =	ssub.s32 $0x0, s20;
	[sflag:s22] =	ssyncset.done $0x0  }
0xa0: {  	[sflag:s22] =	ssyncadd.s32 s4;
	_ =	sdelay $0x1  }
0xa1: {  	s23 =	simm.s32 $0x1B8B  }
0xa2: {  	_ =	swait.ge [sflag:s23], $0x1  }
0xa3: {  	[sflag:s23] =	ssyncset.done $0x0  }
0xa4: {  	s25 =	simm.s32 $0x1B8E;
	s24 =	sld [smem:$0x3FFE];
	[sflag:s23] =	ssyncadd.s32 $0xFFFFFFFF  }
0xa5: {  	s26 =	simm.s32 $execute0_lowered;
	[smem:$0x3FD2] =	sst s25  }
0xa6: {  	s5 =	sshll.u32 s26, $0x1;
	_ =	strace $0x80000046;
	[dreg:$0x1] =	wrdreg $0xFFFFFFFF  }
0xa7: {  	s28 =	simm.s32 $_size_execute0_lowered;
	s3 =	sadd.s32 s3, s5;
	[dreg:$0x0] =	wrdreg $0x0  }
0xa8: {  	s5 =	sshll.u32 s28, $0x1;
	[dreg:$0x2] =	wrdreg s3  }
0xa9: {  	[dreg:$0x3] =	wrdreg s5  }
0xaa: {  	[dreg:$0x4] =	wrdreg $0xC0  }
0xab: {  	_ =	task [dreg:s7], $0x5FFFF  }
0xac: {  	[dreg:$0x1] =	wrdreg $0xFFFFFFFF  }
0xad: {  	[dreg:$0x0] =	wrdreg $0x60  }
0xae: {  	[dreg:$0x2] =	wrdreg s24  }
0xaf: {  	[dreg:$0x3] =	wrdreg s2  }
0xb0: {  	[dreg:$0x4] =	wrdreg $0xB7800  }
0xb1: {  	[dreg:$0x5] =	wrdreg $0x9  }
0xb2: {  	_ =	task.clear_ibuf [dreg:s7], $0x6FFFF;
	_ =	strace $0x90000046  }
0xb3: {  	s29 =	simm.s32 $0x9;
	_ =	strace $0x80000048  }
0xb4: {  	_ =	swait.ge [sflag:s29], $0x1  }
0xb5: {  	[sflag:s29] =	ssyncadd.s32 $0xFFFFFFFF  }
0xb6: {  	_ =	strace $0x90000048  }
0xb7: {  	_ =	sfence  }
0xb8: {  	s30 =	sld [smem:$0x0];
	_ =	sdelay $0x2  }
0xb9: {  	s31 =	sshll.u32 s1, $0xD;
	s1 =	sshrl.u32 s1, $0x2  }
0xba: {  	s3 =	sand.u32 $0x4000, s31;
	s1 =	sadd.s32 s1, s30  }
0xbb: {  	s0 =	sor.u32 s3, s0;
	s1 =	sshll.u32 s1, $0x11  }
0xbc: {  	s0 =	sor.u32 s1, s0  }
0xbd: {  	s0 =	sadd.s32 $0x8F2B, s0  }
0xbe: {  	[sflag:s0] =	ssyncadd.remote.s32 $0x1  }
0xbf: {  	_ =	sfence.sel $0xFFFF  }
0xc0: {  	[dreg:$0x0] =	wrdreg $0xFFFFFFFF;
	(pc) =	sbr.abs _section_cstart, $3  }
0xc1: {  	[dreg:$0x1] =	wrdreg $0xFFFFFFFF  }
0xc2: {  	_ =	task.clear_ibuf [dreg:s7], $0x2FFFF;
	_ =	strace $0x9FFFFFFF  }
0xc3: {  	(tm) =	ssettm $0x7FFFFFFF  }
tec
execute0_lowered:
.L_overlay_start_1:
0x0: {  	(tag) =	ssettag $0x1  }
0x1: {  	s0 =	srdreg.scid;
	s1 =	rddreg [dreg:$0x0]  }
0x2: {  	s10 =	stileid.u32;
	s7 =	rddreg [dreg:$0x1];
	s3 =	simm.s32 $0x0  }
0x3: {  	s17 =	simm.s32 $0x4000;
	s18 =	simm.s32 $0x6780;
	s19 =	simm.s32 $0x3  }
0x4: {  	s20 =	simm.s32 $0x1;
	s21 =	simm.s32 $0x2;
	s22 =	simm.s32 $0x50  }
0x5: {  	s24 =	simm.s32 $0x8F80;
	s28 =	simm.s32 $0x3D80;
	s29 =	simm.s32 $0x3E00  }
0x6: {  	s30 =	simm.s32 $0x0;
	s0 =	sand.u32 $0x1, s0;
	s8 =	smul.u32 $0x2700, s10  }
0x7: {  	[smem:$0x7FF] =	sst s3;
	s4 =	sadd.s32 $0x1400, s1;
	s2 =	sshll.u32 s0, $0x4  }
0x8: {  	s9 =	smul.u32 $0x27100, s0;
	s0 =	ssub.s32 $0x2, s0;
	s5 =	sor.u32 s10, s2  }
0x9: {  	s2 =	rddreg [dreg:$0x2];
	_ =	strace $0x80000047;
	s10 =	smul.u32 $0x4E000, s10  }
0xa: {  	s25 =	sshrl.u32 s0, $0x1;
	s6 =	smul.u32 $0x4E2, s5;
	s8 =	sadd.s32 s8, s9  }
0xb: {  	s0 =	ssub.s32 s0, s25;
	s31 =	sshll.u32 s5, $0xB;
	s26 =	sshrl.u32 s10, $0x2  }
0xc: {  	s7 =	sadd.s32 s7, s31;
	s16 =	smax.u32 s0, $0x1;
	s6 =	sadd.s32 s6, s1  }
0xd: {  	s1 =	sadd.s32 s8, s1;
	s5 =	sadd.s32 s26, s2;
	s26 =	simm.s32 $0x66C0  }
0xe: {  	s6 =	sadd.s32 $0x160E00, s6;
	s8 =	sadd.s32 $0x2800, s5;
	s9 =	sadd.s32 $0x5000, s5  }
0xf: {  	s10 =	sadd.s32 $0x7800, s5;
	s11 =	sadd.s32 $0xA000, s5;
	s12 =	sadd.s32 $0xC800, s5  }
0x10: {  	v0 =	vimm.f32 $0.0e+00;
	s13 =	sadd.s32 $0xF000, s5;
	s14 =	sadd.s32 $0x11800, s5;
	s15 =	sadd.s32 $0x16AC00, s1  }
.LBB2_1:
0x11: {  	[tilespmem:s17], [sflag:$0x1] =	stream.linear.gather [hbm4b:s6+s3], $0x2710, $0x38;
	[tilespmem:$0x1F000] =	vst v63  }
0x12: {  	s0 =	simm.s32 $0x0;
	s1 =	simm.s32 $0x200  }
0x13: {  	[tilespmem:s3], [sflag:$0x2] =	stream.linear.gather [hbm4b:s7+s3], $0x3E80, $0x38;
	[tilespmem:$0x1F000] =	vst v63  }
.LBB2_2:
0x14: {  	p0 =	sne.s32 s1, $0x9E00;
	[tilespmem:s0+$0x67F0] =	vst v0  }
0x15: {  	[tilespmem:s0+$0x6780] =	vst v0  }
0x16: {  	[tilespmem:s0+$0x6790] =	vst v0  }
.Ltmp0:
0x17: {  	[tilespmem:s0+$0x67A0] =	vst v0;
	(pc) =	sbr.rel @p0 .LBB2_2-.Ltmp0, $4  }
0x18: {  	[tilespmem:s0+$0x67B0] =	vst v0  }
0x19: {  	[tilespmem:s0+$0x67C0] =	vst v0  }
0x1a: {  	[tilespmem:s0+$0x67D0] =	vst v0  }
0x1b: {  	[tilespmem:s0+$0x67E0] =	vst v0;
	s0 =	sshra.s32 s1, $0x2;
	s1 =	sadd.s32 $0x200, s1  }
0x1c: {  	[tilespmem:s0+$0x67F0] =	vst v0  }
0x1d: {  	[tilespmem:s0+$0x6780] =	vst v0  }
0x1e: {  	[tilespmem:s0+$0x6790] =	vst v0  }
0x1f: {  	[tilespmem:s0+$0x67A0] =	vst v0  }
0x20: {  	[tilespmem:s0+$0x67B0] =	vst v0  }
0x21: {  	[tilespmem:s0+$0x67C0] =	vst v0  }
0x22: {  	[tilespmem:s0+$0x67D0] =	vst v0  }
0x23: {  	[tilespmem:s0+$0x67E0] =	vst v0  }
0x24: {  	[spmem:s5] =	stream.linear.scatter [tilespmem:s18], [sflag:$0x3], $0x2800, $0x38;
	[tilespmem:$0x1F000] =	vst v63  }
0x25: {  	_ =	swait.ge [sflag:s19], $0x2800  }
0x26: {  	[sflag:s19] =	ssyncset.done $0x0  }
0x27: {  	[sflag:s19] =	ssyncadd.s32 $0xFFFFD800  }
0x28: {  	[spmem:s8] =	stream.linear.scatter [tilespmem:s18], [sflag:$0x3], $0x2800, $0x38;
	[tilespmem:$0x1F000] =	vst v63  }
0x29: {  	_ =	swait.ge [sflag:s19], $0x2800  }
0x2a: {  	[sflag:s19] =	ssyncset.done $0x0  }
0x2b: {  	[sflag:s19] =	ssyncadd.s32 $0xFFFFD800  }
0x2c: {  	[spmem:s9] =	stream.linear.scatter [tilespmem:s18], [sflag:$0x3], $0x2800, $0x38;
	[tilespmem:$0x1F000] =	vst v63  }
0x2d: {  	_ =	swait.ge [sflag:s19], $0x2800  }
0x2e: {  	[sflag:s19] =	ssyncset.done $0x0  }
0x2f: {  	[sflag:s19] =	ssyncadd.s32 $0xFFFFD800  }
0x30: {  	[spmem:s10] =	stream.linear.scatter [tilespmem:s18], [sflag:$0x3], $0x2800, $0x38;
	[tilespmem:$0x1F000] =	vst v63  }
0x31: {  	_ =	swait.ge [sflag:s19], $0x2800  }
0x32: {  	[sflag:s19] =	ssyncset.done $0x0  }
0x33: {  	[sflag:s19] =	ssyncadd.s32 $0xFFFFD800  }
0x34: {  	[spmem:s11] =	stream.linear.scatter [tilespmem:s18], [sflag:$0x3], $0x2800, $0x38;
	[tilespmem:$0x1F000] =	vst v63  }
0x35: {  	_ =	swait.ge [sflag:s19], $0x2800  }
0x36: {  	[sflag:s19] =	ssyncset.done $0x0  }
0x37: {  	[sflag:s19] =	ssyncadd.s32 $0xFFFFD800  }
0x38: {  	[spmem:s12] =	stream.linear.scatter [tilespmem:s18], [sflag:$0x3], $0x2800, $0x38;
	[tilespmem:$0x1F000] =	vst v63  }
0x39: {  	_ =	swait.ge [sflag:s19], $0x2800  }
0x3a: {  	[sflag:s19] =	ssyncset.done $0x0  }
0x3b: {  	[sflag:s19] =	ssyncadd.s32 $0xFFFFD800  }
0x3c: {  	[spmem:s13] =	stream.linear.scatter [tilespmem:s18], [sflag:$0x3], $0x2800, $0x38;
	[tilespmem:$0x1F000] =	vst v63  }
0x3d: {  	_ =	swait.ge [sflag:s19], $0x2800  }
0x3e: {  	[sflag:s19] =	ssyncset.done $0x0  }
0x3f: {  	[sflag:s19] =	ssyncadd.s32 $0xFFFFD800  }
0x40: {  	[spmem:s14] =	stream.linear.scatter [tilespmem:s18], [sflag:$0x3], $0x2800, $0x38;
	[tilespmem:$0x1F000] =	vst v63  }
0x41: {  	_ =	swait.ge [sflag:s19], $0x2800  }
0x42: {  	[sflag:s19] =	ssyncset.done $0x0  }
0x43: {  	[sflag:s19] =	ssyncadd.s32 $0xFFFFD800  }
0x44: {  	_ =	swait.ge [sflag:s20], $0x2710  }
0x45: {  	[sflag:s20] =	ssyncset.done $0x0  }
0x46: {  	[sflag:s20] =	ssyncadd.s32 $0xFFFFD8F0  }
0x47: {  	_ =	swait.ge [sflag:s21], $0x3E80  }
0x48: {  	[sflag:s21] =	ssyncset.done $0x0  }
0x49: {  	[sflag:s21] =	ssyncadd.s32 $0xFFFFC180  }
0x4a: {  	[bflag:$0x0] =	sbarrier.arrive $0xFFFF  }
0x4b: {  	[tilespmem:s18], [sflag:$0x1] =	stream.indirect.gather [hbm4b:s4+s22], $0x80, s17, s22, $0xb8;
	[tilespmem:$0x1F000] =	vst v63  }
0x4c: {  	s25 =	simm.s32 $0x4050  }
0x4d: {  	[tilespmem:s24], [sflag:$0x2] =	stream.indirect.gather [hbm4b:s4+s22], $0x80, s25, s22, $0xb8;
	[tilespmem:$0x1F000] =	vst v63  }
0x4e: {  	_ =	swait.ge [sflag:s20], $0x2800  }
0x4f: {  	[sflag:s20] =	ssyncset.done $0x0  }
0x50: {  	s1 =	simm.s32 $0x0;
	[sflag:s20] =	ssyncadd.s32 $0xFFFFD800  }
0x51: {  	[spmem:s2] =	stream.indirect.scatter.add.f32 [tilespmem:s18], [sflag:$0x3], $0x80, s1, s22, $0xb8;
	[tilespmem:$0x1F000] =	vst v63  }
0x52: {  	_ =	swait.ge [sflag:s19], $0x2800  }
0x53: {  	[sflag:s19] =	ssyncset.done $0x0  }
0x54: {  	s23 =	simm.s32 $0x40A0;
	[sflag:s19] =	ssyncadd.s32 $0xFFFFD800  }
0x55: {  	[tilespmem:s18], [sflag:$0x1] =	stream.indirect.gather [hbm4b:s4+s22], $0x80, s23, s22, $0xb8;
	[tilespmem:$0x1F000] =	vst v63  }
0x56: {  	_ =	swait.ge [sflag:s21], $0x2800  }
0x57: {  	[sflag:s21] =	ssyncset.done $0x0  }
0x58: {  	s25 =	simm.s32 $0x80;
	[sflag:s21] =	ssyncadd.s32 $0xFFFFD800  }
0x59: {  	[spmem:s2] =	stream.indirect.scatter.add.f32 [tilespmem:s24], [sflag:$0x3], $0x80, s25, s22, $0xb8;
	[tilespmem:$0x1F000] =	vst v63  }
0x5a: {  	_ =	swait.ge [sflag:s19], $0x2800  }
0x5b: {  	s31 =	simm.s32 $0x40F0;
	[sflag:s19] =	ssyncset.done $0x0  }
0x5c: {  	s0 =	simm.s32 $0x4190;
	s1 =	simm.s32 $0x400;
	[sflag:s19] =	ssyncadd.s32 $0xFFFFD800  }
.LBB2_4:
0x5d: {  	[tilespmem:s24], [sflag:$0x2] =	stream.indirect.gather [hbm4b:s4+s22], $0x80, s31, s22, $0xb8;
	[tilespmem:$0x1F000] =	vst v63  }
0x5e: {  	s23 =	smov.u32 s1;
	s31 =	smov.u32 s0  }
0x5f: {  	p0 =	sne.s32 s1, $0xF000;
	s1 =	sadd.s32 $0x400, s1;
	_ =	swait.ge [sflag:s20], $0x2800  }
0x60: {  	[sflag:s20] =	ssyncset.done $0x0  }
0x61: {  	s23 =	sshra.s32 s23, $0x2;
	[sflag:s20] =	ssyncadd.s32 $0xFFFFD800  }
0x62: {  	[spmem:s2] =	stream.indirect.scatter.add.f32 [tilespmem:s18], [sflag:$0x3], $0x80, s23, s22, $0xb8;
	[tilespmem:$0x1F000] =	vst v63  }
0x63: {  	_ =	swait.ge [sflag:s19], $0x2800  }
0x64: {  	[sflag:s19] =	ssyncset.done $0x0  }
0x65: {  	s25 =	sadd.s32 $0xFFFFFFB0, s0;
	[sflag:s19] =	ssyncadd.s32 $0xFFFFD800  }
0x66: {  	[tilespmem:s18], [sflag:$0x1] =	stream.indirect.gather [hbm4b:s4+s22], $0x80, s25, s22, $0xb8;
	[tilespmem:$0x1F000] =	vst v63  }
0x67: {  	_ =	swait.ge [sflag:s21], $0x2800  }
0x68: {  	[sflag:s21] =	ssyncset.done $0x0  }
.Ltmp1:
0x69: {  	s23 =	sadd.s32 $0x80, s23;
	[sflag:s21] =	ssyncadd.s32 $0xFFFFD800;
	(pc) =	sbr.rel @p0 .LBB2_4-.Ltmp1, $4  }
0x6a: {  	[spmem:s2] =	stream.indirect.scatter.add.f32 [tilespmem:s24], [sflag:$0x3], $0x80, s23, s22, $0xb8;
	[tilespmem:$0x1F000] =	vst v63  }
0x6b: {  	_ =	swait.ge [sflag:s19], $0x2800  }
0x6c: {  	[sflag:s19] =	ssyncset.done $0x0  }
0x6d: {  	s0 =	sadd.s32 $0xA0, s0;
	[sflag:s19] =	ssyncadd.s32 $0xFFFFD800  }
0x6e: {  	[tilespmem:s24], [sflag:$0x2] =	stream.indirect.gather [hbm4b:s4+s22], $0x80, s31, s22, $0xb8;
	[tilespmem:$0x1F000] =	vst v63  }
0x6f: {  	_ =	swait.ge [sflag:s20], $0x2800  }
0x70: {  	[sflag:s20] =	ssyncset.done $0x0  }
0x71: {  	s0 =	simm.s32 $0x3D00;
	[sflag:s20] =	ssyncadd.s32 $0xFFFFD800  }
0x72: {  	[spmem:s2] =	stream.indirect.scatter.add.f32 [tilespmem:s18], [sflag:$0x3], $0x80, s0, s22, $0xb8;
	[tilespmem:$0x1F000] =	vst v63  }
0x73: {  	_ =	swait.ge [sflag:s19], $0x2800  }
0x74: {  	[sflag:s19] =	ssyncset.done $0x0  }
0x75: {  	[sflag:s19] =	ssyncadd.s32 $0xFFFFD800  }
0x76: {  	[tilespmem:s18], [sflag:$0x1] =	stream.indirect.gather [hbm4b:s4+s22], $0x80, s26, s22, $0xb8;
	[tilespmem:$0x1F000] =	vst v63  }
0x77: {  	_ =	swait.ge [sflag:s21], $0x2800  }
0x78: {  	[sflag:s21] =	ssyncset.done $0x0  }
0x79: {  	[sflag:s21] =	ssyncadd.s32 $0xFFFFD800  }
0x7a: {  	[spmem:s2] =	stream.indirect.scatter.add.f32 [tilespmem:s24], [sflag:$0x3], $0x80, s28, s22, $0xb8;
	[tilespmem:$0x1F000] =	vst v63  }
0x7b: {  	_ =	swait.ge [sflag:s19], $0x2800  }
0x7c: {  	[sflag:s19] =	ssyncset.done $0x0  }
0x7d: {  	[sflag:s19] =	ssyncadd.s32 $0xFFFFD800  }
0x7e: {  	_ =	swait.ge [sflag:s20], $0x2800  }
0x7f: {  	[sflag:s20] =	ssyncset.done $0x0  }
0x80: {  	[sflag:s20] =	ssyncadd.s32 $0xFFFFD800  }
0x81: {  	[spmem:s2] =	stream.indirect.scatter.add.f32 [tilespmem:s18], [sflag:$0x3], $0x80, s29, s22, $0xb8;
	[tilespmem:$0x1F000] =	vst v63  }
0x82: {  	s31 =	stileid.u32;
	_ =	swait.ge [sflag:s19], $0x2800  }
0x83: {  	s1 =	sshrl.u32 s5, $0x3;
	s30 =	sadd.s32 $0x1, s30;
	[sflag:s19] =	ssyncset.done $0x0  }
0x84: {  	p0 =	sne.s32 s30, s16;
	s0 =	sshll.u32 s31, $0x6;
	[sflag:s19] =	ssyncadd.s32 $0xFFFFD800  }
.Ltmp2:
0x85: {  	s0 =	sor.u32 $0x1C03, s0;
	[bflag:$0x0] =	sbarrier.arrive $0xFFFF;
	(pc) =	sbr.rel @p0 .LBB2_1-.Ltmp2, $4  }
0x86: {  	[hbm:s15], [sflag:s0] =	dma.local [spmem:s1], $0x2800  }
0x87: {  	_ =	swait.ge [sflag:s19], $0x2800  }
0x88: {  	[sflag:s19] =	ssyncset.done $0x0  }
0x89: {  	[sflag:s19] =	ssyncadd.s32 $0xFFFFD800  }
0x8a: {  	_ =	sfence.sel $0x180000  }
0x8b: {  	[bflag:$0x0] =	sbarrier.arrive $0xFFFF  }
0x8c: {  	_ =	strace $0x90000047  }
0x8d: {  	s0 =	stileid.u32;
	[bflag:$0x2] =	sbarrier.arrive $0xFFFF  }
0x8e: {  	p0 =	sne.s32 s0, $0x0;
	s0 =	rddreg [dreg:$0x3]  }
0x8f: {  	s0 =	sadd.s32 @!p0 $0x100000, s0  }
0x90: {  	[sflag:s0] =	ssyncadd.tile.s32 @!p0 $0x1;
	_ =	shalt  }
.Lfunc_end2:
_tile_overlayer_lowered:
.L_overlay_start_2:
0x91: {  	(tag) =	ssettag $0x2  }
0x92: {  	s0 =	rddreg [dreg:$0x0];
	s2 =	stileid.u32  }
0x93: {  	s1 =	rddreg [dreg:$0x1];
	p0 =	sne.s32 s2, $0x0  }
0x94: {  	s3 =	rddreg [dreg:$0x2];
	[bflag:$0x3] =	sbarrier.arrive $0xFFFF;
	s2 =	simm.s32 @!p0 $0x1C03  }
0x95: {  	[timem:s3], [sflag:s2] =	dma.local @!p0 [hbm:s0], s1  }
0x96: {  	s0 =	simm.s32 @!p0 $0x3  }
0x97: {  	_ =	swait.ge @!p0 [sflag:s0], s1  }
0x98: {  	s1 =	ssub.s32 @!p0 $0x0, s1;
	[sflag:s0] =	ssyncset.done @!p0 $0x0  }
0x99: {  	[sflag:s0] =	ssyncadd.s32 @!p0 s1  }
0x9a: {  	[bflag:$0x3] =	sbarrier.arrive $0xFFFF  }
0x9b: {  	_ =	shalt  }

</sc_bundles>
